<compile_context>
chip_gen: v7x
topology: tpu7x:2x2x1
jax: 0.10.2.dev20260603
libtpu: 0.0.44.dev20260713+nightly
codegen_flags: <defaults>
</compile_context>

<pallas_src>
import functools

import jax
import jax.numpy as jnp
from jax import lax
from jax.experimental import pallas as pl
from jax.experimental.pallas import tpu as pltpu
from jax.experimental.pallas import tpu_sc as plsc

_N, _D, _E = 10000, 128, 320000
_NC, _NS = 2, 16
_NW = _NC * _NS
_EPW = _E // _NW
_CH = 80
_NFULL = _EPW // _CH
_WR = 624
_WREM = _N - _NS * _WR

_mesh = plsc.VectorSubcoreMesh(
    core_axis_name="c", subcore_axis_name="s", num_cores=_NC, num_subcores=_NS)


_NB = 3
_NG = _NFULL // _NB - 1


@functools.partial(
    pl.kernel,
    out_type=jax.ShapeDtypeStruct((_NC, _N, _D), jnp.float32),
    mesh=_mesh,
    scratch_types=[
        pltpu.VMEM((_EPW,), jnp.int32),
        pltpu.VMEM((_CH,), jnp.int32),
        pltpu.VMEM((_CH,), jnp.int32),
        pltpu.VMEM((_CH,), jnp.int32),
        pltpu.VMEM((_CH, _D), jnp.float32),
        pltpu.VMEM((_CH, _D), jnp.float32),
        pltpu.VMEM((_CH, _D), jnp.float32),
        pltpu.VMEM_SHARED((_N, _D), jnp.float32),
        pltpu.SemaphoreType.DMA,
        pltpu.SemaphoreType.DMA,
        pltpu.SemaphoreType.DMA,
        pltpu.SemaphoreType.DMA,
        pltpu.SemaphoreType.DMA,
        pltpu.SemaphoreType.DMA,
        pltpu.SemaphoreType.DMA,
        pltpu.SemaphoreType.DMA,
        pltpu.SemaphoreType.DMA,
    ],
)
def _sc_scatter(z_hbm, src_hbm, dst_hbm, out_hbm,
                src_all, d0, d1, d2, r0, r1, r2, acc,
                g0, g1, g2, c0, c1, c2, e0, e1, e2):
    dch = (d0, d1, d2)
    rows = (r0, r1, r2)
    gsem = (g0, g1, g2)
    ssem = (c0, c1, c2)
    dsem = (e0, e1, e2)
    cid = lax.axis_index("c")
    sid = lax.axis_index("s")
    wid = cid * _NS + sid
    ebase = wid * _EPW

    pltpu.async_copy(src_hbm.at[pl.ds(ebase, _EPW)], src_all, g0)

    def zrow(r, _):
        for c in range(_D // 16):
            r0[r, pl.ds(c * 16, 16)] = jnp.zeros((16,), jnp.float32)
        return 0
    lax.fori_loop(0, _CH, zrow, 0)

    for k in range(_WR // _CH):
        pltpu.async_copy(r0, acc.at[pl.ds(sid * _WR + k * _CH, _CH)], g2)
    _ZT = _WR - (_WR // _CH) * _CH
    pltpu.async_copy(r0.at[pl.ds(0, _ZT)],
                     acc.at[pl.ds(sid * _WR + _WR - _ZT, _ZT)], g2)

    @pl.when(sid == 0)
    def _():
        pltpu.sync_copy(r0.at[pl.ds(0, _WREM)],
                        acc.at[pl.ds(_NS * _WR, _WREM)])
    pltpu.make_async_copy(src_hbm.at[pl.ds(0, _EPW)], src_all, g0).wait()
    for k in range(_WR // _CH):
        pltpu.make_async_copy(r0, acc.at[pl.ds(0, _CH)], g2).wait()
    pltpu.make_async_copy(r0.at[pl.ds(0, _ZT)], acc.at[pl.ds(0, _ZT)], g2).wait()
    plsc.subcore_barrier()

    def issue_gather(j, b):
        pltpu.async_copy(
            z_hbm.at[src_all.at[pl.ds(j * _CH, _CH)]], rows[b], gsem[b])

    def wait_gather(b):
        pltpu.make_async_copy(z_hbm.at[pl.ds(0, _CH)], rows[b], gsem[b]).wait()

    def issue_scatter(b):
        pltpu.async_copy(rows[b], acc.at[dch[b]], ssem[b], add=True)

    def wait_scatter(b):
        pltpu.make_async_copy(rows[b], acc.at[dch[b]], ssem[b]).wait()

    def load_didx(j, b):
        pltpu.async_copy(
            dst_hbm.at[pl.ds(ebase + j * _CH, _CH)], dch[b], dsem[b])

    def wait_didx(b):
        pltpu.make_async_copy(
            dst_hbm.at[pl.ds(0, _CH)], dch[b], dsem[b]).wait()

    def pipe_step(j, b, do_wait, do_issue):
        sslot = (b + 2) % _NB
        if do_wait:
            wait_scatter(sslot)
        if do_issue:
            issue_gather(j + 2, sslot)
            load_didx(j + 2, sslot)
        wait_didx(b)
        wait_gather(b)
        issue_scatter(b)

    issue_gather(0, 0)
    issue_gather(1, 1)
    load_didx(0, 0)
    load_didx(1, 1)
    pipe_step(0, 0, False, True)
    pipe_step(1, 1, True, True)
    pipe_step(2, 2, True, True)

    def group(g, _):
        for b in range(_NB):
            pipe_step(g * _NB + b, b, True, True)
        return 0
    lax.fori_loop(1, _NG + 1, group, 0)

    pipe_step(_NFULL - 2, 0, True, False)
    pipe_step(_NFULL - 1, 1, True, False)
    wait_scatter(1)
    plsc.subcore_barrier()

    row0 = sid * _WR
    pltpu.sync_copy(acc.at[pl.ds(row0, _WR)],
                    out_hbm.at[cid, pl.ds(row0, _WR)])

    @pl.when(sid == 0)
    def _():
        rr = _NS * _WR
        pltpu.sync_copy(acc.at[pl.ds(rr, _WREM)],
                        out_hbm.at[cid, pl.ds(rr, _WREM)])


_RB = 5000
_NGRID = _N // _RB


def _layer_body(z_ref, agg_ref, w1_ref, b1_ref, w2_ref, b2_ref, g_ref, be_ref,
                am_ref, ao_ref, o_ref, p_scr, s_scr, q_scr):
    i = pl.program_id(0)

    @pl.when(i < _NGRID)
    def _():
        h = z_ref[...] + agg_ref[0] + agg_ref[1]
        h = (jnp.dot(h, w1_ref[...], preferred_element_type=jnp.float32)
             + b1_ref[...])
        am = am_ref[0]
        h = jnp.where(h >= 0, h, am * h)
        y = (jnp.dot(h, w2_ref[...], preferred_element_type=jnp.float32)
             + b2_ref[...])
        ao = ao_ref[0]
        p = jnp.where(y >= 0, y, ao * y)
        p_scr[pl.ds(i * _RB, _RB), :] = p
        ps = jnp.sum(p.reshape(_RB // 8, 8, _D), axis=0)
        pq = jnp.sum((p * p).reshape(_RB // 8, 8, _D), axis=0)

        @pl.when(i == 0)
        def _():
            s_scr[...] = jnp.zeros((8, _D), jnp.float32)
            q_scr[...] = jnp.zeros((8, _D), jnp.float32)

        s_scr[...] += ps
        q_scr[...] += pq

    @pl.when(i >= _NGRID)
    def _():
        k = i - _NGRID
        s = jnp.sum(s_scr[...], axis=0, keepdims=True)
        q = jnp.sum(q_scr[...], axis=0, keepdims=True)
        mu = s / _N
        var = q / _N - mu * mu
        inv = 1.0 / jnp.sqrt(var + 1e-5)
        p = p_scr[pl.ds(k * _RB, _RB), :]
        o_ref[...] = g_ref[...] * (p - mu) * inv + be_ref[...]


def _layer_tc(z, agg, W1, b1, W2, b2, g, be, am, ao):
    clamp = lambda i: (jnp.minimum(i, _NGRID - 1), 0)
    fixed = lambda i: (0, 0)
    return pl.pallas_call(
        _layer_body,
        grid=(2 * _NGRID,),
        in_specs=[
            pl.BlockSpec((_RB, _D), clamp),
            pl.BlockSpec((_NC, _RB, _D), lambda i: (0, jnp.minimum(i, _NGRID - 1), 0)),
            pl.BlockSpec((_D, _D), fixed),
            pl.BlockSpec((1, _D), fixed),
            pl.BlockSpec((_D, _D), fixed),
            pl.BlockSpec((1, _D), fixed),
            pl.BlockSpec((1, _D), fixed),
            pl.BlockSpec((1, _D), fixed),
            pl.BlockSpec(memory_space=pltpu.SMEM),
            pl.BlockSpec(memory_space=pltpu.SMEM),
        ],
        out_specs=pl.BlockSpec(
            (_RB, _D), lambda i: (jnp.where(i < _NGRID, 0, i - _NGRID), 0)),
        out_shape=jax.ShapeDtypeStruct((_N, _D), jnp.float32),
        scratch_shapes=[
            pltpu.VMEM((_N, _D), jnp.float32),
            pltpu.VMEM((8, _D), jnp.float32),
            pltpu.VMEM((8, _D), jnp.float32),
        ],
    )(z, agg, W1, b1, W2, b2, g, be, am, ao)


def kernel(x, edge_index, batch, W1_0, b1_0, a1_0, W2_0, b2_0,
           W1_1, b1_1, a1_1, W2_1, b2_1, a_out, g0, be0, g1, be1):
    src = edge_index[0]
    dst = edge_index[1]
    ao = a_out.reshape(1)

    def layer(z, W1, b1, am, W2, b2, g, be):
        agg = _sc_scatter(z, src, dst)
        return _layer_tc(z, agg, W1, b1.reshape(1, _D), W2, b2.reshape(1, _D),
                         g.reshape(1, _D), be.reshape(1, _D), am.reshape(1), ao)

    z = layer(x, W1_0, b1_0, a1_0, W2_0, b2_0, g0, be0)
    z = layer(z, W1_1, b1_1, a1_1, W2_1, b2_1, g1, be1)
    return z

# --- scband reference (transcript-rebuilt; emitter-appended) ---
"""Pipeline reference for scband-gconv-86268713107900 (READ-ONLY COPY).

The authoritative reference and input builder live on the scoring server;
editing this copy changes nothing except your own understanding.
"""

import jax, jax.numpy as jnp
import numpy as np

N = 10000
E = 320000
D = 128
H = 128

def _prelu(h, a):
    return jnp.where(h >= 0, h, a * h)

def _gin_layer(z, src, dst, W1, b1, a_mid, W2, b2):
    # GINConv with eps=0: mlp((1+eps)*x + sum_{j in N(i)} x_j)
    agg = jnp.zeros((z.shape[0], z.shape[1]), dtype=z.dtype).at[dst].add(z[src])
    h = z + agg
    h = h @ W1 + b1
    h = _prelu(h, a_mid)
    h = h @ W2 + b2
    return h

def _bn(h, g, b):
    # BatchNorm1d in training mode: batch statistics (biased variance)
    mu = jnp.mean(h, axis=0)
    var = jnp.var(h, axis=0)
    return g * (h - mu) / jnp.sqrt(var + 1e-5) + b

def setup_inputs(seed: int = 0):
    key = jax.random.key(seed)
    ks = jax.random.split(key, 12)
    x = jax.random.normal(ks[0], (N, D), dtype=jnp.float32)
    edge_index = jax.random.randint(ks[1], (2, E), 0, N, dtype=jnp.int32)
    batch = jnp.zeros((N,), dtype=jnp.int32)
    def lin(k, fan_in, fan_out):
        lim = 1.0 / np.sqrt(fan_in)
        kw, kb = jax.random.split(k)
        W = jax.random.uniform(kw, (fan_in, fan_out), minval=-lim, maxval=lim, dtype=jnp.float32)
        b = jax.random.uniform(kb, (fan_out,), minval=-lim, maxval=lim, dtype=jnp.float32)
        return W, b
    W1_0, b1_0 = lin(ks[2], D, H)
    W2_0, b2_0 = lin(ks[3], H, H)
    W1_1, b1_1 = lin(ks[4], H, H)
    W2_1, b2_1 = lin(ks[5], H, H)
    a1_0 = jnp.array(0.25, dtype=jnp.float32)
    a1_1 = jnp.array(0.25, dtype=jnp.float32)
    a_out = jnp.array(0.25, dtype=jnp.float32)
    g0 = jnp.ones((H,), jnp.float32)
    be0 = jnp.zeros((H,), jnp.float32)
    g1 = jnp.ones((H,), jnp.float32)
    be1 = jnp.zeros((H,), jnp.float32)
    return {"x": x, "edge_index": edge_index, "batch": batch,
            "W1_0": W1_0, "b1_0": b1_0, "a1_0": a1_0, "W2_0": W2_0, "b2_0": b2_0,
            "W1_1": W1_1, "b1_1": b1_1, "a1_1": a1_1, "W2_1": W2_1, "b2_1": b2_1,
            "a_out": a_out, "g0": g0, "be0": be0, "g1": g1, "be1": be1}

def reference(x, edge_index, batch, W1_0, b1_0, a1_0, W2_0, b2_0, W1_1, b1_1, a1_1, W2_1, b2_1, a_out, g0, be0, g1, be1):
    src = edge_index[0]
    dst = edge_index[1]
    z = x
    z = _gin_layer(z, src, dst, W1_0, b1_0, a1_0, W2_0, b2_0)
    z = _prelu(z, a_out)
    z = _bn(z, g0, be0)
    z = _gin_layer(z, src, dst, W1_1, b1_1, a1_1, W2_1, b2_1)
    z = _prelu(z, a_out)
    z = _bn(z, g1, be1)
    return z

if __name__ == "__main__":
    import jax
    _d = setup_inputs()
    print(jax.jit(kernel)(*tuple(_d.values())))

</pallas_src>

<mosaic_0001>
#map = affine_map<(d0, d1) -> (0, 0)>
#map1 = affine_map<(d0, d1) -> (0)>
#map2 = affine_map<(d0, d1) -> (0, 0, 0)>
module attributes {stable_mosaic.version = 14 : i64} {
  func.func @_sc_scatter(%arg0: i32, %arg1: i32, %arg2: memref<10000x128xf32, #tpu.memory_space<hbm>>, %arg3: memref<320000xi32, #tpu.memory_space<hbm>>, %arg4: memref<320000xi32, #tpu.memory_space<hbm>>, %arg5: memref<2x10000x128xf32, #tpu.memory_space<hbm>>, %arg6: memref<10000xi32, #tpu.memory_space<vmem>>, %arg7: memref<80xi32, #tpu.memory_space<vmem>>, %arg8: memref<80xi32, #tpu.memory_space<vmem>>, %arg9: memref<80xi32, #tpu.memory_space<vmem>>, %arg10: memref<80x128xf32, #tpu.memory_space<vmem>>, %arg11: memref<80x128xf32, #tpu.memory_space<vmem>>, %arg12: memref<80x128xf32, #tpu.memory_space<vmem>>, %arg13: memref<10000x128xf32, #tpu.memory_space<vmem_shared>>, %arg14: memref<!tpu.dma_semaphore, #tpu.memory_space<semaphore_mem>>, %arg15: memref<!tpu.dma_semaphore, #tpu.memory_space<semaphore_mem>>, %arg16: memref<!tpu.dma_semaphore, #tpu.memory_space<semaphore_mem>>, %arg17: memref<!tpu.dma_semaphore, #tpu.memory_space<semaphore_mem>>, %arg18: memref<!tpu.dma_semaphore, #tpu.memory_space<semaphore_mem>>, %arg19: memref<!tpu.dma_semaphore, #tpu.memory_space<semaphore_mem>>, %arg20: memref<!tpu.dma_semaphore, #tpu.memory_space<semaphore_mem>>, %arg21: memref<!tpu.dma_semaphore, #tpu.memory_space<semaphore_mem>>, %arg22: memref<!tpu.dma_semaphore, #tpu.memory_space<semaphore_mem>>) attributes {dimension_semantics = [#tpu.dimension_semantics<core_parallel>, #tpu.dimension_semantics<subcore_parallel>], iteration_bounds = array<i64: 2, 16>, scalar_prefetch = 0 : i64, scratch_operands = 17 : i64, tpu.core_type = #tpu.core_type<sc_vector_subcore>, window_params = [{transform_indices = #map}, {transform_indices = #map1}, {transform_indices = #map1}, {transform_indices = #map2}]} {
    %mul3A = arith.constant 16 : i32
    %mul3A_0 = arith.muli %arg0, %mul3A : i32
    %add3A = arith.addi %mul3A_0, %arg1 : i32
    %mul3A_1 = arith.constant 10000 : i32
    %mul3A_2 = arith.muli %add3A, %mul3A_1 : i32
    %dma_start3A = tpu.memref_slice %arg3[%mul3A_2] : memref<320000xi32, #tpu.memory_space<hbm>> -> memref<10000xi32, #tpu.memory_space<hbm>>
    %dma_start3A_3 = tpu.memref_slice %arg3[%mul3A_2] : memref<320000xi32, #tpu.memory_space<hbm>> -> memref<10000xi32, #tpu.memory_space<hbm>>
    tpu.enqueue_dma source(%dma_start3A_3 : memref<10000xi32, #tpu.memory_space<hbm>>) target(%arg6 : memref<10000xi32, #tpu.memory_space<vmem>>) target_semaphore(%arg14 : memref<!tpu.dma_semaphore, #tpu.memory_space<semaphore_mem>>)
    %scan3A = arith.constant 0 : i32
    %scan3A_4 = arith.constant 0 : i32
    %scan3A_5 = arith.constant 80 : i32
    %scan3A_6 = arith.addi %scan3A_4, %scan3A_5 : i32
    %scan3A_7 = arith.constant 1 : i32
    %scan3A_8 = scf.for %scan3A_280 = %scan3A_4 to %scan3A_6 step %scan3A_7 iter_args(%scan3A_281 = %scan3A) -> (i32)  : i32 {
      %broadcast_in_dim3A = arith.constant 0.000000e+00 : f32
      %broadcast_in_dim3A_282 = vector.broadcast %broadcast_in_dim3A : f32 to vector<16xf32>
      %swap3A = arith.index_cast %scan3A_280 : i32 to index
      %swap3A_283 = arith.constant 0 : index
      %swap3A_284 = tpu.vector_load %arg10[%swap3A, %swap3A_283] {strides = array<i32>} : memref<80x128xf32, #tpu.memory_space<vmem>>, vector<1x16xf32>,
      %swap3A_285 = vector.shape_cast %swap3A_284 : vector<1x16xf32> to vector<16xf32>
      %swap3A_286 = vector.shape_cast %broadcast_in_dim3A_282 : vector<16xf32> to vector<1x16xf32>
      tpu.vector_store %arg10[%swap3A, %swap3A_283], %swap3A_286 {strides = array<i32>} : memref<80x128xf32, #tpu.memory_space<vmem>>, vector<1x16xf32>,
      %broadcast_in_dim3A_287 = arith.constant 0.000000e+00 : f32
      %broadcast_in_dim3A_288 = vector.broadcast %broadcast_in_dim3A_287 : f32 to vector<16xf32>
      %swap3A_289 = arith.index_cast %scan3A_280 : i32 to index
      %swap3A_290 = arith.constant 16 : index
      %swap3A_291 = tpu.vector_load %arg10[%swap3A_289, %swap3A_290] {strides = array<i32>} : memref<80x128xf32, #tpu.memory_space<vmem>>, vector<1x16xf32>,
      %swap3A_292 = vector.shape_cast %swap3A_291 : vector<1x16xf32> to vector<16xf32>
      %swap3A_293 = vector.shape_cast %broadcast_in_dim3A_288 : vector<16xf32> to vector<1x16xf32>
      tpu.vector_store %arg10[%swap3A_289, %swap3A_290], %swap3A_293 {strides = array<i32>} : memref<80x128xf32, #tpu.memory_space<vmem>>, vector<1x16xf32>,
      %broadcast_in_dim3A_294 = arith.constant 0.000000e+00 : f32
      %broadcast_in_dim3A_295 = vector.broadcast %broadcast_in_dim3A_294 : f32 to vector<16xf32>
      %swap3A_296 = arith.index_cast %scan3A_280 : i32 to index
      %swap3A_297 = arith.constant 32 : index
      %swap3A_298 = tpu.vector_load %arg10[%swap3A_296, %swap3A_297] {strides = array<i32>} : memref<80x128xf32, #tpu.memory_space<vmem>>, vector<1x16xf32>,
      %swap3A_299 = vector.shape_cast %swap3A_298 : vector<1x16xf32> to vector<16xf32>
      %swap3A_300 = vector.shape_cast %broadcast_in_dim3A_295 : vector<16xf32> to vector<1x16xf32>
      tpu.vector_store %arg10[%swap3A_296, %swap3A_297], %swap3A_300 {strides = array<i32>} : memref<80x128xf32, #tpu.memory_space<vmem>>, vector<1x16xf32>,
      %broadcast_in_dim3A_301 = arith.constant 0.000000e+00 : f32
      %broadcast_in_dim3A_302 = vector.broadcast %broadcast_in_dim3A_301 : f32 to vector<16xf32>
      %swap3A_303 = arith.index_cast %scan3A_280 : i32 to index
      %swap3A_304 = arith.constant 48 : index
      %swap3A_305 = tpu.vector_load %arg10[%swap3A_303, %swap3A_304] {strides = array<i32>} : memref<80x128xf32, #tpu.memory_space<vmem>>, vector<1x16xf32>,
      %swap3A_306 = vector.shape_cast %swap3A_305 : vector<1x16xf32> to vector<16xf32>
      %swap3A_307 = vector.shape_cast %broadcast_in_dim3A_302 : vector<16xf32> to vector<1x16xf32>
      tpu.vector_store %arg10[%swap3A_303, %swap3A_304], %swap3A_307 {strides = array<i32>} : memref<80x128xf32, #tpu.memory_space<vmem>>, vector<1x16xf32>,
      %broadcast_in_dim3A_308 = arith.constant 0.000000e+00 : f32
      %broadcast_in_dim3A_309 = vector.broadcast %broadcast_in_dim3A_308 : f32 to vector<16xf32>
      %swap3A_310 = arith.index_cast %scan3A_280 : i32 to index
      %swap3A_311 = arith.constant 64 : index
      %swap3A_312 = tpu.vector_load %arg10[%swap3A_310, %swap3A_311] {strides = array<i32>} : memref<80x128xf32, #tpu.memory_space<vmem>>, vector<1x16xf32>,
      %swap3A_313 = vector.shape_cast %swap3A_312 : vector<1x16xf32> to vector<16xf32>
      %swap3A_314 = vector.shape_cast %broadcast_in_dim3A_309 : vector<16xf32> to vector<1x16xf32>
      tpu.vector_store %arg10[%swap3A_310, %swap3A_311], %swap3A_314 {strides = array<i32>} : memref<80x128xf32, #tpu.memory_space<vmem>>, vector<1x16xf32>,
      %broadcast_in_dim3A_315 = arith.constant 0.000000e+00 : f32
      %broadcast_in_dim3A_316 = vector.broadcast %broadcast_in_dim3A_315 : f32 to vector<16xf32>
      %swap3A_317 = arith.index_cast %scan3A_280 : i32 to index
      %swap3A_318 = arith.constant 80 : index
      %swap3A_319 = tpu.vector_load %arg10[%swap3A_317, %swap3A_318] {strides = array<i32>} : memref<80x128xf32, #tpu.memory_space<vmem>>, vector<1x16xf32>,
      %swap3A_320 = vector.shape_cast %swap3A_319 : vector<1x16xf32> to vector<16xf32>
      %swap3A_321 = vector.shape_cast %broadcast_in_dim3A_316 : vector<16xf32> to vector<1x16xf32>
      tpu.vector_store %arg10[%swap3A_317, %swap3A_318], %swap3A_321 {strides = array<i32>} : memref<80x128xf32, #tpu.memory_space<vmem>>, vector<1x16xf32>,
      %broadcast_in_dim3A_322 = arith.constant 0.000000e+00 : f32
      %broadcast_in_dim3A_323 = vector.broadcast %broadcast_in_dim3A_322 : f32 to vector<16xf32>
      %swap3A_324 = arith.index_cast %scan3A_280 : i32 to index
      %swap3A_325 = arith.constant 96 : index
      %swap3A_326 = tpu.vector_load %arg10[%swap3A_324, %swap3A_325] {strides = array<i32>} : memref<80x128xf32, #tpu.memory_space<vmem>>, vector<1x16xf32>,
      %swap3A_327 = vector.shape_cast %swap3A_326 : vector<1x16xf32> to vector<16xf32>
      %swap3A_328 = vector.shape_cast %broadcast_in_dim3A_323 : vector<16xf32> to vector<1x16xf32>
      tpu.vector_store %arg10[%swap3A_324, %swap3A_325], %swap3A_328 {strides = array<i32>} : memref<80x128xf32, #tpu.memory_space<vmem>>, vector<1x16xf32>,
      %broadcast_in_dim3A_329 = arith.constant 0.000000e+00 : f32
      %broadcast_in_dim3A_330 = vector.broadcast %broadcast_in_dim3A_329 : f32 to vector<16xf32>
      %swap3A_331 = arith.index_cast %scan3A_280 : i32 to index
      %swap3A_332 = arith.constant 112 : index
      %swap3A_333 = tpu.vector_load %arg10[%swap3A_331, %swap3A_332] {strides = array<i32>} : memref<80x128xf32, #tpu.memory_space<vmem>>, vector<1x16xf32>,
      %swap3A_334 = vector.shape_cast %swap3A_333 : vector<1x16xf32> to vector<16xf32>
      %swap3A_335 = vector.shape_cast %broadcast_in_dim3A_330 : vector<16xf32> to vector<1x16xf32>
      tpu.vector_store %arg10[%swap3A_331, %swap3A_332], %swap3A_335 {strides = array<i32>} : memref<80x128xf32, #tpu.memory_space<vmem>>, vector<1x16xf32>,
      %scan3A_336 = arith.constant 0 : i32
      scf.yield %scan3A_336 : i32
    }
    %scan3A_9 = arith.constant 80 : i32
    %mul3A_10 = arith.constant 624 : i32
    %mul3A_11 = arith.muli %arg1, %mul3A_10 : i32
    %add3A_12 = arith.constant 0 : i32
    %add3A_13 = arith.addi %mul3A_11, %add3A_12 : i32
    %dma_start3A_14 = arith.constant 0 : i32
    %dma_start3A_15 = tpu.memref_slice %arg13[%add3A_13, %dma_start3A_14] : memref<10000x128xf32, #tpu.memory_space<vmem_shared>> -> memref<80x128xf32, #tpu.memory_space<vmem_shared>>
    %dma_start3A_16 = arith.constant 0 : i32
    %dma_start3A_17 = tpu.memref_slice %arg13[%add3A_13, %dma_start3A_16] : memref<10000x128xf32, #tpu.memory_space<vmem_shared>> -> memref<80x128xf32, #tpu.memory_space<vmem_shared>>
    tpu.enqueue_dma source(%arg10 : memref<80x128xf32, #tpu.memory_space<vmem>>) target(%dma_start3A_17 : memref<80x128xf32, #tpu.memory_space<vmem_shared>>) target_semaphore(%arg16 : memref<!tpu.dma_semaphore, #tpu.memory_space<semaphore_mem>>)
    %mul3A_18 = arith.constant 624 : i32
    %mul3A_19 = arith.muli %arg1, %mul3A_18 : i32
    %add3A_20 = arith.constant 80 : i32
    %add3A_21 = arith.addi %mul3A_19, %add3A_20 : i32
    %dma_start3A_22 = arith.constant 0 : i32
    %dma_start3A_23 = tpu.memref_slice %arg13[%add3A_21, %dma_start3A_22] : memref<10000x128xf32, #tpu.memory_space<vmem_shared>> -> memref<80x128xf32, #tpu.memory_space<vmem_shared>>
    %dma_start3A_24 = arith.constant 0 : i32
    %dma_start3A_25 = tpu.memref_slice %arg13[%add3A_21, %dma_start3A_24] : memref<10000x128xf32, #tpu.memory_space<vmem_shared>> -> memref<80x128xf32, #tpu.memory_space<vmem_shared>>
    tpu.enqueue_dma source(%arg10 : memref<80x128xf32, #tpu.memory_space<vmem>>) target(%dma_start3A_25 : memref<80x128xf32, #tpu.memory_space<vmem_shared>>) target_semaphore(%arg16 : memref<!tpu.dma_semaphore, #tpu.memory_space<semaphore_mem>>)
    %mul3A_26 = arith.constant 624 : i32
    %mul3A_27 = arith.muli %arg1, %mul3A_26 : i32
    %add3A_28 = arith.constant 160 : i32
    %add3A_29 = arith.addi %mul3A_27, %add3A_28 : i32
    %dma_start3A_30 = arith.constant 0 : i32
    %dma_start3A_31 = tpu.memref_slice %arg13[%add3A_29, %dma_start3A_30] : memref<10000x128xf32, #tpu.memory_space<vmem_shared>> -> memref<80x128xf32, #tpu.memory_space<vmem_shared>>
    %dma_start3A_32 = arith.constant 0 : i32
    %dma_start3A_33 = tpu.memref_slice %arg13[%add3A_29, %dma_start3A_32] : memref<10000x128xf32, #tpu.memory_space<vmem_shared>> -> memref<80x128xf32, #tpu.memory_space<vmem_shared>>
    tpu.enqueue_dma source(%arg10 : memref<80x128xf32, #tpu.memory_space<vmem>>) target(%dma_start3A_33 : memref<80x128xf32, #tpu.memory_space<vmem_shared>>) target_semaphore(%arg16 : memref<!tpu.dma_semaphore, #tpu.memory_space<semaphore_mem>>)
    %mul3A_34 = arith.constant 624 : i32
    %mul3A_35 = arith.muli %arg1, %mul3A_34 : i32
    %add3A_36 = arith.constant 240 : i32
    %add3A_37 = arith.addi %mul3A_35, %add3A_36 : i32
    %dma_start3A_38 = arith.constant 0 : i32
    %dma_start3A_39 = tpu.memref_slice %arg13[%add3A_37, %dma_start3A_38] : memref<10000x128xf32, #tpu.memory_space<vmem_shared>> -> memref<80x128xf32, #tpu.memory_space<vmem_shared>>
    %dma_start3A_40 = arith.constant 0 : i32
    %dma_start3A_41 = tpu.memref_slice %arg13[%add3A_37, %dma_start3A_40] : memref<10000x128xf32, #tpu.memory_space<vmem_shared>> -> memref<80x128xf32, #tpu.memory_space<vmem_shared>>
    tpu.enqueue_dma source(%arg10 : memref<80x128xf32, #tpu.memory_space<vmem>>) target(%dma_start3A_41 : memref<80x128xf32, #tpu.memory_space<vmem_shared>>) target_semaphore(%arg16 : memref<!tpu.dma_semaphore, #tpu.memory_space<semaphore_mem>>)
    %mul3A_42 = arith.constant 624 : i32
    %mul3A_43 = arith.muli %arg1, %mul3A_42 : i32
    %add3A_44 = arith.constant 320 : i32
    %add3A_45 = arith.addi %mul3A_43, %add3A_44 : i32
    %dma_start3A_46 = arith.constant 0 : i32
    %dma_start3A_47 = tpu.memref_slice %arg13[%add3A_45, %dma_start3A_46] : memref<10000x128xf32, #tpu.memory_space<vmem_shared>> -> memref<80x128xf32, #tpu.memory_space<vmem_shared>>
    %dma_start3A_48 = arith.constant 0 : i32
    %dma_start3A_49 = tpu.memref_slice %arg13[%add3A_45, %dma_start3A_48] : memref<10000x128xf32, #tpu.memory_space<vmem_shared>> -> memref<80x128xf32, #tpu.memory_space<vmem_shared>>
    tpu.enqueue_dma source(%arg10 : memref<80x128xf32, #tpu.memory_space<vmem>>) target(%dma_start3A_49 : memref<80x128xf32, #tpu.memory_space<vmem_shared>>) target_semaphore(%arg16 : memref<!tpu.dma_semaphore, #tpu.memory_space<semaphore_mem>>)
    %mul3A_50 = arith.constant 624 : i32
    %mul3A_51 = arith.muli %arg1, %mul3A_50 : i32
    %add3A_52 = arith.constant 400 : i32
    %add3A_53 = arith.addi %mul3A_51, %add3A_52 : i32
    %dma_start3A_54 = arith.constant 0 : i32
    %dma_start3A_55 = tpu.memref_slice %arg13[%add3A_53, %dma_start3A_54] : memref<10000x128xf32, #tpu.memory_space<vmem_shared>> -> memref<80x128xf32, #tpu.memory_space<vmem_shared>>
    %dma_start3A_56 = arith.constant 0 : i32
    %dma_start3A_57 = tpu.memref_slice %arg13[%add3A_53, %dma_start3A_56] : memref<10000x128xf32, #tpu.memory_space<vmem_shared>> -> memref<80x128xf32, #tpu.memory_space<vmem_shared>>
    tpu.enqueue_dma source(%arg10 : memref<80x128xf32, #tpu.memory_space<vmem>>) target(%dma_start3A_57 : memref<80x128xf32, #tpu.memory_space<vmem_shared>>) target_semaphore(%arg16 : memref<!tpu.dma_semaphore, #tpu.memory_space<semaphore_mem>>)
    %mul3A_58 = arith.constant 624 : i32
    %mul3A_59 = arith.muli %arg1, %mul3A_58 : i32
    %add3A_60 = arith.constant 480 : i32
    %add3A_61 = arith.addi %mul3A_59, %add3A_60 : i32
    %dma_start3A_62 = arith.constant 0 : i32
    %dma_start3A_63 = tpu.memref_slice %arg13[%add3A_61, %dma_start3A_62] : memref<10000x128xf32, #tpu.memory_space<vmem_shared>> -> memref<80x128xf32, #tpu.memory_space<vmem_shared>>
    %dma_start3A_64 = arith.constant 0 : i32
    %dma_start3A_65 = tpu.memref_slice %arg13[%add3A_61, %dma_start3A_64] : memref<10000x128xf32, #tpu.memory_space<vmem_shared>> -> memref<80x128xf32, #tpu.memory_space<vmem_shared>>
    tpu.enqueue_dma source(%arg10 : memref<80x128xf32, #tpu.memory_space<vmem>>) target(%dma_start3A_65 : memref<80x128xf32, #tpu.memory_space<vmem_shared>>) target_semaphore(%arg16 : memref<!tpu.dma_semaphore, #tpu.memory_space<semaphore_mem>>)
    %mul3A_66 = arith.constant 624 : i32
    %mul3A_67 = arith.muli %arg1, %mul3A_66 : i32
    %add3A_68 = arith.constant 624 : i32
    %add3A_69 = arith.addi %mul3A_67, %add3A_68 : i32
    %sub3A = arith.constant 64 : i32
    %sub3A_70 = arith.subi %add3A_69, %sub3A : i32
    %dma_start3A_71 = arith.constant 0 : i32
    %dma_start3A_72 = arith.constant 0 : i32
    %dma_start3A_73 = tpu.memref_slice %arg10[%dma_start3A_71, %dma_start3A_72] : memref<80x128xf32, #tpu.memory_space<vmem>> -> memref<64x128xf32, #tpu.memory_space<vmem>>
    %dma_start3A_74 = arith.constant 0 : i32
    %dma_start3A_75 = tpu.memref_slice %arg13[%sub3A_70, %dma_start3A_74] : memref<10000x128xf32, #tpu.memory_space<vmem_shared>> -> memref<64x128xf32, #tpu.memory_space<vmem_shared>>
    %dma_start3A_76 = arith.constant 0 : i32
    %dma_start3A_77 = tpu.memref_slice %arg13[%sub3A_70, %dma_start3A_76] : memref<10000x128xf32, #tpu.memory_space<vmem_shared>> -> memref<64x128xf32, #tpu.memory_space<vmem_shared>>
    %dma_start3A_78 = arith.constant 0 : i32
    %dma_start3A_79 = arith.constant 0 : i32
    %dma_start3A_80 = tpu.memref_slice %arg10[%dma_start3A_78, %dma_start3A_79] : memref<80x128xf32, #tpu.memory_space<vmem>> -> memref<64x128xf32, #tpu.memory_space<vmem>>
    tpu.enqueue_dma source(%dma_start3A_80 : memref<64x128xf32, #tpu.memory_space<vmem>>) target(%dma_start3A_77 : memref<64x128xf32, #tpu.memory_space<vmem_shared>>) target_semaphore(%arg16 : memref<!tpu.dma_semaphore, #tpu.memory_space<semaphore_mem>>)
    %eq3A = arith.constant 0 : i32
    %eq3A_81 = arith.cmpi eq, %arg1, %eq3A : i32
    %convert_element_type3A = arith.extui %eq3A_81 : i1 to i32
    %cond3A = arith.constant 0 : i32
    %cond3A_82 = arith.cmpi ne, %convert_element_type3A, %cond3A : i32
    scf.if %cond3A_82 {
      "tpu.region"() ({
        %run_scoped3A = tpu.sem_alloc : memref<!tpu.dma_semaphore, #tpu.memory_space<semaphore_mem>>
        %dma_start3A_280 = arith.constant 0 : i32
        %dma_start3A_281 = arith.constant 0 : i32
        %dma_start3A_282 = tpu.memref_slice %arg10[%dma_start3A_280, %dma_start3A_281] : memref<80x128xf32, #tpu.memory_space<vmem>> -> memref<16x128xf32, #tpu.memory_space<vmem>>
        %dma_start3A_283 = arith.constant 9984 : i32
        %dma_start3A_284 = arith.constant 0 : i32
        %dma_start3A_285 = tpu.memref_slice %arg13[%dma_start3A_283, %dma_start3A_284] : memref<10000x128xf32, #tpu.memory_space<vmem_shared>> -> memref<16x128xf32, #tpu.memory_space<vmem_shared>>
        %dma_start3A_286 = arith.constant 9984 : i32
        %dma_start3A_287 = arith.constant 0 : i32
        %dma_start3A_288 = tpu.memref_slice %arg13[%dma_start3A_286, %dma_start3A_287] : memref<10000x128xf32, #tpu.memory_space<vmem_shared>> -> memref<16x128xf32, #tpu.memory_space<vmem_shared>>
        %dma_start3A_289 = arith.constant 0 : i32
        %dma_start3A_290 = arith.constant 0 : i32
        %dma_start3A_291 = tpu.memref_slice %arg10[%dma_start3A_289, %dma_start3A_290] : memref<80x128xf32, #tpu.memory_space<vmem>> -> memref<16x128xf32, #tpu.memory_space<vmem>>
        tpu.enqueue_dma source(%dma_start3A_291 : memref<16x128xf32, #tpu.memory_space<vmem>>) target(%dma_start3A_288 : memref<16x128xf32, #tpu.memory_space<vmem_shared>>) target_semaphore(%run_scoped3A : memref<!tpu.dma_semaphore, #tpu.memory_space<semaphore_mem>>)
        %dma_wait3A_292 = arith.constant 0 : i32
        %dma_wait3A_293 = arith.constant 0 : i32
        %dma_wait3A_294 = tpu.memref_slice %arg10[%dma_wait3A_292, %dma_wait3A_293] : memref<80x128xf32, #tpu.memory_space<vmem>> -> memref<16x128xf32, #tpu.memory_space<vmem>>
        %dma_wait3A_295 = arith.constant 9984 : i32
        %dma_wait3A_296 = arith.constant 0 : i32
        %dma_wait3A_297 = tpu.memref_slice %arg13[%dma_wait3A_295, %dma_wait3A_296] : memref<10000x128xf32, #tpu.memory_space<vmem_shared>> -> memref<16x128xf32, #tpu.memory_space<vmem_shared>>
        %dma_wait3A_298 = arith.constant 9984 : i32
        %dma_wait3A_299 = arith.constant 0 : i32
        %dma_wait3A_300 = tpu.memref_slice %arg13[%dma_wait3A_298, %dma_wait3A_299] : memref<10000x128xf32, #tpu.memory_space<vmem_shared>> -> memref<16x128xf32, #tpu.memory_space<vmem_shared>>
        %dma_wait3A_301 = arith.constant 0 : i32
        %dma_wait3A_302 = arith.constant 0 : i32
        %dma_wait3A_303 = tpu.memref_slice %arg10[%dma_wait3A_301, %dma_wait3A_302] : memref<80x128xf32, #tpu.memory_space<vmem>> -> memref<16x128xf32, #tpu.memory_space<vmem>>
        tpu.wait_dma2 semaphore(%run_scoped3A : memref<!tpu.dma_semaphore, #tpu.memory_space<semaphore_mem>>) src(%dma_wait3A_303 : memref<16x128xf32, #tpu.memory_space<vmem>>) dst(%dma_wait3A_300 : memref<16x128xf32, #tpu.memory_space<vmem_shared>>)
        tpu.yield
      }) : () -> ()
    } else {
    }
    %dma_wait3A = arith.constant 0 : i32
    %dma_wait3A_83 = tpu.memref_slice %arg3[%dma_wait3A] : memref<320000xi32, #tpu.memory_space<hbm>> -> memref<10000xi32, #tpu.memory_space<hbm>>
    %dma_wait3A_84 = arith.constant 0 : i32
    %dma_wait3A_85 = tpu.memref_slice %arg3[%dma_wait3A_84] : memref<320000xi32, #tpu.memory_space<hbm>> -> memref<10000xi32, #tpu.memory_space<hbm>>
    tpu.wait_dma2 semaphore(%arg14 : memref<!tpu.dma_semaphore, #tpu.memory_space<semaphore_mem>>) src(%dma_wait3A_85 : memref<10000xi32, #tpu.memory_space<hbm>>) dst(%arg6 : memref<10000xi32, #tpu.memory_space<vmem>>)
    %dma_wait3A_86 = arith.constant 0 : i32
    %dma_wait3A_87 = arith.constant 0 : i32
    %dma_wait3A_88 = tpu.memref_slice %arg13[%dma_wait3A_86, %dma_wait3A_87] : memref<10000x128xf32, #tpu.memory_space<vmem_shared>> -> memref<80x128xf32, #tpu.memory_space<vmem_shared>>
    %dma_wait3A_89 = arith.constant 0 : i32
    %dma_wait3A_90 = arith.constant 0 : i32
    %dma_wait3A_91 = tpu.memref_slice %arg13[%dma_wait3A_89, %dma_wait3A_90] : memref<10000x128xf32, #tpu.memory_space<vmem_shared>> -> memref<80x128xf32, #tpu.memory_space<vmem_shared>>
    tpu.wait_dma2 semaphore(%arg16 : memref<!tpu.dma_semaphore, #tpu.memory_space<semaphore_mem>>) src(%arg10 : memref<80x128xf32, #tpu.memory_space<vmem>>) dst(%dma_wait3A_91 : memref<80x128xf32, #tpu.memory_space<vmem_shared>>)
    %dma_wait3A_92 = arith.constant 0 : i32
    %dma_wait3A_93 = arith.constant 0 : i32
    %dma_wait3A_94 = tpu.memref_slice %arg13[%dma_wait3A_92, %dma_wait3A_93] : memref<10000x128xf32, #tpu.memory_space<vmem_shared>> -> memref<80x128xf32, #tpu.memory_space<vmem_shared>>
    %dma_wait3A_95 = arith.constant 0 : i32
    %dma_wait3A_96 = arith.constant 0 : i32
    %dma_wait3A_97 = tpu.memref_slice %arg13[%dma_wait3A_95, %dma_wait3A_96] : memref<10000x128xf32, #tpu.memory_space<vmem_shared>> -> memref<80x128xf32, #tpu.memory_space<vmem_shared>>
    tpu.wait_dma2 semaphore(%arg16 : memref<!tpu.dma_semaphore, #tpu.memory_space<semaphore_mem>>) src(%arg10 : memref<80x128xf32, #tpu.memory_space<vmem>>) dst(%dma_wait3A_97 : memref<80x128xf32, #tpu.memory_space<vmem_shared>>)
    %dma_wait3A_98 = arith.constant 0 : i32
    %dma_wait3A_99 = arith.constant 0 : i32
    %dma_wait3A_100 = tpu.memref_slice %arg13[%dma_wait3A_98, %dma_wait3A_99] : memref<10000x128xf32, #tpu.memory_space<vmem_shared>> -> memref<80x128xf32, #tpu.memory_space<vmem_shared>>
    %dma_wait3A_101 = arith.constant 0 : i32
    %dma_wait3A_102 = arith.constant 0 : i32
    %dma_wait3A_103 = tpu.memref_slice %arg13[%dma_wait3A_101, %dma_wait3A_102] : memref<10000x128xf32, #tpu.memory_space<vmem_shared>> -> memref<80x128xf32, #tpu.memory_space<vmem_shared>>
    tpu.wait_dma2 semaphore(%arg16 : memref<!tpu.dma_semaphore, #tpu.memory_space<semaphore_mem>>) src(%arg10 : memref<80x128xf32, #tpu.memory_space<vmem>>) dst(%dma_wait3A_103 : memref<80x128xf32, #tpu.memory_space<vmem_shared>>)
    %dma_wait3A_104 = arith.constant 0 : i32
    %dma_wait3A_105 = arith.constant 0 : i32
    %dma_wait3A_106 = tpu.memref_slice %arg13[%dma_wait3A_104, %dma_wait3A_105] : memref<10000x128xf32, #tpu.memory_space<vmem_shared>> -> memref<80x128xf32, #tpu.memory_space<vmem_shared>>
    %dma_wait3A_107 = arith.constant 0 : i32
    %dma_wait3A_108 = arith.constant 0 : i32
    %dma_wait3A_109 = tpu.memref_slice %arg13[%dma_wait3A_107, %dma_wait3A_108] : memref<10000x128xf32, #tpu.memory_space<vmem_shared>> -> memref<80x128xf32, #tpu.memory_space<vmem_shared>>
    tpu.wait_dma2 semaphore(%arg16 : memref<!tpu.dma_semaphore, #tpu.memory_space<semaphore_mem>>) src(%arg10 : memref<80x128xf32, #tpu.memory_space<vmem>>) dst(%dma_wait3A_109 : memref<80x128xf32, #tpu.memory_space<vmem_shared>>)
    %dma_wait3A_110 = arith.constant 0 : i32
    %dma_wait3A_111 = arith.constant 0 : i32
    %dma_wait3A_112 = tpu.memref_slice %arg13[%dma_wait3A_110, %dma_wait3A_111] : memref<10000x128xf32, #tpu.memory_space<vmem_shared>> -> memref<80x128xf32, #tpu.memory_space<vmem_shared>>
    %dma_wait3A_113 = arith.constant 0 : i32
    %dma_wait3A_114 = arith.constant 0 : i32
    %dma_wait3A_115 = tpu.memref_slice %arg13[%dma_wait3A_113, %dma_wait3A_114] : memref<10000x128xf32, #tpu.memory_space<vmem_shared>> -> memref<80x128xf32, #tpu.memory_space<vmem_shared>>
    tpu.wait_dma2 semaphore(%arg16 : memref<!tpu.dma_semaphore, #tpu.memory_space<semaphore_mem>>) src(%arg10 : memref<80x128xf32, #tpu.memory_space<vmem>>) dst(%dma_wait3A_115 : memref<80x128xf32, #tpu.memory_space<vmem_shared>>)
    %dma_wait3A_116 = arith.constant 0 : i32
    %dma_wait3A_117 = arith.constant 0 : i32
    %dma_wait3A_118 = tpu.memref_slice %arg13[%dma_wait3A_116, %dma_wait3A_117] : memref<10000x128xf32, #tpu.memory_space<vmem_shared>> -> memref<80x128xf32, #tpu.memory_space<vmem_shared>>
    %dma_wait3A_119 = arith.constant 0 : i32
    %dma_wait3A_120 = arith.constant 0 : i32
    %dma_wait3A_121 = tpu.memref_slice %arg13[%dma_wait3A_119, %dma_wait3A_120] : memref<10000x128xf32, #tpu.memory_space<vmem_shared>> -> memref<80x128xf32, #tpu.memory_space<vmem_shared>>
    tpu.wait_dma2 semaphore(%arg16 : memref<!tpu.dma_semaphore, #tpu.memory_space<semaphore_mem>>) src(%arg10 : memref<80x128xf32, #tpu.memory_space<vmem>>) dst(%dma_wait3A_121 : memref<80x128xf32, #tpu.memory_space<vmem_shared>>)
    %dma_wait3A_122 = arith.constant 0 : i32
    %dma_wait3A_123 = arith.constant 0 : i32
    %dma_wait3A_124 = tpu.memref_slice %arg13[%dma_wait3A_122, %dma_wait3A_123] : memref<10000x128xf32, #tpu.memory_space<vmem_shared>> -> memref<80x128xf32, #tpu.memory_space<vmem_shared>>
    %dma_wait3A_125 = arith.constant 0 : i32
    %dma_wait3A_126 = arith.constant 0 : i32
    %dma_wait3A_127 = tpu.memref_slice %arg13[%dma_wait3A_125, %dma_wait3A_126] : memref<10000x128xf32, #tpu.memory_space<vmem_shared>> -> memref<80x128xf32, #tpu.memory_space<vmem_shared>>
    tpu.wait_dma2 semaphore(%arg16 : memref<!tpu.dma_semaphore, #tpu.memory_space<semaphore_mem>>) src(%arg10 : memref<80x128xf32, #tpu.memory_space<vmem>>) dst(%dma_wait3A_127 : memref<80x128xf32, #tpu.memory_space<vmem_shared>>)
    %dma_wait3A_128 = arith.constant 0 : i32
    %dma_wait3A_129 = arith.constant 0 : i32
    %dma_wait3A_130 = tpu.memref_slice %arg10[%dma_wait3A_128, %dma_wait3A_129] : memref<80x128xf32, #tpu.memory_space<vmem>> -> memref<64x128xf32, #tpu.memory_space<vmem>>
    %dma_wait3A_131 = arith.constant 0 : i32
    %dma_wait3A_132 = arith.constant 0 : i32
    %dma_wait3A_133 = tpu.memref_slice %arg13[%dma_wait3A_131, %dma_wait3A_132] : memref<10000x128xf32, #tpu.memory_space<vmem_shared>> -> memref<64x128xf32, #tpu.memory_space<vmem_shared>>
    %dma_wait3A_134 = arith.constant 0 : i32
    %dma_wait3A_135 = arith.constant 0 : i32
    %dma_wait3A_136 = tpu.memref_slice %arg13[%dma_wait3A_134, %dma_wait3A_135] : memref<10000x128xf32, #tpu.memory_space<vmem_shared>> -> memref<64x128xf32, #tpu.memory_space<vmem_shared>>
    %dma_wait3A_137 = arith.constant 0 : i32
    %dma_wait3A_138 = arith.constant 0 : i32
    %dma_wait3A_139 = tpu.memref_slice %arg10[%dma_wait3A_137, %dma_wait3A_138] : memref<80x128xf32, #tpu.memory_space<vmem>> -> memref<64x128xf32, #tpu.memory_space<vmem>>
    tpu.wait_dma2 semaphore(%arg16 : memref<!tpu.dma_semaphore, #tpu.memory_space<semaphore_mem>>) src(%dma_wait3A_139 : memref<64x128xf32, #tpu.memory_space<vmem>>) dst(%dma_wait3A_136 : memref<64x128xf32, #tpu.memory_space<vmem_shared>>)
    %barrier3A = arith.constant 0 : index
    tpu.barrier barrier_id(%barrier3A)
    %dma_start3A_140 = arith.constant 0 : i32
    %dma_start3A_141 = tpu.memref_slice %arg6[%dma_start3A_140] : memref<10000xi32, #tpu.memory_space<vmem>> -> memref<80xi32, #tpu.memory_space<vmem>>
    %dma_start3A_142 = arith.constant 0 : i32
    %dma_start3A_143 = arith.constant 0 : i32
    %dma_start3A_144 = tpu.memref_slice %arg2[%dma_start3A_142, %dma_start3A_143] : memref<10000x128xf32, #tpu.memory_space<hbm>> -> memref<10000x128xf32, #tpu.memory_space<hbm>>
    tpu.enqueue_indirect_dma source(%dma_start3A_144 : memref<10000x128xf32, #tpu.memory_space<hbm>>) target(%arg10 : memref<80x128xf32, #tpu.memory_space<vmem>>) offsets(%dma_start3A_141 : memref<80xi32, #tpu.memory_space<vmem>>) semaphore(%arg14 : memref<!tpu.dma_semaphore, #tpu.memory_space<semaphore_mem>>)
    %dma_start3A_145 = arith.constant 80 : i32
    %dma_start3A_146 = tpu.memref_slice %arg6[%dma_start3A_145] : memref<10000xi32, #tpu.memory_space<vmem>> -> memref<80xi32, #tpu.memory_space<vmem>>
    %dma_start3A_147 = arith.constant 0 : i32
    %dma_start3A_148 = arith.constant 0 : i32
    %dma_start3A_149 = tpu.memref_slice %arg2[%dma_start3A_147, %dma_start3A_148] : memref<10000x128xf32, #tpu.memory_space<hbm>> -> memref<10000x128xf32, #tpu.memory_space<hbm>>
    tpu.enqueue_indirect_dma source(%dma_start3A_149 : memref<10000x128xf32, #tpu.memory_space<hbm>>) target(%arg11 : memref<80x128xf32, #tpu.memory_space<vmem>>) offsets(%dma_start3A_146 : memref<80xi32, #tpu.memory_space<vmem>>) semaphore(%arg15 : memref<!tpu.dma_semaphore, #tpu.memory_space<semaphore_mem>>)
    %add3A_150 = arith.constant 0 : i32
    %add3A_151 = arith.addi %mul3A_2, %add3A_150 : i32
    %dma_start3A_152 = tpu.memref_slice %arg4[%add3A_151] : memref<320000xi32, #tpu.memory_space<hbm>> -> memref<80xi32, #tpu.memory_space<hbm>>
    %dma_start3A_153 = tpu.memref_slice %arg4[%add3A_151] : memref<320000xi32, #tpu.memory_space<hbm>> -> memref<80xi32, #tpu.memory_space<hbm>>
    tpu.enqueue_dma source(%dma_start3A_153 : memref<80xi32, #tpu.memory_space<hbm>>) target(%arg7 : memref<80xi32, #tpu.memory_space<vmem>>) target_semaphore(%arg20 : memref<!tpu.dma_semaphore, #tpu.memory_space<semaphore_mem>>)
    %add3A_154 = arith.constant 80 : i32
    %add3A_155 = arith.addi %mul3A_2, %add3A_154 : i32
    %dma_start3A_156 = tpu.memref_slice %arg4[%add3A_155] : memref<320000xi32, #tpu.memory_space<hbm>> -> memref<80xi32, #tpu.memory_space<hbm>>
    %dma_start3A_157 = tpu.memref_slice %arg4[%add3A_155] : memref<320000xi32, #tpu.memory_space<hbm>> -> memref<80xi32, #tpu.memory_space<hbm>>
    tpu.enqueue_dma source(%dma_start3A_157 : memref<80xi32, #tpu.memory_space<hbm>>) target(%arg8 : memref<80xi32, #tpu.memory_space<vmem>>) target_semaphore(%arg21 : memref<!tpu.dma_semaphore, #tpu.memory_space<semaphore_mem>>)
    %dma_start3A_158 = arith.constant 160 : i32
    %dma_start3A_159 = tpu.memref_slice %arg6[%dma_start3A_158] : memref<10000xi32, #tpu.memory_space<vmem>> -> memref<80xi32, #tpu.memory_space<vmem>>
    %dma_start3A_160 = arith.constant 0 : i32
    %dma_start3A_161 = arith.constant 0 : i32
    %dma_start3A_162 = tpu.memref_slice %arg2[%dma_start3A_160, %dma_start3A_161] : memref<10000x128xf32, #tpu.memory_space<hbm>> -> memref<10000x128xf32, #tpu.memory_space<hbm>>
    tpu.enqueue_indirect_dma source(%dma_start3A_162 : memref<10000x128xf32, #tpu.memory_space<hbm>>) target(%arg12 : memref<80x128xf32, #tpu.memory_space<vmem>>) offsets(%dma_start3A_159 : memref<80xi32, #tpu.memory_space<vmem>>) semaphore(%arg16 : memref<!tpu.dma_semaphore, #tpu.memory_space<semaphore_mem>>)
    %add3A_163 = arith.constant 160 : i32
    %add3A_164 = arith.addi %mul3A_2, %add3A_163 : i32
    %dma_start3A_165 = tpu.memref_slice %arg4[%add3A_164] : memref<320000xi32, #tpu.memory_space<hbm>> -> memref<80xi32, #tpu.memory_space<hbm>>
    %dma_start3A_166 = tpu.memref_slice %arg4[%add3A_164] : memref<320000xi32, #tpu.memory_space<hbm>> -> memref<80xi32, #tpu.memory_space<hbm>>
    tpu.enqueue_dma source(%dma_start3A_166 : memref<80xi32, #tpu.memory_space<hbm>>) target(%arg9 : memref<80xi32, #tpu.memory_space<vmem>>) target_semaphore(%arg22 : memref<!tpu.dma_semaphore, #tpu.memory_space<semaphore_mem>>)
    %dma_wait3A_167 = arith.constant 0 : i32
    %dma_wait3A_168 = tpu.memref_slice %arg4[%dma_wait3A_167] : memref<320000xi32, #tpu.memory_space<hbm>> -> memref<80xi32, #tpu.memory_space<hbm>>
    %dma_wait3A_169 = arith.constant 0 : i32
    %dma_wait3A_170 = tpu.memref_slice %arg4[%dma_wait3A_169] : memref<320000xi32, #tpu.memory_space<hbm>> -> memref<80xi32, #tpu.memory_space<hbm>>
    tpu.wait_dma2 semaphore(%arg20 : memref<!tpu.dma_semaphore, #tpu.memory_space<semaphore_mem>>) src(%dma_wait3A_170 : memref<80xi32, #tpu.memory_space<hbm>>) dst(%arg7 : memref<80xi32, #tpu.memory_space<vmem>>)
    %dma_wait3A_171 = arith.constant 0 : i32
    %dma_wait3A_172 = arith.constant 0 : i32
    %dma_wait3A_173 = tpu.memref_slice %arg2[%dma_wait3A_171, %dma_wait3A_172] : memref<10000x128xf32, #tpu.memory_space<hbm>> -> memref<80x128xf32, #tpu.memory_space<hbm>>
    %dma_wait3A_174 = arith.constant 0 : i32
    %dma_wait3A_175 = arith.constant 0 : i32
    %dma_wait3A_176 = tpu.memref_slice %arg2[%dma_wait3A_174, %dma_wait3A_175] : memref<10000x128xf32, #tpu.memory_space<hbm>> -> memref<80x128xf32, #tpu.memory_space<hbm>>
    tpu.wait_dma2 semaphore(%arg14 : memref<!tpu.dma_semaphore, #tpu.memory_space<semaphore_mem>>) src(%dma_wait3A_176 : memref<80x128xf32, #tpu.memory_space<hbm>>) dst(%arg10 : memref<80x128xf32, #tpu.memory_space<vmem>>)
    %dma_start3A_177 = arith.constant 0 : i32
    %dma_start3A_178 = arith.constant 0 : i32
    %dma_start3A_179 = tpu.memref_slice %arg13[%dma_start3A_177, %dma_start3A_178] : memref<10000x128xf32, #tpu.memory_space<vmem_shared>> -> memref<10000x128xf32, #tpu.memory_space<vmem_shared>>
    tpu.enqueue_indirect_dma source(%arg10 : memref<80x128xf32, #tpu.memory_space<vmem>>) target(%dma_start3A_179 : memref<10000x128xf32, #tpu.memory_space<vmem_shared>>) offsets(%arg7 : memref<80xi32, #tpu.memory_space<vmem>>) semaphore(%arg17 : memref<!tpu.dma_semaphore, #tpu.memory_space<semaphore_mem>>) {add = true}
    %dma_wait3A_180 = arith.constant 0 : i32
    %dma_wait3A_181 = arith.constant 0 : i32
    %dma_wait3A_182 = tpu.memref_slice %arg13[%dma_wait3A_180, %dma_wait3A_181] : memref<10000x128xf32, #tpu.memory_space<vmem_shared>> -> memref<10000x128xf32, #tpu.memory_space<vmem_shared>>
    tpu.wait_indirect_dma semaphore(%arg17 : memref<!tpu.dma_semaphore, #tpu.memory_space<semaphore_mem>>) src(%arg10 : memref<80x128xf32, #tpu.memory_space<vmem>>) dst(%dma_wait3A_182 : memref<10000x128xf32, #tpu.memory_space<vmem_shared>>)
    %dma_start3A_183 = arith.constant 240 : i32
    %dma_start3A_184 = tpu.memref_slice %arg6[%dma_start3A_183] : memref<10000xi32, #tpu.memory_space<vmem>> -> memref<80xi32, #tpu.memory_space<vmem>>
    %dma_start3A_185 = arith.constant 0 : i32
    %dma_start3A_186 = arith.constant 0 : i32
    %dma_start3A_187 = tpu.memref_slice %arg2[%dma_start3A_185, %dma_start3A_186] : memref<10000x128xf32, #tpu.memory_space<hbm>> -> memref<10000x128xf32, #tpu.memory_space<hbm>>
    tpu.enqueue_indirect_dma source(%dma_start3A_187 : memref<10000x128xf32, #tpu.memory_space<hbm>>) target(%arg10 : memref<80x128xf32, #tpu.memory_space<vmem>>) offsets(%dma_start3A_184 : memref<80xi32, #tpu.memory_space<vmem>>) semaphore(%arg14 : memref<!tpu.dma_semaphore, #tpu.memory_space<semaphore_mem>>)
    %add3A_188 = arith.constant 240 : i32
    %add3A_189 = arith.addi %mul3A_2, %add3A_188 : i32
    %dma_start3A_190 = tpu.memref_slice %arg4[%add3A_189] : memref<320000xi32, #tpu.memory_space<hbm>> -> memref<80xi32, #tpu.memory_space<hbm>>
    %dma_start3A_191 = tpu.memref_slice %arg4[%add3A_189] : memref<320000xi32, #tpu.memory_space<hbm>> -> memref<80xi32, #tpu.memory_space<hbm>>
    tpu.enqueue_dma source(%dma_start3A_191 : memref<80xi32, #tpu.memory_space<hbm>>) target(%arg7 : memref<80xi32, #tpu.memory_space<vmem>>) target_semaphore(%arg20 : memref<!tpu.dma_semaphore, #tpu.memory_space<semaphore_mem>>)
    %dma_wait3A_192 = arith.constant 0 : i32
    %dma_wait3A_193 = tpu.memref_slice %arg4[%dma_wait3A_192] : memref<320000xi32, #tpu.memory_space<hbm>> -> memref<80xi32, #tpu.memory_space<hbm>>
    %dma_wait3A_194 = arith.constant 0 : i32
    %dma_wait3A_195 = tpu.memref_slice %arg4[%dma_wait3A_194] : memref<320000xi32, #tpu.memory_space<hbm>> -> memref<80xi32, #tpu.memory_space<hbm>>
    tpu.wait_dma2 semaphore(%arg21 : memref<!tpu.dma_semaphore, #tpu.memory_space<semaphore_mem>>) src(%dma_wait3A_195 : memref<80xi32, #tpu.memory_space<hbm>>) dst(%arg8 : memref<80xi32, #tpu.memory_space<vmem>>)
    %dma_wait3A_196 = arith.constant 0 : i32
    %dma_wait3A_197 = arith.constant 0 : i32
    %dma_wait3A_198 = tpu.memref_slice %arg2[%dma_wait3A_196, %dma_wait3A_197] : memref<10000x128xf32, #tpu.memory_space<hbm>> -> memref<80x128xf32, #tpu.memory_space<hbm>>
    %dma_wait3A_199 = arith.constant 0 : i32
    %dma_wait3A_200 = arith.constant 0 : i32
    %dma_wait3A_201 = tpu.memref_slice %arg2[%dma_wait3A_199, %dma_wait3A_200] : memref<10000x128xf32, #tpu.memory_space<hbm>> -> memref<80x128xf32, #tpu.memory_space<hbm>>
    tpu.wait_dma2 semaphore(%arg15 : memref<!tpu.dma_semaphore, #tpu.memory_space<semaphore_mem>>) src(%dma_wait3A_201 : memref<80x128xf32, #tpu.memory_space<hbm>>) dst(%arg11 : memref<80x128xf32, #tpu.memory_space<vmem>>)
    %dma_start3A_202 = arith.constant 0 : i32
    %dma_start3A_203 = arith.constant 0 : i32
    %dma_start3A_204 = tpu.memref_slice %arg13[%dma_start3A_202, %dma_start3A_203] : memref<10000x128xf32, #tpu.memory_space<vmem_shared>> -> memref<10000x128xf32, #tpu.memory_space<vmem_shared>>
    tpu.enqueue_indirect_dma source(%arg11 : memref<80x128xf32, #tpu.memory_space<vmem>>) target(%dma_start3A_204 : memref<10000x128xf32, #tpu.memory_space<vmem_shared>>) offsets(%arg8 : memref<80xi32, #tpu.memory_space<vmem>>) semaphore(%arg18 : memref<!tpu.dma_semaphore, #tpu.memory_space<semaphore_mem>>) {add = true}
    %dma_wait3A_205 = arith.constant 0 : i32
    %dma_wait3A_206 = arith.constant 0 : i32
    %dma_wait3A_207 = tpu.memref_slice %arg13[%dma_wait3A_205, %dma_wait3A_206] : memref<10000x128xf32, #tpu.memory_space<vmem_shared>> -> memref<10000x128xf32, #tpu.memory_space<vmem_shared>>
    tpu.wait_indirect_dma semaphore(%arg18 : memref<!tpu.dma_semaphore, #tpu.memory_space<semaphore_mem>>) src(%arg11 : memref<80x128xf32, #tpu.memory_space<vmem>>) dst(%dma_wait3A_207 : memref<10000x128xf32, #tpu.memory_space<vmem_shared>>)
    %dma_start3A_208 = arith.constant 320 : i32
    %dma_start3A_209 = tpu.memref_slice %arg6[%dma_start3A_208] : memref<10000xi32, #tpu.memory_space<vmem>> -> memref<80xi32, #tpu.memory_space<vmem>>
    %dma_start3A_210 = arith.constant 0 : i32
    %dma_start3A_211 = arith.constant 0 : i32
    %dma_start3A_212 = tpu.memref_slice %arg2[%dma_start3A_210, %dma_start3A_211] : memref<10000x128xf32, #tpu.memory_space<hbm>> -> memref<10000x128xf32, #tpu.memory_space<hbm>>
    tpu.enqueue_indirect_dma source(%dma_start3A_212 : memref<10000x128xf32, #tpu.memory_space<hbm>>) target(%arg11 : memref<80x128xf32, #tpu.memory_space<vmem>>) offsets(%dma_start3A_209 : memref<80xi32, #tpu.memory_space<vmem>>) semaphore(%arg15 : memref<!tpu.dma_semaphore, #tpu.memory_space<semaphore_mem>>)
    %add3A_213 = arith.constant 320 : i32
    %add3A_214 = arith.addi %mul3A_2, %add3A_213 : i32
    %dma_start3A_215 = tpu.memref_slice %arg4[%add3A_214] : memref<320000xi32, #tpu.memory_space<hbm>> -> memref<80xi32, #tpu.memory_space<hbm>>
    %dma_start3A_216 = tpu.memref_slice %arg4[%add3A_214] : memref<320000xi32, #tpu.memory_space<hbm>> -> memref<80xi32, #tpu.memory_space<hbm>>
    tpu.enqueue_dma source(%dma_start3A_216 : memref<80xi32, #tpu.memory_space<hbm>>) target(%arg8 : memref<80xi32, #tpu.memory_space<vmem>>) target_semaphore(%arg21 : memref<!tpu.dma_semaphore, #tpu.memory_space<semaphore_mem>>)
    %dma_wait3A_217 = arith.constant 0 : i32
    %dma_wait3A_218 = tpu.memref_slice %arg4[%dma_wait3A_217] : memref<320000xi32, #tpu.memory_space<hbm>> -> memref<80xi32, #tpu.memory_space<hbm>>
    %dma_wait3A_219 = arith.constant 0 : i32
    %dma_wait3A_220 = tpu.memref_slice %arg4[%dma_wait3A_219] : memref<320000xi32, #tpu.memory_space<hbm>> -> memref<80xi32, #tpu.memory_space<hbm>>
    tpu.wait_dma2 semaphore(%arg22 : memref<!tpu.dma_semaphore, #tpu.memory_space<semaphore_mem>>) src(%dma_wait3A_220 : memref<80xi32, #tpu.memory_space<hbm>>) dst(%arg9 : memref<80xi32, #tpu.memory_space<vmem>>)
    %dma_wait3A_221 = arith.constant 0 : i32
    %dma_wait3A_222 = arith.constant 0 : i32
    %dma_wait3A_223 = tpu.memref_slice %arg2[%dma_wait3A_221, %dma_wait3A_222] : memref<10000x128xf32, #tpu.memory_space<hbm>> -> memref<80x128xf32, #tpu.memory_space<hbm>>
    %dma_wait3A_224 = arith.constant 0 : i32
    %dma_wait3A_225 = arith.constant 0 : i32
    %dma_wait3A_226 = tpu.memref_slice %arg2[%dma_wait3A_224, %dma_wait3A_225] : memref<10000x128xf32, #tpu.memory_space<hbm>> -> memref<80x128xf32, #tpu.memory_space<hbm>>
    tpu.wait_dma2 semaphore(%arg16 : memref<!tpu.dma_semaphore, #tpu.memory_space<semaphore_mem>>) src(%dma_wait3A_226 : memref<80x128xf32, #tpu.memory_space<hbm>>) dst(%arg12 : memref<80x128xf32, #tpu.memory_space<vmem>>)
    %dma_start3A_227 = arith.constant 0 : i32
    %dma_start3A_228 = arith.constant 0 : i32
    %dma_start3A_229 = tpu.memref_slice %arg13[%dma_start3A_227, %dma_start3A_228] : memref<10000x128xf32, #tpu.memory_space<vmem_shared>> -> memref<10000x128xf32, #tpu.memory_space<vmem_shared>>
    tpu.enqueue_indirect_dma source(%arg12 : memref<80x128xf32, #tpu.memory_space<vmem>>) target(%dma_start3A_229 : memref<10000x128xf32, #tpu.memory_space<vmem_shared>>) offsets(%arg9 : memref<80xi32, #tpu.memory_space<vmem>>) semaphore(%arg19 : memref<!tpu.dma_semaphore, #tpu.memory_space<semaphore_mem>>) {add = true}
    %scan3A_230 = arith.constant 0 : i32
    %scan3A_231 = arith.constant 1 : i32
    %scan3A_232 = arith.constant 40 : i32
    %scan3A_233 = arith.addi %scan3A_231, %scan3A_232 : i32
    %scan3A_234 = arith.constant 1 : i32
    %scan3A_235 = scf.for %scan3A_280 = %scan3A_231 to %scan3A_233 step %scan3A_234 iter_args(%scan3A_281 = %scan3A_230) -> (i32)  : i32 {
      %mul3A_282 = arith.constant 3 : i32
      %mul3A_283 = arith.muli %scan3A_280, %mul3A_282 : i32
      %add3A_284 = arith.constant 0 : i32
      %add3A_285 = arith.addi %mul3A_283, %add3A_284 : i32
      %dma_wait3A_286 = arith.constant 0 : i32
      %dma_wait3A_287 = arith.constant 0 : i32
      %dma_wait3A_288 = tpu.memref_slice %arg13[%dma_wait3A_286, %dma_wait3A_287] : memref<10000x128xf32, #tpu.memory_space<vmem_shared>> -> memref<10000x128xf32, #tpu.memory_space<vmem_shared>>
      tpu.wait_indirect_dma semaphore(%arg19 : memref<!tpu.dma_semaphore, #tpu.memory_space<semaphore_mem>>) src(%arg12 : memref<80x128xf32, #tpu.memory_space<vmem>>) dst(%dma_wait3A_288 : memref<10000x128xf32, #tpu.memory_space<vmem_shared>>)
      %add3A_289 = arith.constant 2 : i32
      %add3A_290 = arith.addi %add3A_285, %add3A_289 : i32
      %mul3A_291 = arith.constant 80 : i32
      %mul3A_292 = arith.muli %add3A_290, %mul3A_291 : i32
      %dma_start3A_293 = tpu.memref_slice %arg6[%mul3A_292] : memref<10000xi32, #tpu.memory_space<vmem>> -> memref<80xi32, #tpu.memory_space<vmem>>
      %dma_start3A_294 = arith.constant 0 : i32
      %dma_start3A_295 = arith.constant 0 : i32
      %dma_start3A_296 = tpu.memref_slice %arg2[%dma_start3A_294, %dma_start3A_295] : memref<10000x128xf32, #tpu.memory_space<hbm>> -> memref<10000x128xf32, #tpu.memory_space<hbm>>
      tpu.enqueue_indirect_dma source(%dma_start3A_296 : memref<10000x128xf32, #tpu.memory_space<hbm>>) target(%arg12 : memref<80x128xf32, #tpu.memory_space<vmem>>) offsets(%dma_start3A_293 : memref<80xi32, #tpu.memory_space<vmem>>) semaphore(%arg16 : memref<!tpu.dma_semaphore, #tpu.memory_space<semaphore_mem>>)
      %add3A_297 = arith.constant 2 : i32
      %add3A_298 = arith.addi %add3A_285, %add3A_297 : i32
      %mul3A_299 = arith.constant 80 : i32
      %mul3A_300 = arith.muli %add3A_298, %mul3A_299 : i32
      %add3A_301 = arith.addi %mul3A_2, %mul3A_300 : i32
      %dma_start3A_302 = tpu.memref_slice %arg4[%add3A_301] : memref<320000xi32, #tpu.memory_space<hbm>> -> memref<80xi32, #tpu.memory_space<hbm>>
      %dma_start3A_303 = tpu.memref_slice %arg4[%add3A_301] : memref<320000xi32, #tpu.memory_space<hbm>> -> memref<80xi32, #tpu.memory_space<hbm>>
      tpu.enqueue_dma source(%dma_start3A_303 : memref<80xi32, #tpu.memory_space<hbm>>) target(%arg9 : memref<80xi32, #tpu.memory_space<vmem>>) target_semaphore(%arg22 : memref<!tpu.dma_semaphore, #tpu.memory_space<semaphore_mem>>)
      %dma_wait3A_304 = arith.constant 0 : i32
      %dma_wait3A_305 = tpu.memref_slice %arg4[%dma_wait3A_304] : memref<320000xi32, #tpu.memory_space<hbm>> -> memref<80xi32, #tpu.memory_space<hbm>>
      %dma_wait3A_306 = arith.constant 0 : i32
      %dma_wait3A_307 = tpu.memref_slice %arg4[%dma_wait3A_306] : memref<320000xi32, #tpu.memory_space<hbm>> -> memref<80xi32, #tpu.memory_space<hbm>>
      tpu.wait_dma2 semaphore(%arg20 : memref<!tpu.dma_semaphore, #tpu.memory_space<semaphore_mem>>) src(%dma_wait3A_307 : memref<80xi32, #tpu.memory_space<hbm>>) dst(%arg7 : memref<80xi32, #tpu.memory_space<vmem>>)
      %dma_wait3A_308 = arith.constant 0 : i32
      %dma_wait3A_309 = arith.constant 0 : i32
      %dma_wait3A_310 = tpu.memref_slice %arg2[%dma_wait3A_308, %dma_wait3A_309] : memref<10000x128xf32, #tpu.memory_space<hbm>> -> memref<80x128xf32, #tpu.memory_space<hbm>>
      %dma_wait3A_311 = arith.constant 0 : i32
      %dma_wait3A_312 = arith.constant 0 : i32
      %dma_wait3A_313 = tpu.memref_slice %arg2[%dma_wait3A_311, %dma_wait3A_312] : memref<10000x128xf32, #tpu.memory_space<hbm>> -> memref<80x128xf32, #tpu.memory_space<hbm>>
      tpu.wait_dma2 semaphore(%arg14 : memref<!tpu.dma_semaphore, #tpu.memory_space<semaphore_mem>>) src(%dma_wait3A_313 : memref<80x128xf32, #tpu.memory_space<hbm>>) dst(%arg10 : memref<80x128xf32, #tpu.memory_space<vmem>>)
      %dma_start3A_314 = arith.constant 0 : i32
      %dma_start3A_315 = arith.constant 0 : i32
      %dma_start3A_316 = tpu.memref_slice %arg13[%dma_start3A_314, %dma_start3A_315] : memref<10000x128xf32, #tpu.memory_space<vmem_shared>> -> memref<10000x128xf32, #tpu.memory_space<vmem_shared>>
      tpu.enqueue_indirect_dma source(%arg10 : memref<80x128xf32, #tpu.memory_space<vmem>>) target(%dma_start3A_316 : memref<10000x128xf32, #tpu.memory_space<vmem_shared>>) offsets(%arg7 : memref<80xi32, #tpu.memory_space<vmem>>) semaphore(%arg17 : memref<!tpu.dma_semaphore, #tpu.memory_space<semaphore_mem>>) {add = true}
      %mul3A_317 = arith.constant 3 : i32
      %mul3A_318 = arith.muli %scan3A_280, %mul3A_317 : i32
      %add3A_319 = arith.constant 1 : i32
      %add3A_320 = arith.addi %mul3A_318, %add3A_319 : i32
      %dma_wait3A_321 = arith.constant 0 : i32
      %dma_wait3A_322 = arith.constant 0 : i32
      %dma_wait3A_323 = tpu.memref_slice %arg13[%dma_wait3A_321, %dma_wait3A_322] : memref<10000x128xf32, #tpu.memory_space<vmem_shared>> -> memref<10000x128xf32, #tpu.memory_space<vmem_shared>>
      tpu.wait_indirect_dma semaphore(%arg17 : memref<!tpu.dma_semaphore, #tpu.memory_space<semaphore_mem>>) src(%arg10 : memref<80x128xf32, #tpu.memory_space<vmem>>) dst(%dma_wait3A_323 : memref<10000x128xf32, #tpu.memory_space<vmem_shared>>)
      %add3A_324 = arith.constant 2 : i32
      %add3A_325 = arith.addi %add3A_320, %add3A_324 : i32
      %mul3A_326 = arith.constant 80 : i32
      %mul3A_327 = arith.muli %add3A_325, %mul3A_326 : i32
      %dma_start3A_328 = tpu.memref_slice %arg6[%mul3A_327] : memref<10000xi32, #tpu.memory_space<vmem>> -> memref<80xi32, #tpu.memory_space<vmem>>
      %dma_start3A_329 = arith.constant 0 : i32
      %dma_start3A_330 = arith.constant 0 : i32
      %dma_start3A_331 = tpu.memref_slice %arg2[%dma_start3A_329, %dma_start3A_330] : memref<10000x128xf32, #tpu.memory_space<hbm>> -> memref<10000x128xf32, #tpu.memory_space<hbm>>
      tpu.enqueue_indirect_dma source(%dma_start3A_331 : memref<10000x128xf32, #tpu.memory_space<hbm>>) target(%arg10 : memref<80x128xf32, #tpu.memory_space<vmem>>) offsets(%dma_start3A_328 : memref<80xi32, #tpu.memory_space<vmem>>) semaphore(%arg14 : memref<!tpu.dma_semaphore, #tpu.memory_space<semaphore_mem>>)
      %add3A_332 = arith.constant 2 : i32
      %add3A_333 = arith.addi %add3A_320, %add3A_332 : i32
      %mul3A_334 = arith.constant 80 : i32
      %mul3A_335 = arith.muli %add3A_333, %mul3A_334 : i32
      %add3A_336 = arith.addi %mul3A_2, %mul3A_335 : i32
      %dma_start3A_337 = tpu.memref_slice %arg4[%add3A_336] : memref<320000xi32, #tpu.memory_space<hbm>> -> memref<80xi32, #tpu.memory_space<hbm>>
      %dma_start3A_338 = tpu.memref_slice %arg4[%add3A_336] : memref<320000xi32, #tpu.memory_space<hbm>> -> memref<80xi32, #tpu.memory_space<hbm>>
      tpu.enqueue_dma source(%dma_start3A_338 : memref<80xi32, #tpu.memory_space<hbm>>) target(%arg7 : memref<80xi32, #tpu.memory_space<vmem>>) target_semaphore(%arg20 : memref<!tpu.dma_semaphore, #tpu.memory_space<semaphore_mem>>)
      %dma_wait3A_339 = arith.constant 0 : i32
      %dma_wait3A_340 = tpu.memref_slice %arg4[%dma_wait3A_339] : memref<320000xi32, #tpu.memory_space<hbm>> -> memref<80xi32, #tpu.memory_space<hbm>>
      %dma_wait3A_341 = arith.constant 0 : i32
      %dma_wait3A_342 = tpu.memref_slice %arg4[%dma_wait3A_341] : memref<320000xi32, #tpu.memory_space<hbm>> -> memref<80xi32, #tpu.memory_space<hbm>>
      tpu.wait_dma2 semaphore(%arg21 : memref<!tpu.dma_semaphore, #tpu.memory_space<semaphore_mem>>) src(%dma_wait3A_342 : memref<80xi32, #tpu.memory_space<hbm>>) dst(%arg8 : memref<80xi32, #tpu.memory_space<vmem>>)
      %dma_wait3A_343 = arith.constant 0 : i32
      %dma_wait3A_344 = arith.constant 0 : i32
      %dma_wait3A_345 = tpu.memref_slice %arg2[%dma_wait3A_343, %dma_wait3A_344] : memref<10000x128xf32, #tpu.memory_space<hbm>> -> memref<80x128xf32, #tpu.memory_space<hbm>>
      %dma_wait3A_346 = arith.constant 0 : i32
      %dma_wait3A_347 = arith.constant 0 : i32
      %dma_wait3A_348 = tpu.memref_slice %arg2[%dma_wait3A_346, %dma_wait3A_347] : memref<10000x128xf32, #tpu.memory_space<hbm>> -> memref<80x128xf32, #tpu.memory_space<hbm>>
      tpu.wait_dma2 semaphore(%arg15 : memref<!tpu.dma_semaphore, #tpu.memory_space<semaphore_mem>>) src(%dma_wait3A_348 : memref<80x128xf32, #tpu.memory_space<hbm>>) dst(%arg11 : memref<80x128xf32, #tpu.memory_space<vmem>>)
      %dma_start3A_349 = arith.constant 0 : i32
      %dma_start3A_350 = arith.constant 0 : i32
      %dma_start3A_351 = tpu.memref_slice %arg13[%dma_start3A_349, %dma_start3A_350] : memref<10000x128xf32, #tpu.memory_space<vmem_shared>> -> memref<10000x128xf32, #tpu.memory_space<vmem_shared>>
      tpu.enqueue_indirect_dma source(%arg11 : memref<80x128xf32, #tpu.memory_space<vmem>>) target(%dma_start3A_351 : memref<10000x128xf32, #tpu.memory_space<vmem_shared>>) offsets(%arg8 : memref<80xi32, #tpu.memory_space<vmem>>) semaphore(%arg18 : memref<!tpu.dma_semaphore, #tpu.memory_space<semaphore_mem>>) {add = true}
      %mul3A_352 = arith.constant 3 : i32
      %mul3A_353 = arith.muli %scan3A_280, %mul3A_352 : i32
      %add3A_354 = arith.constant 2 : i32
      %add3A_355 = arith.addi %mul3A_353, %add3A_354 : i32
      %dma_wait3A_356 = arith.constant 0 : i32
      %dma_wait3A_357 = arith.constant 0 : i32
      %dma_wait3A_358 = tpu.memref_slice %arg13[%dma_wait3A_356, %dma_wait3A_357] : memref<10000x128xf32, #tpu.memory_space<vmem_shared>> -> memref<10000x128xf32, #tpu.memory_space<vmem_shared>>
      tpu.wait_indirect_dma semaphore(%arg18 : memref<!tpu.dma_semaphore, #tpu.memory_space<semaphore_mem>>) src(%arg11 : memref<80x128xf32, #tpu.memory_space<vmem>>) dst(%dma_wait3A_358 : memref<10000x128xf32, #tpu.memory_space<vmem_shared>>)
      %add3A_359 = arith.constant 2 : i32
      %add3A_360 = arith.addi %add3A_355, %add3A_359 : i32
      %mul3A_361 = arith.constant 80 : i32
      %mul3A_362 = arith.muli %add3A_360, %mul3A_361 : i32
      %dma_start3A_363 = tpu.memref_slice %arg6[%mul3A_362] : memref<10000xi32, #tpu.memory_space<vmem>> -> memref<80xi32, #tpu.memory_space<vmem>>
      %dma_start3A_364 = arith.constant 0 : i32
      %dma_start3A_365 = arith.constant 0 : i32
      %dma_start3A_366 = tpu.memref_slice %arg2[%dma_start3A_364, %dma_start3A_365] : memref<10000x128xf32, #tpu.memory_space<hbm>> -> memref<10000x128xf32, #tpu.memory_space<hbm>>
      tpu.enqueue_indirect_dma source(%dma_start3A_366 : memref<10000x128xf32, #tpu.memory_space<hbm>>) target(%arg11 : memref<80x128xf32, #tpu.memory_space<vmem>>) offsets(%dma_start3A_363 : memref<80xi32, #tpu.memory_space<vmem>>) semaphore(%arg15 : memref<!tpu.dma_semaphore, #tpu.memory_space<semaphore_mem>>)
      %add3A_367 = arith.constant 2 : i32
      %add3A_368 = arith.addi %add3A_355, %add3A_367 : i32
      %mul3A_369 = arith.constant 80 : i32
      %mul3A_370 = arith.muli %add3A_368, %mul3A_369 : i32
      %add3A_371 = arith.addi %mul3A_2, %mul3A_370 : i32
      %dma_start3A_372 = tpu.memref_slice %arg4[%add3A_371] : memref<320000xi32, #tpu.memory_space<hbm>> -> memref<80xi32, #tpu.memory_space<hbm>>
      %dma_start3A_373 = tpu.memref_slice %arg4[%add3A_371] : memref<320000xi32, #tpu.memory_space<hbm>> -> memref<80xi32, #tpu.memory_space<hbm>>
      tpu.enqueue_dma source(%dma_start3A_373 : memref<80xi32, #tpu.memory_space<hbm>>) target(%arg8 : memref<80xi32, #tpu.memory_space<vmem>>) target_semaphore(%arg21 : memref<!tpu.dma_semaphore, #tpu.memory_space<semaphore_mem>>)
      %dma_wait3A_374 = arith.constant 0 : i32
      %dma_wait3A_375 = tpu.memref_slice %arg4[%dma_wait3A_374] : memref<320000xi32, #tpu.memory_space<hbm>> -> memref<80xi32, #tpu.memory_space<hbm>>
      %dma_wait3A_376 = arith.constant 0 : i32
      %dma_wait3A_377 = tpu.memref_slice %arg4[%dma_wait3A_376] : memref<320000xi32, #tpu.memory_space<hbm>> -> memref<80xi32, #tpu.memory_space<hbm>>
      tpu.wait_dma2 semaphore(%arg22 : memref<!tpu.dma_semaphore, #tpu.memory_space<semaphore_mem>>) src(%dma_wait3A_377 : memref<80xi32, #tpu.memory_space<hbm>>) dst(%arg9 : memref<80xi32, #tpu.memory_space<vmem>>)
      %dma_wait3A_378 = arith.constant 0 : i32
      %dma_wait3A_379 = arith.constant 0 : i32
      %dma_wait3A_380 = tpu.memref_slice %arg2[%dma_wait3A_378, %dma_wait3A_379] : memref<10000x128xf32, #tpu.memory_space<hbm>> -> memref<80x128xf32, #tpu.memory_space<hbm>>
      %dma_wait3A_381 = arith.constant 0 : i32
      %dma_wait3A_382 = arith.constant 0 : i32
      %dma_wait3A_383 = tpu.memref_slice %arg2[%dma_wait3A_381, %dma_wait3A_382] : memref<10000x128xf32, #tpu.memory_space<hbm>> -> memref<80x128xf32, #tpu.memory_space<hbm>>
      tpu.wait_dma2 semaphore(%arg16 : memref<!tpu.dma_semaphore, #tpu.memory_space<semaphore_mem>>) src(%dma_wait3A_383 : memref<80x128xf32, #tpu.memory_space<hbm>>) dst(%arg12 : memref<80x128xf32, #tpu.memory_space<vmem>>)
      %dma_start3A_384 = arith.constant 0 : i32
      %dma_start3A_385 = arith.constant 0 : i32
      %dma_start3A_386 = tpu.memref_slice %arg13[%dma_start3A_384, %dma_start3A_385] : memref<10000x128xf32, #tpu.memory_space<vmem_shared>> -> memref<10000x128xf32, #tpu.memory_space<vmem_shared>>
      tpu.enqueue_indirect_dma source(%arg12 : memref<80x128xf32, #tpu.memory_space<vmem>>) target(%dma_start3A_386 : memref<10000x128xf32, #tpu.memory_space<vmem_shared>>) offsets(%arg9 : memref<80xi32, #tpu.memory_space<vmem>>) semaphore(%arg19 : memref<!tpu.dma_semaphore, #tpu.memory_space<semaphore_mem>>) {add = true}
      %scan3A_387 = arith.constant 0 : i32
      scf.yield %scan3A_387 : i32
    }
    %scan3A_236 = arith.constant 40 : i32
    %dma_wait3A_237 = arith.constant 0 : i32
    %dma_wait3A_238 = arith.constant 0 : i32
    %dma_wait3A_239 = tpu.memref_slice %arg13[%dma_wait3A_237, %dma_wait3A_238] : memref<10000x128xf32, #tpu.memory_space<vmem_shared>> -> memref<10000x128xf32, #tpu.memory_space<vmem_shared>>
    tpu.wait_indirect_dma semaphore(%arg19 : memref<!tpu.dma_semaphore, #tpu.memory_space<semaphore_mem>>) src(%arg12 : memref<80x128xf32, #tpu.memory_space<vmem>>) dst(%dma_wait3A_239 : memref<10000x128xf32, #tpu.memory_space<vmem_shared>>)
    %dma_wait3A_240 = arith.constant 0 : i32
    %dma_wait3A_241 = tpu.memref_slice %arg4[%dma_wait3A_240] : memref<320000xi32, #tpu.memory_space<hbm>> -> memref<80xi32, #tpu.memory_space<hbm>>
    %dma_wait3A_242 = arith.constant 0 : i32
    %dma_wait3A_243 = tpu.memref_slice %arg4[%dma_wait3A_242] : memref<320000xi32, #tpu.memory_space<hbm>> -> memref<80xi32, #tpu.memory_space<hbm>>
    tpu.wait_dma2 semaphore(%arg20 : memref<!tpu.dma_semaphore, #tpu.memory_space<semaphore_mem>>) src(%dma_wait3A_243 : memref<80xi32, #tpu.memory_space<hbm>>) dst(%arg7 : memref<80xi32, #tpu.memory_space<vmem>>)
    %dma_wait3A_244 = arith.constant 0 : i32
    %dma_wait3A_245 = arith.constant 0 : i32
    %dma_wait3A_246 = tpu.memref_slice %arg2[%dma_wait3A_244, %dma_wait3A_245] : memref<10000x128xf32, #tpu.memory_space<hbm>> -> memref<80x128xf32, #tpu.memory_space<hbm>>
    %dma_wait3A_247 = arith.constant 0 : i32
    %dma_wait3A_248 = arith.constant 0 : i32
    %dma_wait3A_249 = tpu.memref_slice %arg2[%dma_wait3A_247, %dma_wait3A_248] : memref<10000x128xf32, #tpu.memory_space<hbm>> -> memref<80x128xf32, #tpu.memory_space<hbm>>
    tpu.wait_dma2 semaphore(%arg14 : memref<!tpu.dma_semaphore, #tpu.memory_space<semaphore_mem>>) src(%dma_wait3A_249 : memref<80x128xf32, #tpu.memory_space<hbm>>) dst(%arg10 : memref<80x128xf32, #tpu.memory_space<vmem>>)
    %dma_start3A_250 = arith.constant 0 : i32
    %dma_start3A_251 = arith.constant 0 : i32
    %dma_start3A_252 = tpu.memref_slice %arg13[%dma_start3A_250, %dma_start3A_251] : memref<10000x128xf32, #tpu.memory_space<vmem_shared>> -> memref<10000x128xf32, #tpu.memory_space<vmem_shared>>
    tpu.enqueue_indirect_dma source(%arg10 : memref<80x128xf32, #tpu.memory_space<vmem>>) target(%dma_start3A_252 : memref<10000x128xf32, #tpu.memory_space<vmem_shared>>) offsets(%arg7 : memref<80xi32, #tpu.memory_space<vmem>>) semaphore(%arg17 : memref<!tpu.dma_semaphore, #tpu.memory_space<semaphore_mem>>) {add = true}
    %dma_wait3A_253 = arith.constant 0 : i32
    %dma_wait3A_254 = arith.constant 0 : i32
    %dma_wait3A_255 = tpu.memref_slice %arg13[%dma_wait3A_253, %dma_wait3A_254] : memref<10000x128xf32, #tpu.memory_space<vmem_shared>> -> memref<10000x128xf32, #tpu.memory_space<vmem_shared>>
    tpu.wait_indirect_dma semaphore(%arg17 : memref<!tpu.dma_semaphore, #tpu.memory_space<semaphore_mem>>) src(%arg10 : memref<80x128xf32, #tpu.memory_space<vmem>>) dst(%dma_wait3A_255 : memref<10000x128xf32, #tpu.memory_space<vmem_shared>>)
    %dma_wait3A_256 = arith.constant 0 : i32
    %dma_wait3A_257 = tpu.memref_slice %arg4[%dma_wait3A_256] : memref<320000xi32, #tpu.memory_space<hbm>> -> memref<80xi32, #tpu.memory_space<hbm>>
    %dma_wait3A_258 = arith.constant 0 : i32
    %dma_wait3A_259 = tpu.memref_slice %arg4[%dma_wait3A_258] : memref<320000xi32, #tpu.memory_space<hbm>> -> memref<80xi32, #tpu.memory_space<hbm>>
    tpu.wait_dma2 semaphore(%arg21 : memref<!tpu.dma_semaphore, #tpu.memory_space<semaphore_mem>>) src(%dma_wait3A_259 : memref<80xi32, #tpu.memory_space<hbm>>) dst(%arg8 : memref<80xi32, #tpu.memory_space<vmem>>)
    %dma_wait3A_260 = arith.constant 0 : i32
    %dma_wait3A_261 = arith.constant 0 : i32
    %dma_wait3A_262 = tpu.memref_slice %arg2[%dma_wait3A_260, %dma_wait3A_261] : memref<10000x128xf32, #tpu.memory_space<hbm>> -> memref<80x128xf32, #tpu.memory_space<hbm>>
    %dma_wait3A_263 = arith.constant 0 : i32
    %dma_wait3A_264 = arith.constant 0 : i32
    %dma_wait3A_265 = tpu.memref_slice %arg2[%dma_wait3A_263, %dma_wait3A_264] : memref<10000x128xf32, #tpu.memory_space<hbm>> -> memref<80x128xf32, #tpu.memory_space<hbm>>
    tpu.wait_dma2 semaphore(%arg15 : memref<!tpu.dma_semaphore, #tpu.memory_space<semaphore_mem>>) src(%dma_wait3A_265 : memref<80x128xf32, #tpu.memory_space<hbm>>) dst(%arg11 : memref<80x128xf32, #tpu.memory_space<vmem>>)
    %dma_start3A_266 = arith.constant 0 : i32
    %dma_start3A_267 = arith.constant 0 : i32
    %dma_start3A_268 = tpu.memref_slice %arg13[%dma_start3A_266, %dma_start3A_267] : memref<10000x128xf32, #tpu.memory_space<vmem_shared>> -> memref<10000x128xf32, #tpu.memory_space<vmem_shared>>
    tpu.enqueue_indirect_dma source(%arg11 : memref<80x128xf32, #tpu.memory_space<vmem>>) target(%dma_start3A_268 : memref<10000x128xf32, #tpu.memory_space<vmem_shared>>) offsets(%arg8 : memref<80xi32, #tpu.memory_space<vmem>>) semaphore(%arg18 : memref<!tpu.dma_semaphore, #tpu.memory_space<semaphore_mem>>) {add = true}
    %dma_wait3A_269 = arith.constant 0 : i32
    %dma_wait3A_270 = arith.constant 0 : i32
    %dma_wait3A_271 = tpu.memref_slice %arg13[%dma_wait3A_269, %dma_wait3A_270] : memref<10000x128xf32, #tpu.memory_space<vmem_shared>> -> memref<10000x128xf32, #tpu.memory_space<vmem_shared>>
    tpu.wait_indirect_dma semaphore(%arg18 : memref<!tpu.dma_semaphore, #tpu.memory_space<semaphore_mem>>) src(%arg11 : memref<80x128xf32, #tpu.memory_space<vmem>>) dst(%dma_wait3A_271 : memref<10000x128xf32, #tpu.memory_space<vmem_shared>>)
    %barrier3A_272 = arith.constant 0 : index
    tpu.barrier barrier_id(%barrier3A_272)
    %mul3A_273 = arith.constant 624 : i32
    %mul3A_274 = arith.muli %arg1, %mul3A_273 : i32
    "tpu.region"() ({
      %run_scoped3A = tpu.sem_alloc : memref<!tpu.dma_semaphore, #tpu.memory_space<semaphore_mem>>
      %dma_start3A_280 = arith.constant 0 : i32
      %dma_start3A_281 = tpu.memref_slice %arg5[%arg0, %mul3A_274, %dma_start3A_280] : memref<2x10000x128xf32, #tpu.memory_space<hbm>> -> memref<1x624x128xf32, #tpu.memory_space<hbm>>
      %dma_start3A_282 = tpu.memref_squeeze %dma_start3A_281 : memref<1x624x128xf32, #tpu.memory_space<hbm>> -> memref<624x128xf32, #tpu.memory_space<hbm>>
      %dma_start3A_283 = arith.constant 0 : i32
      %dma_start3A_284 = tpu.memref_slice %arg13[%mul3A_274, %dma_start3A_283] : memref<10000x128xf32, #tpu.memory_space<vmem_shared>> -> memref<624x128xf32, #tpu.memory_space<vmem_shared>>
      tpu.enqueue_dma source(%dma_start3A_284 : memref<624x128xf32, #tpu.memory_space<vmem_shared>>) target(%dma_start3A_282 : memref<624x128xf32, #tpu.memory_space<hbm>>) target_semaphore(%run_scoped3A : memref<!tpu.dma_semaphore, #tpu.memory_space<semaphore_mem>>)
      %dma_wait3A_285 = arith.constant 0 : i32
      %dma_wait3A_286 = tpu.memref_slice %arg5[%arg0, %mul3A_274, %dma_wait3A_285] : memref<2x10000x128xf32, #tpu.memory_space<hbm>> -> memref<1x624x128xf32, #tpu.memory_space<hbm>>
      %dma_wait3A_287 = tpu.memref_squeeze %dma_wait3A_286 : memref<1x624x128xf32, #tpu.memory_space<hbm>> -> memref<624x128xf32, #tpu.memory_space<hbm>>
      %dma_wait3A_288 = arith.constant 0 : i32
      %dma_wait3A_289 = tpu.memref_slice %arg13[%mul3A_274, %dma_wait3A_288] : memref<10000x128xf32, #tpu.memory_space<vmem_shared>> -> memref<624x128xf32, #tpu.memory_space<vmem_shared>>
      tpu.wait_dma2 semaphore(%run_scoped3A : memref<!tpu.dma_semaphore, #tpu.memory_space<semaphore_mem>>) src(%dma_wait3A_289 : memref<624x128xf32, #tpu.memory_space<vmem_shared>>) dst(%dma_wait3A_287 : memref<624x128xf32, #tpu.memory_space<hbm>>)
      tpu.yield
    }) : () -> ()
    %eq3A_275 = arith.constant 0 : i32
    %eq3A_276 = arith.cmpi eq, %arg1, %eq3A_275 : i32
    %convert_element_type3A_277 = arith.extui %eq3A_276 : i1 to i32
    %cond3A_278 = arith.constant 0 : i32
    %cond3A_279 = arith.cmpi ne, %convert_element_type3A_277, %cond3A_278 : i32
    scf.if %cond3A_279 {
      "tpu.region"() ({
        %run_scoped3A = tpu.sem_alloc : memref<!tpu.dma_semaphore, #tpu.memory_space<semaphore_mem>>
        %dma_start3A_280 = arith.constant 9984 : i32
        %dma_start3A_281 = arith.constant 0 : i32
        %dma_start3A_282 = tpu.memref_slice %arg5[%arg0, %dma_start3A_280, %dma_start3A_281] : memref<2x10000x128xf32, #tpu.memory_space<hbm>> -> memref<1x16x128xf32, #tpu.memory_space<hbm>>
        %dma_start3A_283 = tpu.memref_squeeze %dma_start3A_282 : memref<1x16x128xf32, #tpu.memory_space<hbm>> -> memref<16x128xf32, #tpu.memory_space<hbm>>
        %dma_start3A_284 = arith.constant 9984 : i32
        %dma_start3A_285 = arith.constant 0 : i32
        %dma_start3A_286 = tpu.memref_slice %arg13[%dma_start3A_284, %dma_start3A_285] : memref<10000x128xf32, #tpu.memory_space<vmem_shared>> -> memref<16x128xf32, #tpu.memory_space<vmem_shared>>
        tpu.enqueue_dma source(%dma_start3A_286 : memref<16x128xf32, #tpu.memory_space<vmem_shared>>) target(%dma_start3A_283 : memref<16x128xf32, #tpu.memory_space<hbm>>) target_semaphore(%run_scoped3A : memref<!tpu.dma_semaphore, #tpu.memory_space<semaphore_mem>>)
        %dma_wait3A_287 = arith.constant 9984 : i32
        %dma_wait3A_288 = arith.constant 0 : i32
        %dma_wait3A_289 = tpu.memref_slice %arg5[%arg0, %dma_wait3A_287, %dma_wait3A_288] : memref<2x10000x128xf32, #tpu.memory_space<hbm>> -> memref<1x16x128xf32, #tpu.memory_space<hbm>>
        %dma_wait3A_290 = tpu.memref_squeeze %dma_wait3A_289 : memref<1x16x128xf32, #tpu.memory_space<hbm>> -> memref<16x128xf32, #tpu.memory_space<hbm>>
        %dma_wait3A_291 = arith.constant 9984 : i32
        %dma_wait3A_292 = arith.constant 0 : i32
        %dma_wait3A_293 = tpu.memref_slice %arg13[%dma_wait3A_291, %dma_wait3A_292] : memref<10000x128xf32, #tpu.memory_space<vmem_shared>> -> memref<16x128xf32, #tpu.memory_space<vmem_shared>>
        tpu.wait_dma2 semaphore(%run_scoped3A : memref<!tpu.dma_semaphore, #tpu.memory_space<semaphore_mem>>) src(%dma_wait3A_293 : memref<16x128xf32, #tpu.memory_space<vmem_shared>>) dst(%dma_wait3A_290 : memref<16x128xf32, #tpu.memory_space<hbm>>)
        tpu.yield
      }) : () -> ()
    } else {
    }
    return
  }
}

#map = affine_map<(d0, d1) -> (0, 0)>
#map1 = affine_map<(d0, d1) -> (0)>
#map2 = affine_map<(d0, d1) -> (0, 0, 0)>
module attributes {stable_mosaic.version = 14 : i64} {
  func.func @_sc_scatter(%arg0: i32, %arg1: i32, %arg2: memref<10000x128xf32, #tpu.memory_space<hbm>>, %arg3: memref<320000xi32, #tpu.memory_space<hbm>>, %arg4: memref<320000xi32, #tpu.memory_space<hbm>>, %arg5: memref<2x10000x128xf32, #tpu.memory_space<hbm>>, %arg6: memref<10000xi32, #tpu.memory_space<vmem>>, %arg7: memref<80xi32, #tpu.memory_space<vmem>>, %arg8: memref<80xi32, #tpu.memory_space<vmem>>, %arg9: memref<80xi32, #tpu.memory_space<vmem>>, %arg10: memref<80x128xf32, #tpu.memory_space<vmem>>, %arg11: memref<80x128xf32, #tpu.memory_space<vmem>>, %arg12: memref<80x128xf32, #tpu.memory_space<vmem>>, %arg13: memref<10000x128xf32, #tpu.memory_space<vmem_shared>>, %arg14: memref<!tpu.dma_semaphore, #tpu.memory_space<semaphore_mem>>, %arg15: memref<!tpu.dma_semaphore, #tpu.memory_space<semaphore_mem>>, %arg16: memref<!tpu.dma_semaphore, #tpu.memory_space<semaphore_mem>>, %arg17: memref<!tpu.dma_semaphore, #tpu.memory_space<semaphore_mem>>, %arg18: memref<!tpu.dma_semaphore, #tpu.memory_space<semaphore_mem>>, %arg19: memref<!tpu.dma_semaphore, #tpu.memory_space<semaphore_mem>>, %arg20: memref<!tpu.dma_semaphore, #tpu.memory_space<semaphore_mem>>, %arg21: memref<!tpu.dma_semaphore, #tpu.memory_space<semaphore_mem>>, %arg22: memref<!tpu.dma_semaphore, #tpu.memory_space<semaphore_mem>>) attributes {dimension_semantics = [#tpu.dimension_semantics<core_parallel>, #tpu.dimension_semantics<subcore_parallel>], iteration_bounds = array<i64: 2, 16>, scalar_prefetch = 0 : i64, scratch_operands = 17 : i64, tpu.core_type = #tpu.core_type<sc_vector_subcore>, window_params = [{transform_indices = #map}, {transform_indices = #map1}, {transform_indices = #map1}, {transform_indices = #map2}]} {
    %mul3A = arith.constant 16 : i32
    %mul3A_0 = arith.muli %arg0, %mul3A : i32
    %add3A = arith.addi %mul3A_0, %arg1 : i32
    %mul3A_1 = arith.constant 10000 : i32
    %mul3A_2 = arith.muli %add3A, %mul3A_1 : i32
    %dma_start3A = tpu.memref_slice %arg3[%mul3A_2] : memref<320000xi32, #tpu.memory_space<hbm>> -> memref<10000xi32, #tpu.memory_space<hbm>>
    %dma_start3A_3 = tpu.memref_slice %arg3[%mul3A_2] : memref<320000xi32, #tpu.memory_space<hbm>> -> memref<10000xi32, #tpu.memory_space<hbm>>
    tpu.enqueue_dma source(%dma_start3A_3 : memref<10000xi32, #tpu.memory_space<hbm>>) target(%arg6 : memref<10000xi32, #tpu.memory_space<vmem>>) target_semaphore(%arg14 : memref<!tpu.dma_semaphore, #tpu.memory_space<semaphore_mem>>)
    %scan3A = arith.constant 0 : i32
    %scan3A_4 = arith.constant 0 : i32
    %scan3A_5 = arith.constant 80 : i32
    %scan3A_6 = arith.addi %scan3A_4, %scan3A_5 : i32
    %scan3A_7 = arith.constant 1 : i32
    %scan3A_8 = scf.for %scan3A_280 = %scan3A_4 to %scan3A_6 step %scan3A_7 iter_args(%scan3A_281 = %scan3A) -> (i32)  : i32 {
      %broadcast_in_dim3A = arith.constant 0.000000e+00 : f32
      %broadcast_in_dim3A_282 = vector.broadcast %broadcast_in_dim3A : f32 to vector<16xf32>
      %swap3A = arith.index_cast %scan3A_280 : i32 to index
      %swap3A_283 = arith.constant 0 : index
      %swap3A_284 = tpu.vector_load %arg10[%swap3A, %swap3A_283] {strides = array<i32>} : memref<80x128xf32, #tpu.memory_space<vmem>>, vector<1x16xf32>,
      %swap3A_285 = vector.shape_cast %swap3A_284 : vector<1x16xf32> to vector<16xf32>
      %swap3A_286 = vector.shape_cast %broadcast_in_dim3A_282 : vector<16xf32> to vector<1x16xf32>
      tpu.vector_store %arg10[%swap3A, %swap3A_283], %swap3A_286 {strides = array<i32>} : memref<80x128xf32, #tpu.memory_space<vmem>>, vector<1x16xf32>,
      %broadcast_in_dim3A_287 = arith.constant 0.000000e+00 : f32
      %broadcast_in_dim3A_288 = vector.broadcast %broadcast_in_dim3A_287 : f32 to vector<16xf32>
      %swap3A_289 = arith.index_cast %scan3A_280 : i32 to index
      %swap3A_290 = arith.constant 16 : index
      %swap3A_291 = tpu.vector_load %arg10[%swap3A_289, %swap3A_290] {strides = array<i32>} : memref<80x128xf32, #tpu.memory_space<vmem>>, vector<1x16xf32>,
      %swap3A_292 = vector.shape_cast %swap3A_291 : vector<1x16xf32> to vector<16xf32>
      %swap3A_293 = vector.shape_cast %broadcast_in_dim3A_288 : vector<16xf32> to vector<1x16xf32>
      tpu.vector_store %arg10[%swap3A_289, %swap3A_290], %swap3A_293 {strides = array<i32>} : memref<80x128xf32, #tpu.memory_space<vmem>>, vector<1x16xf32>,
      %broadcast_in_dim3A_294 = arith.constant 0.000000e+00 : f32
      %broadcast_in_dim3A_295 = vector.broadcast %broadcast_in_dim3A_294 : f32 to vector<16xf32>
      %swap3A_296 = arith.index_cast %scan3A_280 : i32 to index
      %swap3A_297 = arith.constant 32 : index
      %swap3A_298 = tpu.vector_load %arg10[%swap3A_296, %swap3A_297] {strides = array<i32>} : memref<80x128xf32, #tpu.memory_space<vmem>>, vector<1x16xf32>,
      %swap3A_299 = vector.shape_cast %swap3A_298 : vector<1x16xf32> to vector<16xf32>
      %swap3A_300 = vector.shape_cast %broadcast_in_dim3A_295 : vector<16xf32> to vector<1x16xf32>
      tpu.vector_store %arg10[%swap3A_296, %swap3A_297], %swap3A_300 {strides = array<i32>} : memref<80x128xf32, #tpu.memory_space<vmem>>, vector<1x16xf32>,
      %broadcast_in_dim3A_301 = arith.constant 0.000000e+00 : f32
      %broadcast_in_dim3A_302 = vector.broadcast %broadcast_in_dim3A_301 : f32 to vector<16xf32>
      %swap3A_303 = arith.index_cast %scan3A_280 : i32 to index
      %swap3A_304 = arith.constant 48 : index
      %swap3A_305 = tpu.vector_load %arg10[%swap3A_303, %swap3A_304] {strides = array<i32>} : memref<80x128xf32, #tpu.memory_space<vmem>>, vector<1x16xf32>,
      %swap3A_306 = vector.shape_cast %swap3A_305 : vector<1x16xf32> to vector<16xf32>
      %swap3A_307 = vector.shape_cast %broadcast_in_dim3A_302 : vector<16xf32> to vector<1x16xf32>
      tpu.vector_store %arg10[%swap3A_303, %swap3A_304], %swap3A_307 {strides = array<i32>} : memref<80x128xf32, #tpu.memory_space<vmem>>, vector<1x16xf32>,
      %broadcast_in_dim3A_308 = arith.constant 0.000000e+00 : f32
      %broadcast_in_dim3A_309 = vector.broadcast %broadcast_in_dim3A_308 : f32 to vector<16xf32>
      %swap3A_310 = arith.index_cast %scan3A_280 : i32 to index
      %swap3A_311 = arith.constant 64 : index
      %swap3A_312 = tpu.vector_load %arg10[%swap3A_310, %swap3A_311] {strides = array<i32>} : memref<80x128xf32, #tpu.memory_space<vmem>>, vector<1x16xf32>,
      %swap3A_313 = vector.shape_cast %swap3A_312 : vector<1x16xf32> to vector<16xf32>
      %swap3A_314 = vector.shape_cast %broadcast_in_dim3A_309 : vector<16xf32> to vector<1x16xf32>
      tpu.vector_store %arg10[%swap3A_310, %swap3A_311], %swap3A_314 {strides = array<i32>} : memref<80x128xf32, #tpu.memory_space<vmem>>, vector<1x16xf32>,
      %broadcast_in_dim3A_315 = arith.constant 0.000000e+00 : f32
      %broadcast_in_dim3A_316 = vector.broadcast %broadcast_in_dim3A_315 : f32 to vector<16xf32>
      %swap3A_317 = arith.index_cast %scan3A_280 : i32 to index
      %swap3A_318 = arith.constant 80 : index
      %swap3A_319 = tpu.vector_load %arg10[%swap3A_317, %swap3A_318] {strides = array<i32>} : memref<80x128xf32, #tpu.memory_space<vmem>>, vector<1x16xf32>,
      %swap3A_320 = vector.shape_cast %swap3A_319 : vector<1x16xf32> to vector<16xf32>
      %swap3A_321 = vector.shape_cast %broadcast_in_dim3A_316 : vector<16xf32> to vector<1x16xf32>
      tpu.vector_store %arg10[%swap3A_317, %swap3A_318], %swap3A_321 {strides = array<i32>} : memref<80x128xf32, #tpu.memory_space<vmem>>, vector<1x16xf32>,
      %broadcast_in_dim3A_322 = arith.constant 0.000000e+00 : f32
      %broadcast_in_dim3A_323 = vector.broadcast %broadcast_in_dim3A_322 : f32 to vector<16xf32>
      %swap3A_324 = arith.index_cast %scan3A_280 : i32 to index
      %swap3A_325 = arith.constant 96 : index
      %swap3A_326 = tpu.vector_load %arg10[%swap3A_324, %swap3A_325] {strides = array<i32>} : memref<80x128xf32, #tpu.memory_space<vmem>>, vector<1x16xf32>,
      %swap3A_327 = vector.shape_cast %swap3A_326 : vector<1x16xf32> to vector<16xf32>
      %swap3A_328 = vector.shape_cast %broadcast_in_dim3A_323 : vector<16xf32> to vector<1x16xf32>
      tpu.vector_store %arg10[%swap3A_324, %swap3A_325], %swap3A_328 {strides = array<i32>} : memref<80x128xf32, #tpu.memory_space<vmem>>, vector<1x16xf32>,
      %broadcast_in_dim3A_329 = arith.constant 0.000000e+00 : f32
      %broadcast_in_dim3A_330 = vector.broadcast %broadcast_in_dim3A_329 : f32 to vector<16xf32>
      %swap3A_331 = arith.index_cast %scan3A_280 : i32 to index
      %swap3A_332 = arith.constant 112 : index
      %swap3A_333 = tpu.vector_load %arg10[%swap3A_331, %swap3A_332] {strides = array<i32>} : memref<80x128xf32, #tpu.memory_space<vmem>>, vector<1x16xf32>,
      %swap3A_334 = vector.shape_cast %swap3A_333 : vector<1x16xf32> to vector<16xf32>
      %swap3A_335 = vector.shape_cast %broadcast_in_dim3A_330 : vector<16xf32> to vector<1x16xf32>
      tpu.vector_store %arg10[%swap3A_331, %swap3A_332], %swap3A_335 {strides = array<i32>} : memref<80x128xf32, #tpu.memory_space<vmem>>, vector<1x16xf32>,
      %scan3A_336 = arith.constant 0 : i32
      scf.yield %scan3A_336 : i32
    }
    %scan3A_9 = arith.constant 80 : i32
    %mul3A_10 = arith.constant 624 : i32
    %mul3A_11 = arith.muli %arg1, %mul3A_10 : i32
    %add3A_12 = arith.constant 0 : i32
    %add3A_13 = arith.addi %mul3A_11, %add3A_12 : i32
    %dma_start3A_14 = arith.constant 0 : i32
    %dma_start3A_15 = tpu.memref_slice %arg13[%add3A_13, %dma_start3A_14] : memref<10000x128xf32, #tpu.memory_space<vmem_shared>> -> memref<80x128xf32, #tpu.memory_space<vmem_shared>>
    %dma_start3A_16 = arith.constant 0 : i32
    %dma_start3A_17 = tpu.memref_slice %arg13[%add3A_13, %dma_start3A_16] : memref<10000x128xf32, #tpu.memory_space<vmem_shared>> -> memref<80x128xf32, #tpu.memory_space<vmem_shared>>
    tpu.enqueue_dma source(%arg10 : memref<80x128xf32, #tpu.memory_space<vmem>>) target(%dma_start3A_17 : memref<80x128xf32, #tpu.memory_space<vmem_shared>>) target_semaphore(%arg16 : memref<!tpu.dma_semaphore, #tpu.memory_space<semaphore_mem>>)
    %mul3A_18 = arith.constant 624 : i32
    %mul3A_19 = arith.muli %arg1, %mul3A_18 : i32
    %add3A_20 = arith.constant 80 : i32
    %add3A_21 = arith.addi %mul3A_19, %add3A_20 : i32
    %dma_start3A_22 = arith.constant 0 : i32
    %dma_start3A_23 = tpu.memref_slice %arg13[%add3A_21, %dma_start3A_22] : memref<10000x128xf32, #tpu.memory_space<vmem_shared>> -> memref<80x128xf32, #tpu.memory_space<vmem_shared>>
    %dma_start3A_24 = arith.constant 0 : i32
    %dma_start3A_25 = tpu.memref_slice %arg13[%add3A_21, %dma_start3A_24] : memref<10000x128xf32, #tpu.memory_space<vmem_shared>> -> memref<80x128xf32, #tpu.memory_space<vmem_shared>>
    tpu.enqueue_dma source(%arg10 : memref<80x128xf32, #tpu.memory_space<vmem>>) target(%dma_start3A_25 : memref<80x128xf32, #tpu.memory_space<vmem_shared>>) target_semaphore(%arg16 : memref<!tpu.dma_semaphore, #tpu.memory_space<semaphore_mem>>)
    %mul3A_26 = arith.constant 624 : i32
    %mul3A_27 = arith.muli %arg1, %mul3A_26 : i32
    %add3A_28 = arith.constant 160 : i32
    %add3A_29 = arith.addi %mul3A_27, %add3A_28 : i32
    %dma_start3A_30 = arith.constant 0 : i32
    %dma_start3A_31 = tpu.memref_slice %arg13[%add3A_29, %dma_start3A_30] : memref<10000x128xf32, #tpu.memory_space<vmem_shared>> -> memref<80x128xf32, #tpu.memory_space<vmem_shared>>
    %dma_start3A_32 = arith.constant 0 : i32
    %dma_start3A_33 = tpu.memref_slice %arg13[%add3A_29, %dma_start3A_32] : memref<10000x128xf32, #tpu.memory_space<vmem_shared>> -> memref<80x128xf32, #tpu.memory_space<vmem_shared>>
    tpu.enqueue_dma source(%arg10 : memref<80x128xf32, #tpu.memory_space<vmem>>) target(%dma_start3A_33 : memref<80x128xf32, #tpu.memory_space<vmem_shared>>) target_semaphore(%arg16 : memref<!tpu.dma_semaphore, #tpu.memory_space<semaphore_mem>>)
    %mul3A_34 = arith.constant 624 : i32
    %mul3A_35 = arith.muli %arg1, %mul3A_34 : i32
    %add3A_36 = arith.constant 240 : i32
    %add3A_37 = arith.addi %mul3A_35, %add3A_36 : i32
    %dma_start3A_38 = arith.constant 0 : i32
    %dma_start3A_39 = tpu.memref_slice %arg13[%add3A_37, %dma_start3A_38] : memref<10000x128xf32, #tpu.memory_space<vmem_shared>> -> memref<80x128xf32, #tpu.memory_space<vmem_shared>>
    %dma_start3A_40 = arith.constant 0 : i32
    %dma_start3A_41 = tpu.memref_slice %arg13[%add3A_37, %dma_start3A_40] : memref<10000x128xf32, #tpu.memory_space<vmem_shared>> -> memref<80x128xf32, #tpu.memory_space<vmem_shared>>
    tpu.enqueue_dma source(%arg10 : memref<80x128xf32, #tpu.memory_space<vmem>>) target(%dma_start3A_41 : memref<80x128xf32, #tpu.memory_space<vmem_shared>>) target_semaphore(%arg16 : memref<!tpu.dma_semaphore, #tpu.memory_space<semaphore_mem>>)
    %mul3A_42 = arith.constant 624 : i32
    %mul3A_43 = arith.muli %arg1, %mul3A_42 : i32
    %add3A_44 = arith.constant 320 : i32
    %add3A_45 = arith.addi %mul3A_43, %add3A_44 : i32
    %dma_start3A_46 = arith.constant 0 : i32
    %dma_start3A_47 = tpu.memref_slice %arg13[%add3A_45, %dma_start3A_46] : memref<10000x128xf32, #tpu.memory_space<vmem_shared>> -> memref<80x128xf32, #tpu.memory_space<vmem_shared>>
    %dma_start3A_48 = arith.constant 0 : i32
    %dma_start3A_49 = tpu.memref_slice %arg13[%add3A_45, %dma_start3A_48] : memref<10000x128xf32, #tpu.memory_space<vmem_shared>> -> memref<80x128xf32, #tpu.memory_space<vmem_shared>>
    tpu.enqueue_dma source(%arg10 : memref<80x128xf32, #tpu.memory_space<vmem>>) target(%dma_start3A_49 : memref<80x128xf32, #tpu.memory_space<vmem_shared>>) target_semaphore(%arg16 : memref<!tpu.dma_semaphore, #tpu.memory_space<semaphore_mem>>)
    %mul3A_50 = arith.constant 624 : i32
    %mul3A_51 = arith.muli %arg1, %mul3A_50 : i32
    %add3A_52 = arith.constant 400 : i32
    %add3A_53 = arith.addi %mul3A_51, %add3A_52 : i32
    %dma_start3A_54 = arith.constant 0 : i32
    %dma_start3A_55 = tpu.memref_slice %arg13[%add3A_53, %dma_start3A_54] : memref<10000x128xf32, #tpu.memory_space<vmem_shared>> -> memref<80x128xf32, #tpu.memory_space<vmem_shared>>
    %dma_start3A_56 = arith.constant 0 : i32
    %dma_start3A_57 = tpu.memref_slice %arg13[%add3A_53, %dma_start3A_56] : memref<10000x128xf32, #tpu.memory_space<vmem_shared>> -> memref<80x128xf32, #tpu.memory_space<vmem_shared>>
    tpu.enqueue_dma source(%arg10 : memref<80x128xf32, #tpu.memory_space<vmem>>) target(%dma_start3A_57 : memref<80x128xf32, #tpu.memory_space<vmem_shared>>) target_semaphore(%arg16 : memref<!tpu.dma_semaphore, #tpu.memory_space<semaphore_mem>>)
    %mul3A_58 = arith.constant 624 : i32
    %mul3A_59 = arith.muli %arg1, %mul3A_58 : i32
    %add3A_60 = arith.constant 480 : i32
    %add3A_61 = arith.addi %mul3A_59, %add3A_60 : i32
    %dma_start3A_62 = arith.constant 0 : i32
    %dma_start3A_63 = tpu.memref_slice %arg13[%add3A_61, %dma_start3A_62] : memref<10000x128xf32, #tpu.memory_space<vmem_shared>> -> memref<80x128xf32, #tpu.memory_space<vmem_shared>>
    %dma_start3A_64 = arith.constant 0 : i32
    %dma_start3A_65 = tpu.memref_slice %arg13[%add3A_61, %dma_start3A_64] : memref<10000x128xf32, #tpu.memory_space<vmem_shared>> -> memref<80x128xf32, #tpu.memory_space<vmem_shared>>
    tpu.enqueue_dma source(%arg10 : memref<80x128xf32, #tpu.memory_space<vmem>>) target(%dma_start3A_65 : memref<80x128xf32, #tpu.memory_space<vmem_shared>>) target_semaphore(%arg16 : memref<!tpu.dma_semaphore, #tpu.memory_space<semaphore_mem>>)
    %mul3A_66 = arith.constant 624 : i32
    %mul3A_67 = arith.muli %arg1, %mul3A_66 : i32
    %add3A_68 = arith.constant 624 : i32
    %add3A_69 = arith.addi %mul3A_67, %add3A_68 : i32
    %sub3A = arith.constant 64 : i32
    %sub3A_70 = arith.subi %add3A_69, %sub3A : i32
    %dma_start3A_71 = arith.constant 0 : i32
    %dma_start3A_72 = arith.constant 0 : i32
    %dma_start3A_73 = tpu.memref_slice %arg10[%dma_start3A_71, %dma_start3A_72] : memref<80x128xf32, #tpu.memory_space<vmem>> -> memref<64x128xf32, #tpu.memory_space<vmem>>
    %dma_start3A_74 = arith.constant 0 : i32
    %dma_start3A_75 = tpu.memref_slice %arg13[%sub3A_70, %dma_start3A_74] : memref<10000x128xf32, #tpu.memory_space<vmem_shared>> -> memref<64x128xf32, #tpu.memory_space<vmem_shared>>
    %dma_start3A_76 = arith.constant 0 : i32
    %dma_start3A_77 = tpu.memref_slice %arg13[%sub3A_70, %dma_start3A_76] : memref<10000x128xf32, #tpu.memory_space<vmem_shared>> -> memref<64x128xf32, #tpu.memory_space<vmem_shared>>
    %dma_start3A_78 = arith.constant 0 : i32
    %dma_start3A_79 = arith.constant 0 : i32
    %dma_start3A_80 = tpu.memref_slice %arg10[%dma_start3A_78, %dma_start3A_79] : memref<80x128xf32, #tpu.memory_space<vmem>> -> memref<64x128xf32, #tpu.memory_space<vmem>>
    tpu.enqueue_dma source(%dma_start3A_80 : memref<64x128xf32, #tpu.memory_space<vmem>>) target(%dma_start3A_77 : memref<64x128xf32, #tpu.memory_space<vmem_shared>>) target_semaphore(%arg16 : memref<!tpu.dma_semaphore, #tpu.memory_space<semaphore_mem>>)
    %eq3A = arith.constant 0 : i32
    %eq3A_81 = arith.cmpi eq, %arg1, %eq3A : i32
    %convert_element_type3A = arith.extui %eq3A_81 : i1 to i32
    %cond3A = arith.constant 0 : i32
    %cond3A_82 = arith.cmpi ne, %convert_element_type3A, %cond3A : i32
    scf.if %cond3A_82 {
      "tpu.region"() ({
        %run_scoped3A = tpu.sem_alloc : memref<!tpu.dma_semaphore, #tpu.memory_space<semaphore_mem>>
        %dma_start3A_280 = arith.constant 0 : i32
        %dma_start3A_281 = arith.constant 0 : i32
        %dma_start3A_282 = tpu.memref_slice %arg10[%dma_start3A_280, %dma_start3A_281] : memref<80x128xf32, #tpu.memory_space<vmem>> -> memref<16x128xf32, #tpu.memory_space<vmem>>
        %dma_start3A_283 = arith.constant 9984 : i32
        %dma_start3A_284 = arith.constant 0 : i32
        %dma_start3A_285 = tpu.memref_slice %arg13[%dma_start3A_283, %dma_start3A_284] : memref<10000x128xf32, #tpu.memory_space<vmem_shared>> -> memref<16x128xf32, #tpu.memory_space<vmem_shared>>
        %dma_start3A_286 = arith.constant 9984 : i32
        %dma_start3A_287 = arith.constant 0 : i32
        %dma_start3A_288 = tpu.memref_slice %arg13[%dma_start3A_286, %dma_start3A_287] : memref<10000x128xf32, #tpu.memory_space<vmem_shared>> -> memref<16x128xf32, #tpu.memory_space<vmem_shared>>
        %dma_start3A_289 = arith.constant 0 : i32
        %dma_start3A_290 = arith.constant 0 : i32
        %dma_start3A_291 = tpu.memref_slice %arg10[%dma_start3A_289, %dma_start3A_290] : memref<80x128xf32, #tpu.memory_space<vmem>> -> memref<16x128xf32, #tpu.memory_space<vmem>>
        tpu.enqueue_dma source(%dma_start3A_291 : memref<16x128xf32, #tpu.memory_space<vmem>>) target(%dma_start3A_288 : memref<16x128xf32, #tpu.memory_space<vmem_shared>>) target_semaphore(%run_scoped3A : memref<!tpu.dma_semaphore, #tpu.memory_space<semaphore_mem>>)
        %dma_wait3A_292 = arith.constant 0 : i32
        %dma_wait3A_293 = arith.constant 0 : i32
        %dma_wait3A_294 = tpu.memref_slice %arg10[%dma_wait3A_292, %dma_wait3A_293] : memref<80x128xf32, #tpu.memory_space<vmem>> -> memref<16x128xf32, #tpu.memory_space<vmem>>
        %dma_wait3A_295 = arith.constant 9984 : i32
        %dma_wait3A_296 = arith.constant 0 : i32
        %dma_wait3A_297 = tpu.memref_slice %arg13[%dma_wait3A_295, %dma_wait3A_296] : memref<10000x128xf32, #tpu.memory_space<vmem_shared>> -> memref<16x128xf32, #tpu.memory_space<vmem_shared>>
        %dma_wait3A_298 = arith.constant 9984 : i32
        %dma_wait3A_299 = arith.constant 0 : i32
        %dma_wait3A_300 = tpu.memref_slice %arg13[%dma_wait3A_298, %dma_wait3A_299] : memref<10000x128xf32, #tpu.memory_space<vmem_shared>> -> memref<16x128xf32, #tpu.memory_space<vmem_shared>>
        %dma_wait3A_301 = arith.constant 0 : i32
        %dma_wait3A_302 = arith.constant 0 : i32
        %dma_wait3A_303 = tpu.memref_slice %arg10[%dma_wait3A_301, %dma_wait3A_302] : memref<80x128xf32, #tpu.memory_space<vmem>> -> memref<16x128xf32, #tpu.memory_space<vmem>>
        tpu.wait_dma2 semaphore(%run_scoped3A : memref<!tpu.dma_semaphore, #tpu.memory_space<semaphore_mem>>) src(%dma_wait3A_303 : memref<16x128xf32, #tpu.memory_space<vmem>>) dst(%dma_wait3A_300 : memref<16x128xf32, #tpu.memory_space<vmem_shared>>)
        tpu.yield
      }) : () -> ()
    } else {
    }
    %dma_wait3A = arith.constant 0 : i32
    %dma_wait3A_83 = tpu.memref_slice %arg3[%dma_wait3A] : memref<320000xi32, #tpu.memory_space<hbm>> -> memref<10000xi32, #tpu.memory_space<hbm>>
    %dma_wait3A_84 = arith.constant 0 : i32
    %dma_wait3A_85 = tpu.memref_slice %arg3[%dma_wait3A_84] : memref<320000xi32, #tpu.memory_space<hbm>> -> memref<10000xi32, #tpu.memory_space<hbm>>
    tpu.wait_dma2 semaphore(%arg14 : memref<!tpu.dma_semaphore, #tpu.memory_space<semaphore_mem>>) src(%dma_wait3A_85 : memref<10000xi32, #tpu.memory_space<hbm>>) dst(%arg6 : memref<10000xi32, #tpu.memory_space<vmem>>)
    %dma_wait3A_86 = arith.constant 0 : i32
    %dma_wait3A_87 = arith.constant 0 : i32
    %dma_wait3A_88 = tpu.memref_slice %arg13[%dma_wait3A_86, %dma_wait3A_87] : memref<10000x128xf32, #tpu.memory_space<vmem_shared>> -> memref<80x128xf32, #tpu.memory_space<vmem_shared>>
    %dma_wait3A_89 = arith.constant 0 : i32
    %dma_wait3A_90 = arith.constant 0 : i32
    %dma_wait3A_91 = tpu.memref_slice %arg13[%dma_wait3A_89, %dma_wait3A_90] : memref<10000x128xf32, #tpu.memory_space<vmem_shared>> -> memref<80x128xf32, #tpu.memory_space<vmem_shared>>
    tpu.wait_dma2 semaphore(%arg16 : memref<!tpu.dma_semaphore, #tpu.memory_space<semaphore_mem>>) src(%arg10 : memref<80x128xf32, #tpu.memory_space<vmem>>) dst(%dma_wait3A_91 : memref<80x128xf32, #tpu.memory_space<vmem_shared>>)
    %dma_wait3A_92 = arith.constant 0 : i32
    %dma_wait3A_93 = arith.constant 0 : i32
    %dma_wait3A_94 = tpu.memref_slice %arg13[%dma_wait3A_92, %dma_wait3A_93] : memref<10000x128xf32, #tpu.memory_space<vmem_shared>> -> memref<80x128xf32, #tpu.memory_space<vmem_shared>>
    %dma_wait3A_95 = arith.constant 0 : i32
    %dma_wait3A_96 = arith.constant 0 : i32
    %dma_wait3A_97 = tpu.memref_slice %arg13[%dma_wait3A_95, %dma_wait3A_96] : memref<10000x128xf32, #tpu.memory_space<vmem_shared>> -> memref<80x128xf32, #tpu.memory_space<vmem_shared>>
    tpu.wait_dma2 semaphore(%arg16 : memref<!tpu.dma_semaphore, #tpu.memory_space<semaphore_mem>>) src(%arg10 : memref<80x128xf32, #tpu.memory_space<vmem>>) dst(%dma_wait3A_97 : memref<80x128xf32, #tpu.memory_space<vmem_shared>>)
    %dma_wait3A_98 = arith.constant 0 : i32
    %dma_wait3A_99 = arith.constant 0 : i32
    %dma_wait3A_100 = tpu.memref_slice %arg13[%dma_wait3A_98, %dma_wait3A_99] : memref<10000x128xf32, #tpu.memory_space<vmem_shared>> -> memref<80x128xf32, #tpu.memory_space<vmem_shared>>
    %dma_wait3A_101 = arith.constant 0 : i32
    %dma_wait3A_102 = arith.constant 0 : i32
    %dma_wait3A_103 = tpu.memref_slice %arg13[%dma_wait3A_101, %dma_wait3A_102] : memref<10000x128xf32, #tpu.memory_space<vmem_shared>> -> memref<80x128xf32, #tpu.memory_space<vmem_shared>>
    tpu.wait_dma2 semaphore(%arg16 : memref<!tpu.dma_semaphore, #tpu.memory_space<semaphore_mem>>) src(%arg10 : memref<80x128xf32, #tpu.memory_space<vmem>>) dst(%dma_wait3A_103 : memref<80x128xf32, #tpu.memory_space<vmem_shared>>)
    %dma_wait3A_104 = arith.constant 0 : i32
    %dma_wait3A_105 = arith.constant 0 : i32
    %dma_wait3A_106 = tpu.memref_slice %arg13[%dma_wait3A_104, %dma_wait3A_105] : memref<10000x128xf32, #tpu.memory_space<vmem_shared>> -> memref<80x128xf32, #tpu.memory_space<vmem_shared>>
    %dma_wait3A_107 = arith.constant 0 : i32
    %dma_wait3A_108 = arith.constant 0 : i32
    %dma_wait3A_109 = tpu.memref_slice %arg13[%dma_wait3A_107, %dma_wait3A_108] : memref<10000x128xf32, #tpu.memory_space<vmem_shared>> -> memref<80x128xf32, #tpu.memory_space<vmem_shared>>
    tpu.wait_dma2 semaphore(%arg16 : memref<!tpu.dma_semaphore, #tpu.memory_space<semaphore_mem>>) src(%arg10 : memref<80x128xf32, #tpu.memory_space<vmem>>) dst(%dma_wait3A_109 : memref<80x128xf32, #tpu.memory_space<vmem_shared>>)
    %dma_wait3A_110 = arith.constant 0 : i32
    %dma_wait3A_111 = arith.constant 0 : i32
    %dma_wait3A_112 = tpu.memref_slice %arg13[%dma_wait3A_110, %dma_wait3A_111] : memref<10000x128xf32, #tpu.memory_space<vmem_shared>> -> memref<80x128xf32, #tpu.memory_space<vmem_shared>>
    %dma_wait3A_113 = arith.constant 0 : i32
    %dma_wait3A_114 = arith.constant 0 : i32
    %dma_wait3A_115 = tpu.memref_slice %arg13[%dma_wait3A_113, %dma_wait3A_114] : memref<10000x128xf32, #tpu.memory_space<vmem_shared>> -> memref<80x128xf32, #tpu.memory_space<vmem_shared>>
    tpu.wait_dma2 semaphore(%arg16 : memref<!tpu.dma_semaphore, #tpu.memory_space<semaphore_mem>>) src(%arg10 : memref<80x128xf32, #tpu.memory_space<vmem>>) dst(%dma_wait3A_115 : memref<80x128xf32, #tpu.memory_space<vmem_shared>>)
    %dma_wait3A_116 = arith.constant 0 : i32
    %dma_wait3A_117 = arith.constant 0 : i32
    %dma_wait3A_118 = tpu.memref_slice %arg13[%dma_wait3A_116, %dma_wait3A_117] : memref<10000x128xf32, #tpu.memory_space<vmem_shared>> -> memref<80x128xf32, #tpu.memory_space<vmem_shared>>
    %dma_wait3A_119 = arith.constant 0 : i32
    %dma_wait3A_120 = arith.constant 0 : i32
    %dma_wait3A_121 = tpu.memref_slice %arg13[%dma_wait3A_119, %dma_wait3A_120] : memref<10000x128xf32, #tpu.memory_space<vmem_shared>> -> memref<80x128xf32, #tpu.memory_space<vmem_shared>>
    tpu.wait_dma2 semaphore(%arg16 : memref<!tpu.dma_semaphore, #tpu.memory_space<semaphore_mem>>) src(%arg10 : memref<80x128xf32, #tpu.memory_space<vmem>>) dst(%dma_wait3A_121 : memref<80x128xf32, #tpu.memory_space<vmem_shared>>)
    %dma_wait3A_122 = arith.constant 0 : i32
    %dma_wait3A_123 = arith.constant 0 : i32
    %dma_wait3A_124 = tpu.memref_slice %arg13[%dma_wait3A_122, %dma_wait3A_123] : memref<10000x128xf32, #tpu.memory_space<vmem_shared>> -> memref<80x128xf32, #tpu.memory_space<vmem_shared>>
    %dma_wait3A_125 = arith.constant 0 : i32
    %dma_wait3A_126 = arith.constant 0 : i32
    %dma_wait3A_127 = tpu.memref_slice %arg13[%dma_wait3A_125, %dma_wait3A_126] : memref<10000x128xf32, #tpu.memory_space<vmem_shared>> -> memref<80x128xf32, #tpu.memory_space<vmem_shared>>
    tpu.wait_dma2 semaphore(%arg16 : memref<!tpu.dma_semaphore, #tpu.memory_space<semaphore_mem>>) src(%arg10 : memref<80x128xf32, #tpu.memory_space<vmem>>) dst(%dma_wait3A_127 : memref<80x128xf32, #tpu.memory_space<vmem_shared>>)
    %dma_wait3A_128 = arith.constant 0 : i32
    %dma_wait3A_129 = arith.constant 0 : i32
    %dma_wait3A_130 = tpu.memref_slice %arg10[%dma_wait3A_128, %dma_wait3A_129] : memref<80x128xf32, #tpu.memory_space<vmem>> -> memref<64x128xf32, #tpu.memory_space<vmem>>
    %dma_wait3A_131 = arith.constant 0 : i32
    %dma_wait3A_132 = arith.constant 0 : i32
    %dma_wait3A_133 = tpu.memref_slice %arg13[%dma_wait3A_131, %dma_wait3A_132] : memref<10000x128xf32, #tpu.memory_space<vmem_shared>> -> memref<64x128xf32, #tpu.memory_space<vmem_shared>>
    %dma_wait3A_134 = arith.constant 0 : i32
    %dma_wait3A_135 = arith.constant 0 : i32
    %dma_wait3A_136 = tpu.memref_slice %arg13[%dma_wait3A_134, %dma_wait3A_135] : memref<10000x128xf32, #tpu.memory_space<vmem_shared>> -> memref<64x128xf32, #tpu.memory_space<vmem_shared>>
    %dma_wait3A_137 = arith.constant 0 : i32
    %dma_wait3A_138 = arith.constant 0 : i32
    %dma_wait3A_139 = tpu.memref_slice %arg10[%dma_wait3A_137, %dma_wait3A_138] : memref<80x128xf32, #tpu.memory_space<vmem>> -> memref<64x128xf32, #tpu.memory_space<vmem>>
    tpu.wait_dma2 semaphore(%arg16 : memref<!tpu.dma_semaphore, #tpu.memory_space<semaphore_mem>>) src(%dma_wait3A_139 : memref<64x128xf32, #tpu.memory_space<vmem>>) dst(%dma_wait3A_136 : memref<64x128xf32, #tpu.memory_space<vmem_shared>>)
    %barrier3A = arith.constant 0 : index
    tpu.barrier barrier_id(%barrier3A)
    %dma_start3A_140 = arith.constant 0 : i32
    %dma_start3A_141 = tpu.memref_slice %arg6[%dma_start3A_140] : memref<10000xi32, #tpu.memory_space<vmem>> -> memref<80xi32, #tpu.memory_space<vmem>>
    %dma_start3A_142 = arith.constant 0 : i32
    %dma_start3A_143 = arith.constant 0 : i32
    %dma_start3A_144 = tpu.memref_slice %arg2[%dma_start3A_142, %dma_start3A_143] : memref<10000x128xf32, #tpu.memory_space<hbm>> -> memref<10000x128xf32, #tpu.memory_space<hbm>>
    tpu.enqueue_indirect_dma source(%dma_start3A_144 : memref<10000x128xf32, #tpu.memory_space<hbm>>) target(%arg10 : memref<80x128xf32, #tpu.memory_space<vmem>>) offsets(%dma_start3A_141 : memref<80xi32, #tpu.memory_space<vmem>>) semaphore(%arg14 : memref<!tpu.dma_semaphore, #tpu.memory_space<semaphore_mem>>)
    %dma_start3A_145 = arith.constant 80 : i32
    %dma_start3A_146 = tpu.memref_slice %arg6[%dma_start3A_145] : memref<10000xi32, #tpu.memory_space<vmem>> -> memref<80xi32, #tpu.memory_space<vmem>>
    %dma_start3A_147 = arith.constant 0 : i32
    %dma_start3A_148 = arith.constant 0 : i32
    %dma_start3A_149 = tpu.memref_slice %arg2[%dma_start3A_147, %dma_start3A_148] : memref<10000x128xf32, #tpu.memory_space<hbm>> -> memref<10000x128xf32, #tpu.memory_space<hbm>>
    tpu.enqueue_indirect_dma source(%dma_start3A_149 : memref<10000x128xf32, #tpu.memory_space<hbm>>) target(%arg11 : memref<80x128xf32, #tpu.memory_space<vmem>>) offsets(%dma_start3A_146 : memref<80xi32, #tpu.memory_space<vmem>>) semaphore(%arg15 : memref<!tpu.dma_semaphore, #tpu.memory_space<semaphore_mem>>)
    %add3A_150 = arith.constant 0 : i32
    %add3A_151 = arith.addi %mul3A_2, %add3A_150 : i32
    %dma_start3A_152 = tpu.memref_slice %arg4[%add3A_151] : memref<320000xi32, #tpu.memory_space<hbm>> -> memref<80xi32, #tpu.memory_space<hbm>>
    %dma_start3A_153 = tpu.memref_slice %arg4[%add3A_151] : memref<320000xi32, #tpu.memory_space<hbm>> -> memref<80xi32, #tpu.memory_space<hbm>>
    tpu.enqueue_dma source(%dma_start3A_153 : memref<80xi32, #tpu.memory_space<hbm>>) target(%arg7 : memref<80xi32, #tpu.memory_space<vmem>>) target_semaphore(%arg20 : memref<!tpu.dma_semaphore, #tpu.memory_space<semaphore_mem>>)
    %add3A_154 = arith.constant 80 : i32
    %add3A_155 = arith.addi %mul3A_2, %add3A_154 : i32
    %dma_start3A_156 = tpu.memref_slice %arg4[%add3A_155] : memref<320000xi32, #tpu.memory_space<hbm>> -> memref<80xi32, #tpu.memory_space<hbm>>
    %dma_start3A_157 = tpu.memref_slice %arg4[%add3A_155] : memref<320000xi32, #tpu.memory_space<hbm>> -> memref<80xi32, #tpu.memory_space<hbm>>
    tpu.enqueue_dma source(%dma_start3A_157 : memref<80xi32, #tpu.memory_space<hbm>>) target(%arg8 : memref<80xi32, #tpu.memory_space<vmem>>) target_semaphore(%arg21 : memref<!tpu.dma_semaphore, #tpu.memory_space<semaphore_mem>>)
    %dma_start3A_158 = arith.constant 160 : i32
    %dma_start3A_159 = tpu.memref_slice %arg6[%dma_start3A_158] : memref<10000xi32, #tpu.memory_space<vmem>> -> memref<80xi32, #tpu.memory_space<vmem>>
    %dma_start3A_160 = arith.constant 0 : i32
    %dma_start3A_161 = arith.constant 0 : i32
    %dma_start3A_162 = tpu.memref_slice %arg2[%dma_start3A_160, %dma_start3A_161] : memref<10000x128xf32, #tpu.memory_space<hbm>> -> memref<10000x128xf32, #tpu.memory_space<hbm>>
    tpu.enqueue_indirect_dma source(%dma_start3A_162 : memref<10000x128xf32, #tpu.memory_space<hbm>>) target(%arg12 : memref<80x128xf32, #tpu.memory_space<vmem>>) offsets(%dma_start3A_159 : memref<80xi32, #tpu.memory_space<vmem>>) semaphore(%arg16 : memref<!tpu.dma_semaphore, #tpu.memory_space<semaphore_mem>>)
    %add3A_163 = arith.constant 160 : i32
    %add3A_164 = arith.addi %mul3A_2, %add3A_163 : i32
    %dma_start3A_165 = tpu.memref_slice %arg4[%add3A_164] : memref<320000xi32, #tpu.memory_space<hbm>> -> memref<80xi32, #tpu.memory_space<hbm>>
    %dma_start3A_166 = tpu.memref_slice %arg4[%add3A_164] : memref<320000xi32, #tpu.memory_space<hbm>> -> memref<80xi32, #tpu.memory_space<hbm>>
    tpu.enqueue_dma source(%dma_start3A_166 : memref<80xi32, #tpu.memory_space<hbm>>) target(%arg9 : memref<80xi32, #tpu.memory_space<vmem>>) target_semaphore(%arg22 : memref<!tpu.dma_semaphore, #tpu.memory_space<semaphore_mem>>)
    %dma_wait3A_167 = arith.constant 0 : i32
    %dma_wait3A_168 = tpu.memref_slice %arg4[%dma_wait3A_167] : memref<320000xi32, #tpu.memory_space<hbm>> -> memref<80xi32, #tpu.memory_space<hbm>>
    %dma_wait3A_169 = arith.constant 0 : i32
    %dma_wait3A_170 = tpu.memref_slice %arg4[%dma_wait3A_169] : memref<320000xi32, #tpu.memory_space<hbm>> -> memref<80xi32, #tpu.memory_space<hbm>>
    tpu.wait_dma2 semaphore(%arg20 : memref<!tpu.dma_semaphore, #tpu.memory_space<semaphore_mem>>) src(%dma_wait3A_170 : memref<80xi32, #tpu.memory_space<hbm>>) dst(%arg7 : memref<80xi32, #tpu.memory_space<vmem>>)
    %dma_wait3A_171 = arith.constant 0 : i32
    %dma_wait3A_172 = arith.constant 0 : i32
    %dma_wait3A_173 = tpu.memref_slice %arg2[%dma_wait3A_171, %dma_wait3A_172] : memref<10000x128xf32, #tpu.memory_space<hbm>> -> memref<80x128xf32, #tpu.memory_space<hbm>>
    %dma_wait3A_174 = arith.constant 0 : i32
    %dma_wait3A_175 = arith.constant 0 : i32
    %dma_wait3A_176 = tpu.memref_slice %arg2[%dma_wait3A_174, %dma_wait3A_175] : memref<10000x128xf32, #tpu.memory_space<hbm>> -> memref<80x128xf32, #tpu.memory_space<hbm>>
    tpu.wait_dma2 semaphore(%arg14 : memref<!tpu.dma_semaphore, #tpu.memory_space<semaphore_mem>>) src(%dma_wait3A_176 : memref<80x128xf32, #tpu.memory_space<hbm>>) dst(%arg10 : memref<80x128xf32, #tpu.memory_space<vmem>>)
    %dma_start3A_177 = arith.constant 0 : i32
    %dma_start3A_178 = arith.constant 0 : i32
    %dma_start3A_179 = tpu.memref_slice %arg13[%dma_start3A_177, %dma_start3A_178] : memref<10000x128xf32, #tpu.memory_space<vmem_shared>> -> memref<10000x128xf32, #tpu.memory_space<vmem_shared>>
    tpu.enqueue_indirect_dma source(%arg10 : memref<80x128xf32, #tpu.memory_space<vmem>>) target(%dma_start3A_179 : memref<10000x128xf32, #tpu.memory_space<vmem_shared>>) offsets(%arg7 : memref<80xi32, #tpu.memory_space<vmem>>) semaphore(%arg17 : memref<!tpu.dma_semaphore, #tpu.memory_space<semaphore_mem>>) {add = true}
    %dma_wait3A_180 = arith.constant 0 : i32
    %dma_wait3A_181 = arith.constant 0 : i32
    %dma_wait3A_182 = tpu.memref_slice %arg13[%dma_wait3A_180, %dma_wait3A_181] : memref<10000x128xf32, #tpu.memory_space<vmem_shared>> -> memref<10000x128xf32, #tpu.memory_space<vmem_shared>>
    tpu.wait_indirect_dma semaphore(%arg17 : memref<!tpu.dma_semaphore, #tpu.memory_space<semaphore_mem>>) src(%arg10 : memref<80x128xf32, #tpu.memory_space<vmem>>) dst(%dma_wait3A_182 : memref<10000x128xf32, #tpu.memory_space<vmem_shared>>)
    %dma_start3A_183 = arith.constant 240 : i32
    %dma_start3A_184 = tpu.memref_slice %arg6[%dma_start3A_183] : memref<10000xi32, #tpu.memory_space<vmem>> -> memref<80xi32, #tpu.memory_space<vmem>>
    %dma_start3A_185 = arith.constant 0 : i32
    %dma_start3A_186 = arith.constant 0 : i32
    %dma_start3A_187 = tpu.memref_slice %arg2[%dma_start3A_185, %dma_start3A_186] : memref<10000x128xf32, #tpu.memory_space<hbm>> -> memref<10000x128xf32, #tpu.memory_space<hbm>>
    tpu.enqueue_indirect_dma source(%dma_start3A_187 : memref<10000x128xf32, #tpu.memory_space<hbm>>) target(%arg10 : memref<80x128xf32, #tpu.memory_space<vmem>>) offsets(%dma_start3A_184 : memref<80xi32, #tpu.memory_space<vmem>>) semaphore(%arg14 : memref<!tpu.dma_semaphore, #tpu.memory_space<semaphore_mem>>)
    %add3A_188 = arith.constant 240 : i32
    %add3A_189 = arith.addi %mul3A_2, %add3A_188 : i32
    %dma_start3A_190 = tpu.memref_slice %arg4[%add3A_189] : memref<320000xi32, #tpu.memory_space<hbm>> -> memref<80xi32, #tpu.memory_space<hbm>>
    %dma_start3A_191 = tpu.memref_slice %arg4[%add3A_189] : memref<320000xi32, #tpu.memory_space<hbm>> -> memref<80xi32, #tpu.memory_space<hbm>>
    tpu.enqueue_dma source(%dma_start3A_191 : memref<80xi32, #tpu.memory_space<hbm>>) target(%arg7 : memref<80xi32, #tpu.memory_space<vmem>>) target_semaphore(%arg20 : memref<!tpu.dma_semaphore, #tpu.memory_space<semaphore_mem>>)
    %dma_wait3A_192 = arith.constant 0 : i32
    %dma_wait3A_193 = tpu.memref_slice %arg4[%dma_wait3A_192] : memref<320000xi32, #tpu.memory_space<hbm>> -> memref<80xi32, #tpu.memory_space<hbm>>
    %dma_wait3A_194 = arith.constant 0 : i32
    %dma_wait3A_195 = tpu.memref_slice %arg4[%dma_wait3A_194] : memref<320000xi32, #tpu.memory_space<hbm>> -> memref<80xi32, #tpu.memory_space<hbm>>
    tpu.wait_dma2 semaphore(%arg21 : memref<!tpu.dma_semaphore, #tpu.memory_space<semaphore_mem>>) src(%dma_wait3A_195 : memref<80xi32, #tpu.memory_space<hbm>>) dst(%arg8 : memref<80xi32, #tpu.memory_space<vmem>>)
    %dma_wait3A_196 = arith.constant 0 : i32
    %dma_wait3A_197 = arith.constant 0 : i32
    %dma_wait3A_198 = tpu.memref_slice %arg2[%dma_wait3A_196, %dma_wait3A_197] : memref<10000x128xf32, #tpu.memory_space<hbm>> -> memref<80x128xf32, #tpu.memory_space<hbm>>
    %dma_wait3A_199 = arith.constant 0 : i32
    %dma_wait3A_200 = arith.constant 0 : i32
    %dma_wait3A_201 = tpu.memref_slice %arg2[%dma_wait3A_199, %dma_wait3A_200] : memref<10000x128xf32, #tpu.memory_space<hbm>> -> memref<80x128xf32, #tpu.memory_space<hbm>>
    tpu.wait_dma2 semaphore(%arg15 : memref<!tpu.dma_semaphore, #tpu.memory_space<semaphore_mem>>) src(%dma_wait3A_201 : memref<80x128xf32, #tpu.memory_space<hbm>>) dst(%arg11 : memref<80x128xf32, #tpu.memory_space<vmem>>)
    %dma_start3A_202 = arith.constant 0 : i32
    %dma_start3A_203 = arith.constant 0 : i32
    %dma_start3A_204 = tpu.memref_slice %arg13[%dma_start3A_202, %dma_start3A_203] : memref<10000x128xf32, #tpu.memory_space<vmem_shared>> -> memref<10000x128xf32, #tpu.memory_space<vmem_shared>>
    tpu.enqueue_indirect_dma source(%arg11 : memref<80x128xf32, #tpu.memory_space<vmem>>) target(%dma_start3A_204 : memref<10000x128xf32, #tpu.memory_space<vmem_shared>>) offsets(%arg8 : memref<80xi32, #tpu.memory_space<vmem>>) semaphore(%arg18 : memref<!tpu.dma_semaphore, #tpu.memory_space<semaphore_mem>>) {add = true}
    %dma_wait3A_205 = arith.constant 0 : i32
    %dma_wait3A_206 = arith.constant 0 : i32
    %dma_wait3A_207 = tpu.memref_slice %arg13[%dma_wait3A_205, %dma_wait3A_206] : memref<10000x128xf32, #tpu.memory_space<vmem_shared>> -> memref<10000x128xf32, #tpu.memory_space<vmem_shared>>
    tpu.wait_indirect_dma semaphore(%arg18 : memref<!tpu.dma_semaphore, #tpu.memory_space<semaphore_mem>>) src(%arg11 : memref<80x128xf32, #tpu.memory_space<vmem>>) dst(%dma_wait3A_207 : memref<10000x128xf32, #tpu.memory_space<vmem_shared>>)
    %dma_start3A_208 = arith.constant 320 : i32
    %dma_start3A_209 = tpu.memref_slice %arg6[%dma_start3A_208] : memref<10000xi32, #tpu.memory_space<vmem>> -> memref<80xi32, #tpu.memory_space<vmem>>
    %dma_start3A_210 = arith.constant 0 : i32
    %dma_start3A_211 = arith.constant 0 : i32
    %dma_start3A_212 = tpu.memref_slice %arg2[%dma_start3A_210, %dma_start3A_211] : memref<10000x128xf32, #tpu.memory_space<hbm>> -> memref<10000x128xf32, #tpu.memory_space<hbm>>
    tpu.enqueue_indirect_dma source(%dma_start3A_212 : memref<10000x128xf32, #tpu.memory_space<hbm>>) target(%arg11 : memref<80x128xf32, #tpu.memory_space<vmem>>) offsets(%dma_start3A_209 : memref<80xi32, #tpu.memory_space<vmem>>) semaphore(%arg15 : memref<!tpu.dma_semaphore, #tpu.memory_space<semaphore_mem>>)
    %add3A_213 = arith.constant 320 : i32
    %add3A_214 = arith.addi %mul3A_2, %add3A_213 : i32
    %dma_start3A_215 = tpu.memref_slice %arg4[%add3A_214] : memref<320000xi32, #tpu.memory_space<hbm>> -> memref<80xi32, #tpu.memory_space<hbm>>
    %dma_start3A_216 = tpu.memref_slice %arg4[%add3A_214] : memref<320000xi32, #tpu.memory_space<hbm>> -> memref<80xi32, #tpu.memory_space<hbm>>
    tpu.enqueue_dma source(%dma_start3A_216 : memref<80xi32, #tpu.memory_space<hbm>>) target(%arg8 : memref<80xi32, #tpu.memory_space<vmem>>) target_semaphore(%arg21 : memref<!tpu.dma_semaphore, #tpu.memory_space<semaphore_mem>>)
    %dma_wait3A_217 = arith.constant 0 : i32
    %dma_wait3A_218 = tpu.memref_slice %arg4[%dma_wait3A_217] : memref<320000xi32, #tpu.memory_space<hbm>> -> memref<80xi32, #tpu.memory_space<hbm>>
    %dma_wait3A_219 = arith.constant 0 : i32
    %dma_wait3A_220 = tpu.memref_slice %arg4[%dma_wait3A_219] : memref<320000xi32, #tpu.memory_space<hbm>> -> memref<80xi32, #tpu.memory_space<hbm>>
    tpu.wait_dma2 semaphore(%arg22 : memref<!tpu.dma_semaphore, #tpu.memory_space<semaphore_mem>>) src(%dma_wait3A_220 : memref<80xi32, #tpu.memory_space<hbm>>) dst(%arg9 : memref<80xi32, #tpu.memory_space<vmem>>)
    %dma_wait3A_221 = arith.constant 0 : i32
    %dma_wait3A_222 = arith.constant 0 : i32
    %dma_wait3A_223 = tpu.memref_slice %arg2[%dma_wait3A_221, %dma_wait3A_222] : memref<10000x128xf32, #tpu.memory_space<hbm>> -> memref<80x128xf32, #tpu.memory_space<hbm>>
    %dma_wait3A_224 = arith.constant 0 : i32
    %dma_wait3A_225 = arith.constant 0 : i32
    %dma_wait3A_226 = tpu.memref_slice %arg2[%dma_wait3A_224, %dma_wait3A_225] : memref<10000x128xf32, #tpu.memory_space<hbm>> -> memref<80x128xf32, #tpu.memory_space<hbm>>
    tpu.wait_dma2 semaphore(%arg16 : memref<!tpu.dma_semaphore, #tpu.memory_space<semaphore_mem>>) src(%dma_wait3A_226 : memref<80x128xf32, #tpu.memory_space<hbm>>) dst(%arg12 : memref<80x128xf32, #tpu.memory_space<vmem>>)
    %dma_start3A_227 = arith.constant 0 : i32
    %dma_start3A_228 = arith.constant 0 : i32
    %dma_start3A_229 = tpu.memref_slice %arg13[%dma_start3A_227, %dma_start3A_228] : memref<10000x128xf32, #tpu.memory_space<vmem_shared>> -> memref<10000x128xf32, #tpu.memory_space<vmem_shared>>
    tpu.enqueue_indirect_dma source(%arg12 : memref<80x128xf32, #tpu.memory_space<vmem>>) target(%dma_start3A_229 : memref<10000x128xf32, #tpu.memory_space<vmem_shared>>) offsets(%arg9 : memref<80xi32, #tpu.memory_space<vmem>>) semaphore(%arg19 : memref<!tpu.dma_semaphore, #tpu.memory_space<semaphore_mem>>) {add = true}
    %scan3A_230 = arith.constant 0 : i32
    %scan3A_231 = arith.constant 1 : i32
    %scan3A_232 = arith.constant 40 : i32
    %scan3A_233 = arith.addi %scan3A_231, %scan3A_232 : i32
    %scan3A_234 = arith.constant 1 : i32
    %scan3A_235 = scf.for %scan3A_280 = %scan3A_231 to %scan3A_233 step %scan3A_234 iter_args(%scan3A_281 = %scan3A_230) -> (i32)  : i32 {
      %mul3A_282 = arith.constant 3 : i32
      %mul3A_283 = arith.muli %scan3A_280, %mul3A_282 : i32
      %add3A_284 = arith.constant 0 : i32
      %add3A_285 = arith.addi %mul3A_283, %add3A_284 : i32
      %dma_wait3A_286 = arith.constant 0 : i32
      %dma_wait3A_287 = arith.constant 0 : i32
      %dma_wait3A_288 = tpu.memref_slice %arg13[%dma_wait3A_286, %dma_wait3A_287] : memref<10000x128xf32, #tpu.memory_space<vmem_shared>> -> memref<10000x128xf32, #tpu.memory_space<vmem_shared>>
      tpu.wait_indirect_dma semaphore(%arg19 : memref<!tpu.dma_semaphore, #tpu.memory_space<semaphore_mem>>) src(%arg12 : memref<80x128xf32, #tpu.memory_space<vmem>>) dst(%dma_wait3A_288 : memref<10000x128xf32, #tpu.memory_space<vmem_shared>>)
      %add3A_289 = arith.constant 2 : i32
      %add3A_290 = arith.addi %add3A_285, %add3A_289 : i32
      %mul3A_291 = arith.constant 80 : i32
      %mul3A_292 = arith.muli %add3A_290, %mul3A_291 : i32
      %dma_start3A_293 = tpu.memref_slice %arg6[%mul3A_292] : memref<10000xi32, #tpu.memory_space<vmem>> -> memref<80xi32, #tpu.memory_space<vmem>>
      %dma_start3A_294 = arith.constant 0 : i32
      %dma_start3A_295 = arith.constant 0 : i32
      %dma_start3A_296 = tpu.memref_slice %arg2[%dma_start3A_294, %dma_start3A_295] : memref<10000x128xf32, #tpu.memory_space<hbm>> -> memref<10000x128xf32, #tpu.memory_space<hbm>>
      tpu.enqueue_indirect_dma source(%dma_start3A_296 : memref<10000x128xf32, #tpu.memory_space<hbm>>) target(%arg12 : memref<80x128xf32, #tpu.memory_space<vmem>>) offsets(%dma_start3A_293 : memref<80xi32, #tpu.memory_space<vmem>>) semaphore(%arg16 : memref<!tpu.dma_semaphore, #tpu.memory_space<semaphore_mem>>)
      %add3A_297 = arith.constant 2 : i32
      %add3A_298 = arith.addi %add3A_285, %add3A_297 : i32
      %mul3A_299 = arith.constant 80 : i32
      %mul3A_300 = arith.muli %add3A_298, %mul3A_299 : i32
      %add3A_301 = arith.addi %mul3A_2, %mul3A_300 : i32
      %dma_start3A_302 = tpu.memref_slice %arg4[%add3A_301] : memref<320000xi32, #tpu.memory_space<hbm>> -> memref<80xi32, #tpu.memory_space<hbm>>
      %dma_start3A_303 = tpu.memref_slice %arg4[%add3A_301] : memref<320000xi32, #tpu.memory_space<hbm>> -> memref<80xi32, #tpu.memory_space<hbm>>
      tpu.enqueue_dma source(%dma_start3A_303 : memref<80xi32, #tpu.memory_space<hbm>>) target(%arg9 : memref<80xi32, #tpu.memory_space<vmem>>) target_semaphore(%arg22 : memref<!tpu.dma_semaphore, #tpu.memory_space<semaphore_mem>>)
      %dma_wait3A_304 = arith.constant 0 : i32
      %dma_wait3A_305 = tpu.memref_slice %arg4[%dma_wait3A_304] : memref<320000xi32, #tpu.memory_space<hbm>> -> memref<80xi32, #tpu.memory_space<hbm>>
      %dma_wait3A_306 = arith.constant 0 : i32
      %dma_wait3A_307 = tpu.memref_slice %arg4[%dma_wait3A_306] : memref<320000xi32, #tpu.memory_space<hbm>> -> memref<80xi32, #tpu.memory_space<hbm>>
      tpu.wait_dma2 semaphore(%arg20 : memref<!tpu.dma_semaphore, #tpu.memory_space<semaphore_mem>>) src(%dma_wait3A_307 : memref<80xi32, #tpu.memory_space<hbm>>) dst(%arg7 : memref<80xi32, #tpu.memory_space<vmem>>)
      %dma_wait3A_308 = arith.constant 0 : i32
      %dma_wait3A_309 = arith.constant 0 : i32
      %dma_wait3A_310 = tpu.memref_slice %arg2[%dma_wait3A_308, %dma_wait3A_309] : memref<10000x128xf32, #tpu.memory_space<hbm>> -> memref<80x128xf32, #tpu.memory_space<hbm>>
      %dma_wait3A_311 = arith.constant 0 : i32
      %dma_wait3A_312 = arith.constant 0 : i32
      %dma_wait3A_313 = tpu.memref_slice %arg2[%dma_wait3A_311, %dma_wait3A_312] : memref<10000x128xf32, #tpu.memory_space<hbm>> -> memref<80x128xf32, #tpu.memory_space<hbm>>
      tpu.wait_dma2 semaphore(%arg14 : memref<!tpu.dma_semaphore, #tpu.memory_space<semaphore_mem>>) src(%dma_wait3A_313 : memref<80x128xf32, #tpu.memory_space<hbm>>) dst(%arg10 : memref<80x128xf32, #tpu.memory_space<vmem>>)
      %dma_start3A_314 = arith.constant 0 : i32
      %dma_start3A_315 = arith.constant 0 : i32
      %dma_start3A_316 = tpu.memref_slice %arg13[%dma_start3A_314, %dma_start3A_315] : memref<10000x128xf32, #tpu.memory_space<vmem_shared>> -> memref<10000x128xf32, #tpu.memory_space<vmem_shared>>
      tpu.enqueue_indirect_dma source(%arg10 : memref<80x128xf32, #tpu.memory_space<vmem>>) target(%dma_start3A_316 : memref<10000x128xf32, #tpu.memory_space<vmem_shared>>) offsets(%arg7 : memref<80xi32, #tpu.memory_space<vmem>>) semaphore(%arg17 : memref<!tpu.dma_semaphore, #tpu.memory_space<semaphore_mem>>) {add = true}
      %mul3A_317 = arith.constant 3 : i32
      %mul3A_318 = arith.muli %scan3A_280, %mul3A_317 : i32
      %add3A_319 = arith.constant 1 : i32
      %add3A_320 = arith.addi %mul3A_318, %add3A_319 : i32
      %dma_wait3A_321 = arith.constant 0 : i32
      %dma_wait3A_322 = arith.constant 0 : i32
      %dma_wait3A_323 = tpu.memref_slice %arg13[%dma_wait3A_321, %dma_wait3A_322] : memref<10000x128xf32, #tpu.memory_space<vmem_shared>> -> memref<10000x128xf32, #tpu.memory_space<vmem_shared>>
      tpu.wait_indirect_dma semaphore(%arg17 : memref<!tpu.dma_semaphore, #tpu.memory_space<semaphore_mem>>) src(%arg10 : memref<80x128xf32, #tpu.memory_space<vmem>>) dst(%dma_wait3A_323 : memref<10000x128xf32, #tpu.memory_space<vmem_shared>>)
      %add3A_324 = arith.constant 2 : i32
      %add3A_325 = arith.addi %add3A_320, %add3A_324 : i32
      %mul3A_326 = arith.constant 80 : i32
      %mul3A_327 = arith.muli %add3A_325, %mul3A_326 : i32
      %dma_start3A_328 = tpu.memref_slice %arg6[%mul3A_327] : memref<10000xi32, #tpu.memory_space<vmem>> -> memref<80xi32, #tpu.memory_space<vmem>>
      %dma_start3A_329 = arith.constant 0 : i32
      %dma_start3A_330 = arith.constant 0 : i32
      %dma_start3A_331 = tpu.memref_slice %arg2[%dma_start3A_329, %dma_start3A_330] : memref<10000x128xf32, #tpu.memory_space<hbm>> -> memref<10000x128xf32, #tpu.memory_space<hbm>>
      tpu.enqueue_indirect_dma source(%dma_start3A_331 : memref<10000x128xf32, #tpu.memory_space<hbm>>) target(%arg10 : memref<80x128xf32, #tpu.memory_space<vmem>>) offsets(%dma_start3A_328 : memref<80xi32, #tpu.memory_space<vmem>>) semaphore(%arg14 : memref<!tpu.dma_semaphore, #tpu.memory_space<semaphore_mem>>)
      %add3A_332 = arith.constant 2 : i32
      %add3A_333 = arith.addi %add3A_320, %add3A_332 : i32
      %mul3A_334 = arith.constant 80 : i32
      %mul3A_335 = arith.muli %add3A_333, %mul3A_334 : i32
      %add3A_336 = arith.addi %mul3A_2, %mul3A_335 : i32
      %dma_start3A_337 = tpu.memref_slice %arg4[%add3A_336] : memref<320000xi32, #tpu.memory_space<hbm>> -> memref<80xi32, #tpu.memory_space<hbm>>
      %dma_start3A_338 = tpu.memref_slice %arg4[%add3A_336] : memref<320000xi32, #tpu.memory_space<hbm>> -> memref<80xi32, #tpu.memory_space<hbm>>
      tpu.enqueue_dma source(%dma_start3A_338 : memref<80xi32, #tpu.memory_space<hbm>>) target(%arg7 : memref<80xi32, #tpu.memory_space<vmem>>) target_semaphore(%arg20 : memref<!tpu.dma_semaphore, #tpu.memory_space<semaphore_mem>>)
      %dma_wait3A_339 = arith.constant 0 : i32
      %dma_wait3A_340 = tpu.memref_slice %arg4[%dma_wait3A_339] : memref<320000xi32, #tpu.memory_space<hbm>> -> memref<80xi32, #tpu.memory_space<hbm>>
      %dma_wait3A_341 = arith.constant 0 : i32
      %dma_wait3A_342 = tpu.memref_slice %arg4[%dma_wait3A_341] : memref<320000xi32, #tpu.memory_space<hbm>> -> memref<80xi32, #tpu.memory_space<hbm>>
      tpu.wait_dma2 semaphore(%arg21 : memref<!tpu.dma_semaphore, #tpu.memory_space<semaphore_mem>>) src(%dma_wait3A_342 : memref<80xi32, #tpu.memory_space<hbm>>) dst(%arg8 : memref<80xi32, #tpu.memory_space<vmem>>)
      %dma_wait3A_343 = arith.constant 0 : i32
      %dma_wait3A_344 = arith.constant 0 : i32
      %dma_wait3A_345 = tpu.memref_slice %arg2[%dma_wait3A_343, %dma_wait3A_344] : memref<10000x128xf32, #tpu.memory_space<hbm>> -> memref<80x128xf32, #tpu.memory_space<hbm>>
      %dma_wait3A_346 = arith.constant 0 : i32
      %dma_wait3A_347 = arith.constant 0 : i32
      %dma_wait3A_348 = tpu.memref_slice %arg2[%dma_wait3A_346, %dma_wait3A_347] : memref<10000x128xf32, #tpu.memory_space<hbm>> -> memref<80x128xf32, #tpu.memory_space<hbm>>
      tpu.wait_dma2 semaphore(%arg15 : memref<!tpu.dma_semaphore, #tpu.memory_space<semaphore_mem>>) src(%dma_wait3A_348 : memref<80x128xf32, #tpu.memory_space<hbm>>) dst(%arg11 : memref<80x128xf32, #tpu.memory_space<vmem>>)
      %dma_start3A_349 = arith.constant 0 : i32
      %dma_start3A_350 = arith.constant 0 : i32
      %dma_start3A_351 = tpu.memref_slice %arg13[%dma_start3A_349, %dma_start3A_350] : memref<10000x128xf32, #tpu.memory_space<vmem_shared>> -> memref<10000x128xf32, #tpu.memory_space<vmem_shared>>
      tpu.enqueue_indirect_dma source(%arg11 : memref<80x128xf32, #tpu.memory_space<vmem>>) target(%dma_start3A_351 : memref<10000x128xf32, #tpu.memory_space<vmem_shared>>) offsets(%arg8 : memref<80xi32, #tpu.memory_space<vmem>>) semaphore(%arg18 : memref<!tpu.dma_semaphore, #tpu.memory_space<semaphore_mem>>) {add = true}
      %mul3A_352 = arith.constant 3 : i32
      %mul3A_353 = arith.muli %scan3A_280, %mul3A_352 : i32
      %add3A_354 = arith.constant 2 : i32
      %add3A_355 = arith.addi %mul3A_353, %add3A_354 : i32
      %dma_wait3A_356 = arith.constant 0 : i32
      %dma_wait3A_357 = arith.constant 0 : i32
      %dma_wait3A_358 = tpu.memref_slice %arg13[%dma_wait3A_356, %dma_wait3A_357] : memref<10000x128xf32, #tpu.memory_space<vmem_shared>> -> memref<10000x128xf32, #tpu.memory_space<vmem_shared>>
      tpu.wait_indirect_dma semaphore(%arg18 : memref<!tpu.dma_semaphore, #tpu.memory_space<semaphore_mem>>) src(%arg11 : memref<80x128xf32, #tpu.memory_space<vmem>>) dst(%dma_wait3A_358 : memref<10000x128xf32, #tpu.memory_space<vmem_shared>>)
      %add3A_359 = arith.constant 2 : i32
      %add3A_360 = arith.addi %add3A_355, %add3A_359 : i32
      %mul3A_361 = arith.constant 80 : i32
      %mul3A_362 = arith.muli %add3A_360, %mul3A_361 : i32
      %dma_start3A_363 = tpu.memref_slice %arg6[%mul3A_362] : memref<10000xi32, #tpu.memory_space<vmem>> -> memref<80xi32, #tpu.memory_space<vmem>>
      %dma_start3A_364 = arith.constant 0 : i32
      %dma_start3A_365 = arith.constant 0 : i32
      %dma_start3A_366 = tpu.memref_slice %arg2[%dma_start3A_364, %dma_start3A_365] : memref<10000x128xf32, #tpu.memory_space<hbm>> -> memref<10000x128xf32, #tpu.memory_space<hbm>>
      tpu.enqueue_indirect_dma source(%dma_start3A_366 : memref<10000x128xf32, #tpu.memory_space<hbm>>) target(%arg11 : memref<80x128xf32, #tpu.memory_space<vmem>>) offsets(%dma_start3A_363 : memref<80xi32, #tpu.memory_space<vmem>>) semaphore(%arg15 : memref<!tpu.dma_semaphore, #tpu.memory_space<semaphore_mem>>)
      %add3A_367 = arith.constant 2 : i32
      %add3A_368 = arith.addi %add3A_355, %add3A_367 : i32
      %mul3A_369 = arith.constant 80 : i32
      %mul3A_370 = arith.muli %add3A_368, %mul3A_369 : i32
      %add3A_371 = arith.addi %mul3A_2, %mul3A_370 : i32
      %dma_start3A_372 = tpu.memref_slice %arg4[%add3A_371] : memref<320000xi32, #tpu.memory_space<hbm>> -> memref<80xi32, #tpu.memory_space<hbm>>
      %dma_start3A_373 = tpu.memref_slice %arg4[%add3A_371] : memref<320000xi32, #tpu.memory_space<hbm>> -> memref<80xi32, #tpu.memory_space<hbm>>
      tpu.enqueue_dma source(%dma_start3A_373 : memref<80xi32, #tpu.memory_space<hbm>>) target(%arg8 : memref<80xi32, #tpu.memory_space<vmem>>) target_semaphore(%arg21 : memref<!tpu.dma_semaphore, #tpu.memory_space<semaphore_mem>>)
      %dma_wait3A_374 = arith.constant 0 : i32
      %dma_wait3A_375 = tpu.memref_slice %arg4[%dma_wait3A_374] : memref<320000xi32, #tpu.memory_space<hbm>> -> memref<80xi32, #tpu.memory_space<hbm>>
      %dma_wait3A_376 = arith.constant 0 : i32
      %dma_wait3A_377 = tpu.memref_slice %arg4[%dma_wait3A_376] : memref<320000xi32, #tpu.memory_space<hbm>> -> memref<80xi32, #tpu.memory_space<hbm>>
      tpu.wait_dma2 semaphore(%arg22 : memref<!tpu.dma_semaphore, #tpu.memory_space<semaphore_mem>>) src(%dma_wait3A_377 : memref<80xi32, #tpu.memory_space<hbm>>) dst(%arg9 : memref<80xi32, #tpu.memory_space<vmem>>)
      %dma_wait3A_378 = arith.constant 0 : i32
      %dma_wait3A_379 = arith.constant 0 : i32
      %dma_wait3A_380 = tpu.memref_slice %arg2[%dma_wait3A_378, %dma_wait3A_379] : memref<10000x128xf32, #tpu.memory_space<hbm>> -> memref<80x128xf32, #tpu.memory_space<hbm>>
      %dma_wait3A_381 = arith.constant 0 : i32
      %dma_wait3A_382 = arith.constant 0 : i32
      %dma_wait3A_383 = tpu.memref_slice %arg2[%dma_wait3A_381, %dma_wait3A_382] : memref<10000x128xf32, #tpu.memory_space<hbm>> -> memref<80x128xf32, #tpu.memory_space<hbm>>
      tpu.wait_dma2 semaphore(%arg16 : memref<!tpu.dma_semaphore, #tpu.memory_space<semaphore_mem>>) src(%dma_wait3A_383 : memref<80x128xf32, #tpu.memory_space<hbm>>) dst(%arg12 : memref<80x128xf32, #tpu.memory_space<vmem>>)
      %dma_start3A_384 = arith.constant 0 : i32
      %dma_start3A_385 = arith.constant 0 : i32
      %dma_start3A_386 = tpu.memref_slice %arg13[%dma_start3A_384, %dma_start3A_385] : memref<10000x128xf32, #tpu.memory_space<vmem_shared>> -> memref<10000x128xf32, #tpu.memory_space<vmem_shared>>
      tpu.enqueue_indirect_dma source(%arg12 : memref<80x128xf32, #tpu.memory_space<vmem>>) target(%dma_start3A_386 : memref<10000x128xf32, #tpu.memory_space<vmem_shared>>) offsets(%arg9 : memref<80xi32, #tpu.memory_space<vmem>>) semaphore(%arg19 : memref<!tpu.dma_semaphore, #tpu.memory_space<semaphore_mem>>) {add = true}
      %scan3A_387 = arith.constant 0 : i32
      scf.yield %scan3A_387 : i32
    }
    %scan3A_236 = arith.constant 40 : i32
    %dma_wait3A_237 = arith.constant 0 : i32
    %dma_wait3A_238 = arith.constant 0 : i32
    %dma_wait3A_239 = tpu.memref_slice %arg13[%dma_wait3A_237, %dma_wait3A_238] : memref<10000x128xf32, #tpu.memory_space<vmem_shared>> -> memref<10000x128xf32, #tpu.memory_space<vmem_shared>>
    tpu.wait_indirect_dma semaphore(%arg19 : memref<!tpu.dma_semaphore, #tpu.memory_space<semaphore_mem>>) src(%arg12 : memref<80x128xf32, #tpu.memory_space<vmem>>) dst(%dma_wait3A_239 : memref<10000x128xf32, #tpu.memory_space<vmem_shared>>)
    %dma_wait3A_240 = arith.constant 0 : i32
    %dma_wait3A_241 = tpu.memref_slice %arg4[%dma_wait3A_240] : memref<320000xi32, #tpu.memory_space<hbm>> -> memref<80xi32, #tpu.memory_space<hbm>>
    %dma_wait3A_242 = arith.constant 0 : i32
    %dma_wait3A_243 = tpu.memref_slice %arg4[%dma_wait3A_242] : memref<320000xi32, #tpu.memory_space<hbm>> -> memref<80xi32, #tpu.memory_space<hbm>>
    tpu.wait_dma2 semaphore(%arg20 : memref<!tpu.dma_semaphore, #tpu.memory_space<semaphore_mem>>) src(%dma_wait3A_243 : memref<80xi32, #tpu.memory_space<hbm>>) dst(%arg7 : memref<80xi32, #tpu.memory_space<vmem>>)
    %dma_wait3A_244 = arith.constant 0 : i32
    %dma_wait3A_245 = arith.constant 0 : i32
    %dma_wait3A_246 = tpu.memref_slice %arg2[%dma_wait3A_244, %dma_wait3A_245] : memref<10000x128xf32, #tpu.memory_space<hbm>> -> memref<80x128xf32, #tpu.memory_space<hbm>>
    %dma_wait3A_247 = arith.constant 0 : i32
    %dma_wait3A_248 = arith.constant 0 : i32
    %dma_wait3A_249 = tpu.memref_slice %arg2[%dma_wait3A_247, %dma_wait3A_248] : memref<10000x128xf32, #tpu.memory_space<hbm>> -> memref<80x128xf32, #tpu.memory_space<hbm>>
    tpu.wait_dma2 semaphore(%arg14 : memref<!tpu.dma_semaphore, #tpu.memory_space<semaphore_mem>>) src(%dma_wait3A_249 : memref<80x128xf32, #tpu.memory_space<hbm>>) dst(%arg10 : memref<80x128xf32, #tpu.memory_space<vmem>>)
    %dma_start3A_250 = arith.constant 0 : i32
    %dma_start3A_251 = arith.constant 0 : i32
    %dma_start3A_252 = tpu.memref_slice %arg13[%dma_start3A_250, %dma_start3A_251] : memref<10000x128xf32, #tpu.memory_space<vmem_shared>> -> memref<10000x128xf32, #tpu.memory_space<vmem_shared>>
    tpu.enqueue_indirect_dma source(%arg10 : memref<80x128xf32, #tpu.memory_space<vmem>>) target(%dma_start3A_252 : memref<10000x128xf32, #tpu.memory_space<vmem_shared>>) offsets(%arg7 : memref<80xi32, #tpu.memory_space<vmem>>) semaphore(%arg17 : memref<!tpu.dma_semaphore, #tpu.memory_space<semaphore_mem>>) {add = true}
    %dma_wait3A_253 = arith.constant 0 : i32
    %dma_wait3A_254 = arith.constant 0 : i32
    %dma_wait3A_255 = tpu.memref_slice %arg13[%dma_wait3A_253, %dma_wait3A_254] : memref<10000x128xf32, #tpu.memory_space<vmem_shared>> -> memref<10000x128xf32, #tpu.memory_space<vmem_shared>>
    tpu.wait_indirect_dma semaphore(%arg17 : memref<!tpu.dma_semaphore, #tpu.memory_space<semaphore_mem>>) src(%arg10 : memref<80x128xf32, #tpu.memory_space<vmem>>) dst(%dma_wait3A_255 : memref<10000x128xf32, #tpu.memory_space<vmem_shared>>)
    %dma_wait3A_256 = arith.constant 0 : i32
    %dma_wait3A_257 = tpu.memref_slice %arg4[%dma_wait3A_256] : memref<320000xi32, #tpu.memory_space<hbm>> -> memref<80xi32, #tpu.memory_space<hbm>>
    %dma_wait3A_258 = arith.constant 0 : i32
    %dma_wait3A_259 = tpu.memref_slice %arg4[%dma_wait3A_258] : memref<320000xi32, #tpu.memory_space<hbm>> -> memref<80xi32, #tpu.memory_space<hbm>>
    tpu.wait_dma2 semaphore(%arg21 : memref<!tpu.dma_semaphore, #tpu.memory_space<semaphore_mem>>) src(%dma_wait3A_259 : memref<80xi32, #tpu.memory_space<hbm>>) dst(%arg8 : memref<80xi32, #tpu.memory_space<vmem>>)
    %dma_wait3A_260 = arith.constant 0 : i32
    %dma_wait3A_261 = arith.constant 0 : i32
    %dma_wait3A_262 = tpu.memref_slice %arg2[%dma_wait3A_260, %dma_wait3A_261] : memref<10000x128xf32, #tpu.memory_space<hbm>> -> memref<80x128xf32, #tpu.memory_space<hbm>>
    %dma_wait3A_263 = arith.constant 0 : i32
    %dma_wait3A_264 = arith.constant 0 : i32
    %dma_wait3A_265 = tpu.memref_slice %arg2[%dma_wait3A_263, %dma_wait3A_264] : memref<10000x128xf32, #tpu.memory_space<hbm>> -> memref<80x128xf32, #tpu.memory_space<hbm>>
    tpu.wait_dma2 semaphore(%arg15 : memref<!tpu.dma_semaphore, #tpu.memory_space<semaphore_mem>>) src(%dma_wait3A_265 : memref<80x128xf32, #tpu.memory_space<hbm>>) dst(%arg11 : memref<80x128xf32, #tpu.memory_space<vmem>>)
    %dma_start3A_266 = arith.constant 0 : i32
    %dma_start3A_267 = arith.constant 0 : i32
    %dma_start3A_268 = tpu.memref_slice %arg13[%dma_start3A_266, %dma_start3A_267] : memref<10000x128xf32, #tpu.memory_space<vmem_shared>> -> memref<10000x128xf32, #tpu.memory_space<vmem_shared>>
    tpu.enqueue_indirect_dma source(%arg11 : memref<80x128xf32, #tpu.memory_space<vmem>>) target(%dma_start3A_268 : memref<10000x128xf32, #tpu.memory_space<vmem_shared>>) offsets(%arg8 : memref<80xi32, #tpu.memory_space<vmem>>) semaphore(%arg18 : memref<!tpu.dma_semaphore, #tpu.memory_space<semaphore_mem>>) {add = true}
    %dma_wait3A_269 = arith.constant 0 : i32
    %dma_wait3A_270 = arith.constant 0 : i32
    %dma_wait3A_271 = tpu.memref_slice %arg13[%dma_wait3A_269, %dma_wait3A_270] : memref<10000x128xf32, #tpu.memory_space<vmem_shared>> -> memref<10000x128xf32, #tpu.memory_space<vmem_shared>>
    tpu.wait_indirect_dma semaphore(%arg18 : memref<!tpu.dma_semaphore, #tpu.memory_space<semaphore_mem>>) src(%arg11 : memref<80x128xf32, #tpu.memory_space<vmem>>) dst(%dma_wait3A_271 : memref<10000x128xf32, #tpu.memory_space<vmem_shared>>)
    %barrier3A_272 = arith.constant 0 : index
    tpu.barrier barrier_id(%barrier3A_272)
    %mul3A_273 = arith.constant 624 : i32
    %mul3A_274 = arith.muli %arg1, %mul3A_273 : i32
    "tpu.region"() ({
      %run_scoped3A = tpu.sem_alloc : memref<!tpu.dma_semaphore, #tpu.memory_space<semaphore_mem>>
      %dma_start3A_280 = arith.constant 0 : i32
      %dma_start3A_281 = tpu.memref_slice %arg5[%arg0, %mul3A_274, %dma_start3A_280] : memref<2x10000x128xf32, #tpu.memory_space<hbm>> -> memref<1x624x128xf32, #tpu.memory_space<hbm>>
      %dma_start3A_282 = tpu.memref_squeeze %dma_start3A_281 : memref<1x624x128xf32, #tpu.memory_space<hbm>> -> memref<624x128xf32, #tpu.memory_space<hbm>>
      %dma_start3A_283 = arith.constant 0 : i32
      %dma_start3A_284 = tpu.memref_slice %arg13[%mul3A_274, %dma_start3A_283] : memref<10000x128xf32, #tpu.memory_space<vmem_shared>> -> memref<624x128xf32, #tpu.memory_space<vmem_shared>>
      tpu.enqueue_dma source(%dma_start3A_284 : memref<624x128xf32, #tpu.memory_space<vmem_shared>>) target(%dma_start3A_282 : memref<624x128xf32, #tpu.memory_space<hbm>>) target_semaphore(%run_scoped3A : memref<!tpu.dma_semaphore, #tpu.memory_space<semaphore_mem>>)
      %dma_wait3A_285 = arith.constant 0 : i32
      %dma_wait3A_286 = tpu.memref_slice %arg5[%arg0, %mul3A_274, %dma_wait3A_285] : memref<2x10000x128xf32, #tpu.memory_space<hbm>> -> memref<1x624x128xf32, #tpu.memory_space<hbm>>
      %dma_wait3A_287 = tpu.memref_squeeze %dma_wait3A_286 : memref<1x624x128xf32, #tpu.memory_space<hbm>> -> memref<624x128xf32, #tpu.memory_space<hbm>>
      %dma_wait3A_288 = arith.constant 0 : i32
      %dma_wait3A_289 = tpu.memref_slice %arg13[%mul3A_274, %dma_wait3A_288] : memref<10000x128xf32, #tpu.memory_space<vmem_shared>> -> memref<624x128xf32, #tpu.memory_space<vmem_shared>>
      tpu.wait_dma2 semaphore(%run_scoped3A : memref<!tpu.dma_semaphore, #tpu.memory_space<semaphore_mem>>) src(%dma_wait3A_289 : memref<624x128xf32, #tpu.memory_space<vmem_shared>>) dst(%dma_wait3A_287 : memref<624x128xf32, #tpu.memory_space<hbm>>)
      tpu.yield
    }) : () -> ()
    %eq3A_275 = arith.constant 0 : i32
    %eq3A_276 = arith.cmpi eq, %arg1, %eq3A_275 : i32
    %convert_element_type3A_277 = arith.extui %eq3A_276 : i1 to i32
    %cond3A_278 = arith.constant 0 : i32
    %cond3A_279 = arith.cmpi ne, %convert_element_type3A_277, %cond3A_278 : i32
    scf.if %cond3A_279 {
      "tpu.region"() ({
        %run_scoped3A = tpu.sem_alloc : memref<!tpu.dma_semaphore, #tpu.memory_space<semaphore_mem>>
        %dma_start3A_280 = arith.constant 9984 : i32
        %dma_start3A_281 = arith.constant 0 : i32
        %dma_start3A_282 = tpu.memref_slice %arg5[%arg0, %dma_start3A_280, %dma_start3A_281] : memref<2x10000x128xf32, #tpu.memory_space<hbm>> -> memref<1x16x128xf32, #tpu.memory_space<hbm>>
        %dma_start3A_283 = tpu.memref_squeeze %dma_start3A_282 : memref<1x16x128xf32, #tpu.memory_space<hbm>> -> memref<16x128xf32, #tpu.memory_space<hbm>>
        %dma_start3A_284 = arith.constant 9984 : i32
        %dma_start3A_285 = arith.constant 0 : i32
        %dma_start3A_286 = tpu.memref_slice %arg13[%dma_start3A_284, %dma_start3A_285] : memref<10000x128xf32, #tpu.memory_space<vmem_shared>> -> memref<16x128xf32, #tpu.memory_space<vmem_shared>>
        tpu.enqueue_dma source(%dma_start3A_286 : memref<16x128xf32, #tpu.memory_space<vmem_shared>>) target(%dma_start3A_283 : memref<16x128xf32, #tpu.memory_space<hbm>>) target_semaphore(%run_scoped3A : memref<!tpu.dma_semaphore, #tpu.memory_space<semaphore_mem>>)
        %dma_wait3A_287 = arith.constant 9984 : i32
        %dma_wait3A_288 = arith.constant 0 : i32
        %dma_wait3A_289 = tpu.memref_slice %arg5[%arg0, %dma_wait3A_287, %dma_wait3A_288] : memref<2x10000x128xf32, #tpu.memory_space<hbm>> -> memref<1x16x128xf32, #tpu.memory_space<hbm>>
        %dma_wait3A_290 = tpu.memref_squeeze %dma_wait3A_289 : memref<1x16x128xf32, #tpu.memory_space<hbm>> -> memref<16x128xf32, #tpu.memory_space<hbm>>
        %dma_wait3A_291 = arith.constant 9984 : i32
        %dma_wait3A_292 = arith.constant 0 : i32
        %dma_wait3A_293 = tpu.memref_slice %arg13[%dma_wait3A_291, %dma_wait3A_292] : memref<10000x128xf32, #tpu.memory_space<vmem_shared>> -> memref<16x128xf32, #tpu.memory_space<vmem_shared>>
        tpu.wait_dma2 semaphore(%run_scoped3A : memref<!tpu.dma_semaphore, #tpu.memory_space<semaphore_mem>>) src(%dma_wait3A_293 : memref<16x128xf32, #tpu.memory_space<vmem_shared>>) dst(%dma_wait3A_290 : memref<16x128xf32, #tpu.memory_space<hbm>>)
        tpu.yield
      }) : () -> ()
    } else {
    }
    return
  }
}

module attributes {stable_mosaic.version = 14 : i64} {
  func.func @_layer_body(%arg0: i32, %arg1: memref<5000x128xf32, #tpu.memory_space<vmem>>, %arg2: memref<2x5000x128xf32, #tpu.memory_space<vmem>>, %arg3: memref<128x128xf32, #tpu.memory_space<vmem>>, %arg4: memref<1x128xf32, #tpu.memory_space<vmem>>, %arg5: memref<128x128xf32, #tpu.memory_space<vmem>>, %arg6: memref<1x128xf32, #tpu.memory_space<vmem>>, %arg7: memref<1x128xf32, #tpu.memory_space<vmem>>, %arg8: memref<1x128xf32, #tpu.memory_space<vmem>>, %arg9: memref<1xf32, #tpu.memory_space<smem>>, %arg10: memref<1xf32, #tpu.memory_space<smem>>, %arg11: memref<5000x128xf32, #tpu.memory_space<vmem>>, %arg12: memref<10000x128xf32, #tpu.memory_space<vmem>>, %arg13: memref<8x128xf32, #tpu.memory_space<vmem>>, %arg14: memref<8x128xf32, #tpu.memory_space<vmem>>) attributes {dimension_semantics = [#tpu.dimension_semantics<arbitrary>], iteration_bounds = array<i64: 4>, scalar_prefetch = 0 : i64, scratch_operands = 3 : i64, tpu.core_type = #tpu.core_type<tc>, window_params = [{transform_indices = @transform_0, window_bounds = array<i64: 5000, 128>}, {transform_indices = @transform_1, window_bounds = array<i64: 2, 5000, 128>}, {pipeline_mode = #tpu.pipeline_mode<synchronous>, transform_indices = @transform_2, window_bounds = array<i64: 128, 128>}, {pipeline_mode = #tpu.pipeline_mode<synchronous>, transform_indices = @transform_3, window_bounds = array<i64: 1, 128>}, {pipeline_mode = #tpu.pipeline_mode<synchronous>, transform_indices = @transform_4, window_bounds = array<i64: 128, 128>}, {pipeline_mode = #tpu.pipeline_mode<synchronous>, transform_indices = @transform_5, window_bounds = array<i64: 1, 128>}, {pipeline_mode = #tpu.pipeline_mode<synchronous>, transform_indices = @transform_6, window_bounds = array<i64: 1, 128>}, {pipeline_mode = #tpu.pipeline_mode<synchronous>, transform_indices = @transform_7, window_bounds = array<i64: 1, 128>}, {transform_indices = @transform_8, window_bounds = array<i64: 1>}, {transform_indices = @transform_9, window_bounds = array<i64: 1>}, {transform_indices = @transform_10, window_bounds = array<i64: 5000, 128>}]} {
    %lt3A = arith.constant 2 : i32
    %lt3A_0 = arith.cmpi slt, %arg0, %lt3A : i32
    %convert_element_type3A = arith.extui %lt3A_0 : i1 to i32
    %cond3A = arith.constant 0 : i32
    %cond3A_1 = arith.cmpi ne, %convert_element_type3A, %cond3A : i32
    scf.if %cond3A_1 {
      %get3A = arith.constant 0 : index
      %get3A_6 = arith.constant 0 : index
      %get3A_7 = vector.load %arg1[%get3A, %get3A_6] : memref<5000x128xf32, #tpu.memory_space<vmem>>, vector<5000x128xf32>
      %get3A_8 = arith.constant 0 : index
      %get3A_9 = arith.constant 0 : index
      %get3A_10 = arith.constant 0 : index
      %get3A_11 = vector.load %arg2[%get3A_8, %get3A_9, %get3A_10] : memref<2x5000x128xf32, #tpu.memory_space<vmem>>, vector<1x5000x128xf32>
      %get3A_12 = vector.shape_cast %get3A_11 : vector<1x5000x128xf32> to vector<5000x128xf32>
      %add3A = arith.addf %get3A_7, %get3A_12 : vector<5000x128xf32>
      %get3A_13 = arith.constant 1 : index
      %get3A_14 = arith.constant 0 : index
      %get3A_15 = arith.constant 0 : index
      %get3A_16 = vector.load %arg2[%get3A_13, %get3A_14, %get3A_15] : memref<2x5000x128xf32, #tpu.memory_space<vmem>>, vector<1x5000x128xf32>
      %get3A_17 = vector.shape_cast %get3A_16 : vector<1x5000x128xf32> to vector<5000x128xf32>
      %add3A_18 = arith.addf %add3A, %get3A_17 : vector<5000x128xf32>
      %get3A_19 = arith.constant 0 : index
      %get3A_20 = arith.constant 0 : index
      %get3A_21 = vector.load %arg3[%get3A_19, %get3A_20] : memref<128x128xf32, #tpu.memory_space<vmem>>, vector<128x128xf32>
      %dot_general3A = arith.constant dense<0.000000e+00> : vector<5000x128xf32>
      %dot_general3A_22 = tpu.matmul %add3A_18, %get3A_21, %dot_general3A {dimension_numbers = #tpu.dot_dimension_numbers<[1], [0], [0], [1], [0, 0, 1, 1], [], []>, transpose_lhs_hint = false} : vector<5000x128xf32>, vector<128x128xf32>, vector<5000x128xf32> -> vector<5000x128xf32>
      %get3A_23 = arith.constant 0 : index
      %get3A_24 = arith.constant 0 : index
      %get3A_25 = vector.load %arg4[%get3A_23, %get3A_24] : memref<1x128xf32, #tpu.memory_space<vmem>>, vector<1x128xf32>
      %add3A_26 = vector.broadcast %get3A_25 : vector<1x128xf32> to vector<5000x128xf32>
      %add3A_27 = arith.addf %dot_general3A_22, %add3A_26 : vector<5000x128xf32>
      %get3A_28 = arith.constant 0 : index
      %get3A_29 = memref.load %arg9[%get3A_28] : memref<1xf32, #tpu.memory_space<smem>>
      %ge3A_30 = arith.constant 0.000000e+00 : f32
      %ge3A_31 = vector.broadcast %ge3A_30 : f32 to vector<5000x128xf32>
      %ge3A_32 = arith.cmpf oge, %add3A_27, %ge3A_31 : vector<5000x128xf32>
      %mul3A = vector.broadcast %get3A_29 : f32 to vector<5000x128xf32>
      %mul3A_33 = arith.mulf %mul3A, %add3A_27 : vector<5000x128xf32>
      %select_n3A = arith.select %ge3A_32, %add3A_27, %mul3A_33 : vector<5000x128xi1>, vector<5000x128xf32>
      %get3A_34 = arith.constant 0 : index
      %get3A_35 = arith.constant 0 : index
      %get3A_36 = vector.load %arg5[%get3A_34, %get3A_35] : memref<128x128xf32, #tpu.memory_space<vmem>>, vector<128x128xf32>
      %dot_general3A_37 = arith.constant dense<0.000000e+00> : vector<5000x128xf32>
      %dot_general3A_38 = tpu.matmul %select_n3A, %get3A_36, %dot_general3A_37 {dimension_numbers = #tpu.dot_dimension_numbers<[1], [0], [0], [1], [0, 0, 1, 1], [], []>, transpose_lhs_hint = false} : vector<5000x128xf32>, vector<128x128xf32>, vector<5000x128xf32> -> vector<5000x128xf32>
      %get3A_39 = arith.constant 0 : index
      %get3A_40 = arith.constant 0 : index
      %get3A_41 = vector.load %arg6[%get3A_39, %get3A_40] : memref<1x128xf32, #tpu.memory_space<vmem>>, vector<1x128xf32>
      %add3A_42 = vector.broadcast %get3A_41 : vector<1x128xf32> to vector<5000x128xf32>
      %add3A_43 = arith.addf %dot_general3A_38, %add3A_42 : vector<5000x128xf32>
      %get3A_44 = arith.constant 0 : index
      %get3A_45 = memref.load %arg10[%get3A_44] : memref<1xf32, #tpu.memory_space<smem>>
      %ge3A_46 = arith.constant 0.000000e+00 : f32
      %ge3A_47 = vector.broadcast %ge3A_46 : f32 to vector<5000x128xf32>
      %ge3A_48 = arith.cmpf oge, %add3A_43, %ge3A_47 : vector<5000x128xf32>
      %mul3A_49 = vector.broadcast %get3A_45 : f32 to vector<5000x128xf32>
      %mul3A_50 = arith.mulf %mul3A_49, %add3A_43 : vector<5000x128xf32>
      %select_n3A_51 = arith.select %ge3A_48, %add3A_43, %mul3A_50 : vector<5000x128xi1>, vector<5000x128xf32>
      %mul3A_52 = arith.constant 5000 : i32
      %mul3A_53 = arith.muli %arg0, %mul3A_52 : i32
      %swap3A = arith.index_cast %mul3A_53 : i32 to index
      %swap3A_54 = arith.constant 0 : index
      %swap3A_55 = vector.load %arg12[%swap3A, %swap3A_54] : memref<10000x128xf32, #tpu.memory_space<vmem>>, vector<5000x128xf32>
      tpu.vector_store %arg12[%swap3A, %swap3A_54], %select_n3A_51 {strides = array<i32>} : memref<10000x128xf32, #tpu.memory_space<vmem>>, vector<5000x128xf32>,
      %reshape3A = vector.shape_cast %select_n3A_51 : vector<5000x128xf32> to vector<625x8x128xf32>
      %reduce_sum3A = arith.constant dense<0.000000e+00> : vector<8x128xf32>
      %reduce_sum3A_56 = vector.multi_reduction <add>, %reshape3A, %reduce_sum3A [0] : vector<625x8x128xf32> to vector<8x128xf32>
      %mul3A_57 = arith.mulf %select_n3A_51, %select_n3A_51 : vector<5000x128xf32>
      %reshape3A_58 = vector.shape_cast %mul3A_57 : vector<5000x128xf32> to vector<625x8x128xf32>
      %reduce_sum3A_59 = arith.constant dense<0.000000e+00> : vector<8x128xf32>
      %reduce_sum3A_60 = vector.multi_reduction <add>, %reshape3A_58, %reduce_sum3A_59 [0] : vector<625x8x128xf32> to vector<8x128xf32>
      %eq3A = arith.constant 0 : i32
      %eq3A_61 = arith.cmpi eq, %arg0, %eq3A : i32
      %convert_element_type3A_62 = arith.extui %eq3A_61 : i1 to i32
      %cond3A_63 = arith.constant 0 : i32
      %cond3A_64 = arith.cmpi ne, %convert_element_type3A_62, %cond3A_63 : i32
      scf.if %cond3A_64 {
        %broadcast_in_dim3A = arith.constant 0.000000e+00 : f32
        %broadcast_in_dim3A_79 = vector.broadcast %broadcast_in_dim3A : f32 to vector<8x128xf32>
        %swap3A_80 = arith.constant 0 : index
        %swap3A_81 = arith.constant 0 : index
        %swap3A_82 = vector.load %arg13[%swap3A_80, %swap3A_81] : memref<8x128xf32, #tpu.memory_space<vmem>>, vector<8x128xf32>
        tpu.vector_store %arg13[%swap3A_80, %swap3A_81], %broadcast_in_dim3A_79 {strides = array<i32>} : memref<8x128xf32, #tpu.memory_space<vmem>>, vector<8x128xf32>,
        %broadcast_in_dim3A_83 = arith.constant 0.000000e+00 : f32
        %broadcast_in_dim3A_84 = vector.broadcast %broadcast_in_dim3A_83 : f32 to vector<8x128xf32>
        %swap3A_85 = arith.constant 0 : index
        %swap3A_86 = arith.constant 0 : index
        %swap3A_87 = vector.load %arg14[%swap3A_85, %swap3A_86] : memref<8x128xf32, #tpu.memory_space<vmem>>, vector<8x128xf32>
        tpu.vector_store %arg14[%swap3A_85, %swap3A_86], %broadcast_in_dim3A_84 {strides = array<i32>} : memref<8x128xf32, #tpu.memory_space<vmem>>, vector<8x128xf32>,
      } else {
      }
      %get3A_65 = arith.constant 0 : index
      %get3A_66 = arith.constant 0 : index
      %get3A_67 = vector.load %arg13[%get3A_65, %get3A_66] : memref<8x128xf32, #tpu.memory_space<vmem>>, vector<8x128xf32>
      %add3A_68 = arith.addf %get3A_67, %reduce_sum3A_56 : vector<8x128xf32>
      %swap3A_69 = arith.constant 0 : index
      %swap3A_70 = arith.constant 0 : index
      %swap3A_71 = vector.load %arg13[%swap3A_69, %swap3A_70] : memref<8x128xf32, #tpu.memory_space<vmem>>, vector<8x128xf32>
      tpu.vector_store %arg13[%swap3A_69, %swap3A_70], %add3A_68 {strides = array<i32>} : memref<8x128xf32, #tpu.memory_space<vmem>>, vector<8x128xf32>,
      %get3A_72 = arith.constant 0 : index
      %get3A_73 = arith.constant 0 : index
      %get3A_74 = vector.load %arg14[%get3A_72, %get3A_73] : memref<8x128xf32, #tpu.memory_space<vmem>>, vector<8x128xf32>
      %add3A_75 = arith.addf %get3A_74, %reduce_sum3A_60 : vector<8x128xf32>
      %swap3A_76 = arith.constant 0 : index
      %swap3A_77 = arith.constant 0 : index
      %swap3A_78 = vector.load %arg14[%swap3A_76, %swap3A_77] : memref<8x128xf32, #tpu.memory_space<vmem>>, vector<8x128xf32>
      tpu.vector_store %arg14[%swap3A_76, %swap3A_77], %add3A_75 {strides = array<i32>} : memref<8x128xf32, #tpu.memory_space<vmem>>, vector<8x128xf32>,
    } else {
    }
    %ge3A = arith.constant 2 : i32
    %ge3A_2 = arith.cmpi sge, %arg0, %ge3A : i32
    %convert_element_type3A_3 = arith.extui %ge3A_2 : i1 to i32
    %cond3A_4 = arith.constant 0 : i32
    %cond3A_5 = arith.cmpi ne, %convert_element_type3A_3, %cond3A_4 : i32
    scf.if %cond3A_5 {
      %sub3A = arith.constant 2 : i32
      %sub3A_6 = arith.subi %arg0, %sub3A : i32
      %get3A = arith.constant 0 : index
      %get3A_7 = arith.constant 0 : index
      %get3A_8 = vector.load %arg13[%get3A, %get3A_7] : memref<8x128xf32, #tpu.memory_space<vmem>>, vector<8x128xf32>
      %reduce_sum3A = arith.constant dense<0.000000e+00> : vector<128xf32>
      %reduce_sum3A_9 = vector.multi_reduction <add>, %get3A_8, %reduce_sum3A [0] : vector<8x128xf32> to vector<128xf32>
      %broadcast_in_dim3A = vector.shape_cast %reduce_sum3A_9 : vector<128xf32> to vector<1x128xf32>
      %get3A_10 = arith.constant 0 : index
      %get3A_11 = arith.constant 0 : index
      %get3A_12 = vector.load %arg14[%get3A_10, %get3A_11] : memref<8x128xf32, #tpu.memory_space<vmem>>, vector<8x128xf32>
      %reduce_sum3A_13 = arith.constant dense<0.000000e+00> : vector<128xf32>
      %reduce_sum3A_14 = vector.multi_reduction <add>, %get3A_12, %reduce_sum3A_13 [0] : vector<8x128xf32> to vector<128xf32>
      %broadcast_in_dim3A_15 = vector.shape_cast %reduce_sum3A_14 : vector<128xf32> to vector<1x128xf32>
      %div3A = arith.constant 1.000000e+04 : f32
      %div3A_16 = vector.broadcast %div3A : f32 to vector<1x128xf32>
      %div3A_17 = arith.divf %broadcast_in_dim3A, %div3A_16 : vector<1x128xf32>
      %div3A_18 = arith.constant 1.000000e+04 : f32
      %div3A_19 = vector.broadcast %div3A_18 : f32 to vector<1x128xf32>
      %div3A_20 = arith.divf %broadcast_in_dim3A_15, %div3A_19 : vector<1x128xf32>
      %mul3A = arith.mulf %div3A_17, %div3A_17 : vector<1x128xf32>
      %sub3A_21 = arith.subf %div3A_20, %mul3A : vector<1x128xf32>
      %add3A = arith.constant 9.99999974E-6 : f32
      %add3A_22 = vector.broadcast %add3A : f32 to vector<1x128xf32>
      %add3A_23 = arith.addf %sub3A_21, %add3A_22 : vector<1x128xf32>
      %sqrt3A = math.sqrt %add3A_23 : vector<1x128xf32>
      %div3A_24 = arith.constant 1.000000e+00 : f32
      %div3A_25 = vector.broadcast %div3A_24 : f32 to vector<1x128xf32>
      %div3A_26 = arith.divf %div3A_25, %sqrt3A : vector<1x128xf32>
      %mul3A_27 = arith.constant 5000 : i32
      %mul3A_28 = arith.muli %sub3A_6, %mul3A_27 : i32
      %get3A_29 = arith.index_cast %mul3A_28 : i32 to index
      %get3A_30 = arith.constant 0 : index
      %get3A_31 = vector.load %arg12[%get3A_29, %get3A_30] : memref<10000x128xf32, #tpu.memory_space<vmem>>, vector<5000x128xf32>
      %get3A_32 = arith.constant 0 : index
      %get3A_33 = arith.constant 0 : index
      %get3A_34 = vector.load %arg7[%get3A_32, %get3A_33] : memref<1x128xf32, #tpu.memory_space<vmem>>, vector<1x128xf32>
      %sub3A_35 = vector.broadcast %div3A_17 : vector<1x128xf32> to vector<5000x128xf32>
      %sub3A_36 = arith.subf %get3A_31, %sub3A_35 : vector<5000x128xf32>
      %mul3A_37 = vector.broadcast %get3A_34 : vector<1x128xf32> to vector<5000x128xf32>
      %mul3A_38 = arith.mulf %mul3A_37, %sub3A_36 : vector<5000x128xf32>
      %mul3A_39 = vector.broadcast %div3A_26 : vector<1x128xf32> to vector<5000x128xf32>
      %mul3A_40 = arith.mulf %mul3A_38, %mul3A_39 : vector<5000x128xf32>
      %get3A_41 = arith.constant 0 : index
      %get3A_42 = arith.constant 0 : index
      %get3A_43 = vector.load %arg8[%get3A_41, %get3A_42] : memref<1x128xf32, #tpu.memory_space<vmem>>, vector<1x128xf32>
      %add3A_44 = vector.broadcast %get3A_43 : vector<1x128xf32> to vector<5000x128xf32>
      %add3A_45 = arith.addf %mul3A_40, %add3A_44 : vector<5000x128xf32>
      %swap3A = arith.constant 0 : index
      %swap3A_46 = arith.constant 0 : index
      %swap3A_47 = vector.load %arg11[%swap3A, %swap3A_46] : memref<5000x128xf32, #tpu.memory_space<vmem>>, vector<5000x128xf32>
      tpu.vector_store %arg11[%swap3A, %swap3A_46], %add3A_45 {strides = array<i32>} : memref<5000x128xf32, #tpu.memory_space<vmem>>, vector<5000x128xf32>,
    } else {
    }
    return
  }
  func.func @transform_0(%arg0: i32) -> (i32, i32) {
    %min3A = arith.constant 1 : i32
    %min3A_0 = arith.minsi %arg0, %min3A : i32
    %c0_i32 = arith.constant 0 : i32
    %c0_i32_1 = arith.constant 0 : i32
    return %min3A_0, %c0_i32 : i32, i32
  }
  func.func @transform_1(%arg0: i32) -> (i32, i32, i32) {
    %min3A = arith.constant 1 : i32
    %min3A_0 = arith.minsi %arg0, %min3A : i32
    %c0_i32 = arith.constant 0 : i32
    %c0_i32_1 = arith.constant 0 : i32
    %c0_i32_2 = arith.constant 0 : i32
    return %c0_i32, %min3A_0, %c0_i32_1 : i32, i32, i32
  }
  func.func @transform_2(%arg0: i32) -> (i32, i32) {
    %c0_i32 = arith.constant 0 : i32
    %c0_i32_0 = arith.constant 0 : i32
    %c0_i32_1 = arith.constant 0 : i32
    return %c0_i32, %c0_i32_0 : i32, i32
  }
  func.func @transform_3(%arg0: i32) -> (i32, i32) {
    %c0_i32 = arith.constant 0 : i32
    %c0_i32_0 = arith.constant 0 : i32
    %c0_i32_1 = arith.constant 0 : i32
    return %c0_i32, %c0_i32_0 : i32, i32
  }
  func.func @transform_4(%arg0: i32) -> (i32, i32) {
    %c0_i32 = arith.constant 0 : i32
    %c0_i32_0 = arith.constant 0 : i32
    %c0_i32_1 = arith.constant 0 : i32
    return %c0_i32, %c0_i32_0 : i32, i32
  }
  func.func @transform_5(%arg0: i32) -> (i32, i32) {
    %c0_i32 = arith.constant 0 : i32
    %c0_i32_0 = arith.constant 0 : i32
    %c0_i32_1 = arith.constant 0 : i32
    return %c0_i32, %c0_i32_0 : i32, i32
  }
  func.func @transform_6(%arg0: i32) -> (i32, i32) {
    %c0_i32 = arith.constant 0 : i32
    %c0_i32_0 = arith.constant 0 : i32
    %c0_i32_1 = arith.constant 0 : i32
    return %c0_i32, %c0_i32_0 : i32, i32
  }
  func.func @transform_7(%arg0: i32) -> (i32, i32) {
    %c0_i32 = arith.constant 0 : i32
    %c0_i32_0 = arith.constant 0 : i32
    %c0_i32_1 = arith.constant 0 : i32
    return %c0_i32, %c0_i32_0 : i32, i32
  }
  func.func @transform_8(%arg0: i32) -> i32 {
    %c0_i32 = arith.constant 0 : i32
    %c0_i32_0 = arith.constant 0 : i32
    return %c0_i32 : i32
  }
  func.func @transform_9(%arg0: i32) -> i32 {
    %c0_i32 = arith.constant 0 : i32
    %c0_i32_0 = arith.constant 0 : i32
    return %c0_i32 : i32
  }
  func.func @transform_10(%arg0: i32) -> (i32, i32) {
    %lt3A = arith.constant 2 : i32
    %lt3A_0 = arith.cmpi slt, %arg0, %lt3A : i32
    %sub3A = arith.constant 2 : i32
    %sub3A_1 = arith.subi %arg0, %sub3A : i32
    %jit3A = arith.constant 0 : i32
    %select_n3A = arith.select %lt3A_0, %jit3A, %sub3A_1 : i32
    %c0_i32 = arith.constant 0 : i32
    %c0_i32_2 = arith.constant 0 : i32
    return %select_n3A, %c0_i32 : i32, i32
  }
}

module attributes {stable_mosaic.version = 14 : i64} {
  func.func @_layer_body(%arg0: i32, %arg1: memref<5000x128xf32, #tpu.memory_space<vmem>>, %arg2: memref<2x5000x128xf32, #tpu.memory_space<vmem>>, %arg3: memref<128x128xf32, #tpu.memory_space<vmem>>, %arg4: memref<1x128xf32, #tpu.memory_space<vmem>>, %arg5: memref<128x128xf32, #tpu.memory_space<vmem>>, %arg6: memref<1x128xf32, #tpu.memory_space<vmem>>, %arg7: memref<1x128xf32, #tpu.memory_space<vmem>>, %arg8: memref<1x128xf32, #tpu.memory_space<vmem>>, %arg9: memref<1xf32, #tpu.memory_space<smem>>, %arg10: memref<1xf32, #tpu.memory_space<smem>>, %arg11: memref<5000x128xf32, #tpu.memory_space<vmem>>, %arg12: memref<10000x128xf32, #tpu.memory_space<vmem>>, %arg13: memref<8x128xf32, #tpu.memory_space<vmem>>, %arg14: memref<8x128xf32, #tpu.memory_space<vmem>>) attributes {dimension_semantics = [#tpu.dimension_semantics<arbitrary>], iteration_bounds = array<i64: 4>, scalar_prefetch = 0 : i64, scratch_operands = 3 : i64, tpu.core_type = #tpu.core_type<tc>, window_params = [{transform_indices = @transform_0, window_bounds = array<i64: 5000, 128>}, {transform_indices = @transform_1, window_bounds = array<i64: 2, 5000, 128>}, {pipeline_mode = #tpu.pipeline_mode<synchronous>, transform_indices = @transform_2, window_bounds = array<i64: 128, 128>}, {pipeline_mode = #tpu.pipeline_mode<synchronous>, transform_indices = @transform_3, window_bounds = array<i64: 1, 128>}, {pipeline_mode = #tpu.pipeline_mode<synchronous>, transform_indices = @transform_4, window_bounds = array<i64: 128, 128>}, {pipeline_mode = #tpu.pipeline_mode<synchronous>, transform_indices = @transform_5, window_bounds = array<i64: 1, 128>}, {pipeline_mode = #tpu.pipeline_mode<synchronous>, transform_indices = @transform_6, window_bounds = array<i64: 1, 128>}, {pipeline_mode = #tpu.pipeline_mode<synchronous>, transform_indices = @transform_7, window_bounds = array<i64: 1, 128>}, {transform_indices = @transform_8, window_bounds = array<i64: 1>}, {transform_indices = @transform_9, window_bounds = array<i64: 1>}, {transform_indices = @transform_10, window_bounds = array<i64: 5000, 128>}]} {
    %lt3A = arith.constant 2 : i32
    %lt3A_0 = arith.cmpi slt, %arg0, %lt3A : i32
    %convert_element_type3A = arith.extui %lt3A_0 : i1 to i32
    %cond3A = arith.constant 0 : i32
    %cond3A_1 = arith.cmpi ne, %convert_element_type3A, %cond3A : i32
    scf.if %cond3A_1 {
      %get3A = arith.constant 0 : index
      %get3A_6 = arith.constant 0 : index
      %get3A_7 = vector.load %arg1[%get3A, %get3A_6] : memref<5000x128xf32, #tpu.memory_space<vmem>>, vector<5000x128xf32>
      %get3A_8 = arith.constant 0 : index
      %get3A_9 = arith.constant 0 : index
      %get3A_10 = arith.constant 0 : index
      %get3A_11 = vector.load %arg2[%get3A_8, %get3A_9, %get3A_10] : memref<2x5000x128xf32, #tpu.memory_space<vmem>>, vector<1x5000x128xf32>
      %get3A_12 = vector.shape_cast %get3A_11 : vector<1x5000x128xf32> to vector<5000x128xf32>
      %add3A = arith.addf %get3A_7, %get3A_12 : vector<5000x128xf32>
      %get3A_13 = arith.constant 1 : index
      %get3A_14 = arith.constant 0 : index
      %get3A_15 = arith.constant 0 : index
      %get3A_16 = vector.load %arg2[%get3A_13, %get3A_14, %get3A_15] : memref<2x5000x128xf32, #tpu.memory_space<vmem>>, vector<1x5000x128xf32>
      %get3A_17 = vector.shape_cast %get3A_16 : vector<1x5000x128xf32> to vector<5000x128xf32>
      %add3A_18 = arith.addf %add3A, %get3A_17 : vector<5000x128xf32>
      %get3A_19 = arith.constant 0 : index
      %get3A_20 = arith.constant 0 : index
      %get3A_21 = vector.load %arg3[%get3A_19, %get3A_20] : memref<128x128xf32, #tpu.memory_space<vmem>>, vector<128x128xf32>
      %dot_general3A = arith.constant dense<0.000000e+00> : vector<5000x128xf32>
      %dot_general3A_22 = tpu.matmul %add3A_18, %get3A_21, %dot_general3A {dimension_numbers = #tpu.dot_dimension_numbers<[1], [0], [0], [1], [0, 0, 1, 1], [], []>, transpose_lhs_hint = false} : vector<5000x128xf32>, vector<128x128xf32>, vector<5000x128xf32> -> vector<5000x128xf32>
      %get3A_23 = arith.constant 0 : index
      %get3A_24 = arith.constant 0 : index
      %get3A_25 = vector.load %arg4[%get3A_23, %get3A_24] : memref<1x128xf32, #tpu.memory_space<vmem>>, vector<1x128xf32>
      %add3A_26 = vector.broadcast %get3A_25 : vector<1x128xf32> to vector<5000x128xf32>
      %add3A_27 = arith.addf %dot_general3A_22, %add3A_26 : vector<5000x128xf32>
      %get3A_28 = arith.constant 0 : index
      %get3A_29 = memref.load %arg9[%get3A_28] : memref<1xf32, #tpu.memory_space<smem>>
      %ge3A_30 = arith.constant 0.000000e+00 : f32
      %ge3A_31 = vector.broadcast %ge3A_30 : f32 to vector<5000x128xf32>
      %ge3A_32 = arith.cmpf oge, %add3A_27, %ge3A_31 : vector<5000x128xf32>
      %mul3A = vector.broadcast %get3A_29 : f32 to vector<5000x128xf32>
      %mul3A_33 = arith.mulf %mul3A, %add3A_27 : vector<5000x128xf32>
      %select_n3A = arith.select %ge3A_32, %add3A_27, %mul3A_33 : vector<5000x128xi1>, vector<5000x128xf32>
      %get3A_34 = arith.constant 0 : index
      %get3A_35 = arith.constant 0 : index
      %get3A_36 = vector.load %arg5[%get3A_34, %get3A_35] : memref<128x128xf32, #tpu.memory_space<vmem>>, vector<128x128xf32>
      %dot_general3A_37 = arith.constant dense<0.000000e+00> : vector<5000x128xf32>
      %dot_general3A_38 = tpu.matmul %select_n3A, %get3A_36, %dot_general3A_37 {dimension_numbers = #tpu.dot_dimension_numbers<[1], [0], [0], [1], [0, 0, 1, 1], [], []>, transpose_lhs_hint = false} : vector<5000x128xf32>, vector<128x128xf32>, vector<5000x128xf32> -> vector<5000x128xf32>
      %get3A_39 = arith.constant 0 : index
      %get3A_40 = arith.constant 0 : index
      %get3A_41 = vector.load %arg6[%get3A_39, %get3A_40] : memref<1x128xf32, #tpu.memory_space<vmem>>, vector<1x128xf32>
      %add3A_42 = vector.broadcast %get3A_41 : vector<1x128xf32> to vector<5000x128xf32>
      %add3A_43 = arith.addf %dot_general3A_38, %add3A_42 : vector<5000x128xf32>
      %get3A_44 = arith.constant 0 : index
      %get3A_45 = memref.load %arg10[%get3A_44] : memref<1xf32, #tpu.memory_space<smem>>
      %ge3A_46 = arith.constant 0.000000e+00 : f32
      %ge3A_47 = vector.broadcast %ge3A_46 : f32 to vector<5000x128xf32>
      %ge3A_48 = arith.cmpf oge, %add3A_43, %ge3A_47 : vector<5000x128xf32>
      %mul3A_49 = vector.broadcast %get3A_45 : f32 to vector<5000x128xf32>
      %mul3A_50 = arith.mulf %mul3A_49, %add3A_43 : vector<5000x128xf32>
      %select_n3A_51 = arith.select %ge3A_48, %add3A_43, %mul3A_50 : vector<5000x128xi1>, vector<5000x128xf32>
      %mul3A_52 = arith.constant 5000 : i32
      %mul3A_53 = arith.muli %arg0, %mul3A_52 : i32
      %swap3A = arith.index_cast %mul3A_53 : i32 to index
      %swap3A_54 = arith.constant 0 : index
      %swap3A_55 = vector.load %arg12[%swap3A, %swap3A_54] : memref<10000x128xf32, #tpu.memory_space<vmem>>, vector<5000x128xf32>
      tpu.vector_store %arg12[%swap3A, %swap3A_54], %select_n3A_51 {strides = array<i32>} : memref<10000x128xf32, #tpu.memory_space<vmem>>, vector<5000x128xf32>,
      %reshape3A = vector.shape_cast %select_n3A_51 : vector<5000x128xf32> to vector<625x8x128xf32>
      %reduce_sum3A = arith.constant dense<0.000000e+00> : vector<8x128xf32>
      %reduce_sum3A_56 = vector.multi_reduction <add>, %reshape3A, %reduce_sum3A [0] : vector<625x8x128xf32> to vector<8x128xf32>
      %mul3A_57 = arith.mulf %select_n3A_51, %select_n3A_51 : vector<5000x128xf32>
      %reshape3A_58 = vector.shape_cast %mul3A_57 : vector<5000x128xf32> to vector<625x8x128xf32>
      %reduce_sum3A_59 = arith.constant dense<0.000000e+00> : vector<8x128xf32>
      %reduce_sum3A_60 = vector.multi_reduction <add>, %reshape3A_58, %reduce_sum3A_59 [0] : vector<625x8x128xf32> to vector<8x128xf32>
      %eq3A = arith.constant 0 : i32
      %eq3A_61 = arith.cmpi eq, %arg0, %eq3A : i32
      %convert_element_type3A_62 = arith.extui %eq3A_61 : i1 to i32
      %cond3A_63 = arith.constant 0 : i32
      %cond3A_64 = arith.cmpi ne, %convert_element_type3A_62, %cond3A_63 : i32
      scf.if %cond3A_64 {
        %broadcast_in_dim3A = arith.constant 0.000000e+00 : f32
        %broadcast_in_dim3A_79 = vector.broadcast %broadcast_in_dim3A : f32 to vector<8x128xf32>
        %swap3A_80 = arith.constant 0 : index
        %swap3A_81 = arith.constant 0 : index
        %swap3A_82 = vector.load %arg13[%swap3A_80, %swap3A_81] : memref<8x128xf32, #tpu.memory_space<vmem>>, vector<8x128xf32>
        tpu.vector_store %arg13[%swap3A_80, %swap3A_81], %broadcast_in_dim3A_79 {strides = array<i32>} : memref<8x128xf32, #tpu.memory_space<vmem>>, vector<8x128xf32>,
        %broadcast_in_dim3A_83 = arith.constant 0.000000e+00 : f32
        %broadcast_in_dim3A_84 = vector.broadcast %broadcast_in_dim3A_83 : f32 to vector<8x128xf32>
        %swap3A_85 = arith.constant 0 : index
        %swap3A_86 = arith.constant 0 : index
        %swap3A_87 = vector.load %arg14[%swap3A_85, %swap3A_86] : memref<8x128xf32, #tpu.memory_space<vmem>>, vector<8x128xf32>
        tpu.vector_store %arg14[%swap3A_85, %swap3A_86], %broadcast_in_dim3A_84 {strides = array<i32>} : memref<8x128xf32, #tpu.memory_space<vmem>>, vector<8x128xf32>,
      } else {
      }
      %get3A_65 = arith.constant 0 : index
      %get3A_66 = arith.constant 0 : index
      %get3A_67 = vector.load %arg13[%get3A_65, %get3A_66] : memref<8x128xf32, #tpu.memory_space<vmem>>, vector<8x128xf32>
      %add3A_68 = arith.addf %get3A_67, %reduce_sum3A_56 : vector<8x128xf32>
      %swap3A_69 = arith.constant 0 : index
      %swap3A_70 = arith.constant 0 : index
      %swap3A_71 = vector.load %arg13[%swap3A_69, %swap3A_70] : memref<8x128xf32, #tpu.memory_space<vmem>>, vector<8x128xf32>
      tpu.vector_store %arg13[%swap3A_69, %swap3A_70], %add3A_68 {strides = array<i32>} : memref<8x128xf32, #tpu.memory_space<vmem>>, vector<8x128xf32>,
      %get3A_72 = arith.constant 0 : index
      %get3A_73 = arith.constant 0 : index
      %get3A_74 = vector.load %arg14[%get3A_72, %get3A_73] : memref<8x128xf32, #tpu.memory_space<vmem>>, vector<8x128xf32>
      %add3A_75 = arith.addf %get3A_74, %reduce_sum3A_60 : vector<8x128xf32>
      %swap3A_76 = arith.constant 0 : index
      %swap3A_77 = arith.constant 0 : index
      %swap3A_78 = vector.load %arg14[%swap3A_76, %swap3A_77] : memref<8x128xf32, #tpu.memory_space<vmem>>, vector<8x128xf32>
      tpu.vector_store %arg14[%swap3A_76, %swap3A_77], %add3A_75 {strides = array<i32>} : memref<8x128xf32, #tpu.memory_space<vmem>>, vector<8x128xf32>,
    } else {
    }
    %ge3A = arith.constant 2 : i32
    %ge3A_2 = arith.cmpi sge, %arg0, %ge3A : i32
    %convert_element_type3A_3 = arith.extui %ge3A_2 : i1 to i32
    %cond3A_4 = arith.constant 0 : i32
    %cond3A_5 = arith.cmpi ne, %convert_element_type3A_3, %cond3A_4 : i32
    scf.if %cond3A_5 {
      %sub3A = arith.constant 2 : i32
      %sub3A_6 = arith.subi %arg0, %sub3A : i32
      %get3A = arith.constant 0 : index
      %get3A_7 = arith.constant 0 : index
      %get3A_8 = vector.load %arg13[%get3A, %get3A_7] : memref<8x128xf32, #tpu.memory_space<vmem>>, vector<8x128xf32>
      %reduce_sum3A = arith.constant dense<0.000000e+00> : vector<128xf32>
      %reduce_sum3A_9 = vector.multi_reduction <add>, %get3A_8, %reduce_sum3A [0] : vector<8x128xf32> to vector<128xf32>
      %broadcast_in_dim3A = vector.shape_cast %reduce_sum3A_9 : vector<128xf32> to vector<1x128xf32>
      %get3A_10 = arith.constant 0 : index
      %get3A_11 = arith.constant 0 : index
      %get3A_12 = vector.load %arg14[%get3A_10, %get3A_11] : memref<8x128xf32, #tpu.memory_space<vmem>>, vector<8x128xf32>
      %reduce_sum3A_13 = arith.constant dense<0.000000e+00> : vector<128xf32>
      %reduce_sum3A_14 = vector.multi_reduction <add>, %get3A_12, %reduce_sum3A_13 [0] : vector<8x128xf32> to vector<128xf32>
      %broadcast_in_dim3A_15 = vector.shape_cast %reduce_sum3A_14 : vector<128xf32> to vector<1x128xf32>
      %div3A = arith.constant 1.000000e+04 : f32
      %div3A_16 = vector.broadcast %div3A : f32 to vector<1x128xf32>
      %div3A_17 = arith.divf %broadcast_in_dim3A, %div3A_16 : vector<1x128xf32>
      %div3A_18 = arith.constant 1.000000e+04 : f32
      %div3A_19 = vector.broadcast %div3A_18 : f32 to vector<1x128xf32>
      %div3A_20 = arith.divf %broadcast_in_dim3A_15, %div3A_19 : vector<1x128xf32>
      %mul3A = arith.mulf %div3A_17, %div3A_17 : vector<1x128xf32>
      %sub3A_21 = arith.subf %div3A_20, %mul3A : vector<1x128xf32>
      %add3A = arith.constant 9.99999974E-6 : f32
      %add3A_22 = vector.broadcast %add3A : f32 to vector<1x128xf32>
      %add3A_23 = arith.addf %sub3A_21, %add3A_22 : vector<1x128xf32>
      %sqrt3A = math.sqrt %add3A_23 : vector<1x128xf32>
      %div3A_24 = arith.constant 1.000000e+00 : f32
      %div3A_25 = vector.broadcast %div3A_24 : f32 to vector<1x128xf32>
      %div3A_26 = arith.divf %div3A_25, %sqrt3A : vector<1x128xf32>
      %mul3A_27 = arith.constant 5000 : i32
      %mul3A_28 = arith.muli %sub3A_6, %mul3A_27 : i32
      %get3A_29 = arith.index_cast %mul3A_28 : i32 to index
      %get3A_30 = arith.constant 0 : index
      %get3A_31 = vector.load %arg12[%get3A_29, %get3A_30] : memref<10000x128xf32, #tpu.memory_space<vmem>>, vector<5000x128xf32>
      %get3A_32 = arith.constant 0 : index
      %get3A_33 = arith.constant 0 : index
      %get3A_34 = vector.load %arg7[%get3A_32, %get3A_33] : memref<1x128xf32, #tpu.memory_space<vmem>>, vector<1x128xf32>
      %sub3A_35 = vector.broadcast %div3A_17 : vector<1x128xf32> to vector<5000x128xf32>
      %sub3A_36 = arith.subf %get3A_31, %sub3A_35 : vector<5000x128xf32>
      %mul3A_37 = vector.broadcast %get3A_34 : vector<1x128xf32> to vector<5000x128xf32>
      %mul3A_38 = arith.mulf %mul3A_37, %sub3A_36 : vector<5000x128xf32>
      %mul3A_39 = vector.broadcast %div3A_26 : vector<1x128xf32> to vector<5000x128xf32>
      %mul3A_40 = arith.mulf %mul3A_38, %mul3A_39 : vector<5000x128xf32>
      %get3A_41 = arith.constant 0 : index
      %get3A_42 = arith.constant 0 : index
      %get3A_43 = vector.load %arg8[%get3A_41, %get3A_42] : memref<1x128xf32, #tpu.memory_space<vmem>>, vector<1x128xf32>
      %add3A_44 = vector.broadcast %get3A_43 : vector<1x128xf32> to vector<5000x128xf32>
      %add3A_45 = arith.addf %mul3A_40, %add3A_44 : vector<5000x128xf32>
      %swap3A = arith.constant 0 : index
      %swap3A_46 = arith.constant 0 : index
      %swap3A_47 = vector.load %arg11[%swap3A, %swap3A_46] : memref<5000x128xf32, #tpu.memory_space<vmem>>, vector<5000x128xf32>
      tpu.vector_store %arg11[%swap3A, %swap3A_46], %add3A_45 {strides = array<i32>} : memref<5000x128xf32, #tpu.memory_space<vmem>>, vector<5000x128xf32>,
    } else {
    }
    return
  }
  func.func @transform_0(%arg0: i32) -> (i32, i32) {
    %min3A = arith.constant 1 : i32
    %min3A_0 = arith.minsi %arg0, %min3A : i32
    %c0_i32 = arith.constant 0 : i32
    %c0_i32_1 = arith.constant 0 : i32
    return %min3A_0, %c0_i32 : i32, i32
  }
  func.func @transform_1(%arg0: i32) -> (i32, i32, i32) {
    %min3A = arith.constant 1 : i32
    %min3A_0 = arith.minsi %arg0, %min3A : i32
    %c0_i32 = arith.constant 0 : i32
    %c0_i32_1 = arith.constant 0 : i32
    %c0_i32_2 = arith.constant 0 : i32
    return %c0_i32, %min3A_0, %c0_i32_1 : i32, i32, i32
  }
  func.func @transform_2(%arg0: i32) -> (i32, i32) {
    %c0_i32 = arith.constant 0 : i32
    %c0_i32_0 = arith.constant 0 : i32
    %c0_i32_1 = arith.constant 0 : i32
    return %c0_i32, %c0_i32_0 : i32, i32
  }
  func.func @transform_3(%arg0: i32) -> (i32, i32) {
    %c0_i32 = arith.constant 0 : i32
    %c0_i32_0 = arith.constant 0 : i32
    %c0_i32_1 = arith.constant 0 : i32
    return %c0_i32, %c0_i32_0 : i32, i32
  }
  func.func @transform_4(%arg0: i32) -> (i32, i32) {
    %c0_i32 = arith.constant 0 : i32
    %c0_i32_0 = arith.constant 0 : i32
    %c0_i32_1 = arith.constant 0 : i32
    return %c0_i32, %c0_i32_0 : i32, i32
  }
  func.func @transform_5(%arg0: i32) -> (i32, i32) {
    %c0_i32 = arith.constant 0 : i32
    %c0_i32_0 = arith.constant 0 : i32
    %c0_i32_1 = arith.constant 0 : i32
    return %c0_i32, %c0_i32_0 : i32, i32
  }
  func.func @transform_6(%arg0: i32) -> (i32, i32) {
    %c0_i32 = arith.constant 0 : i32
    %c0_i32_0 = arith.constant 0 : i32
    %c0_i32_1 = arith.constant 0 : i32
    return %c0_i32, %c0_i32_0 : i32, i32
  }
  func.func @transform_7(%arg0: i32) -> (i32, i32) {
    %c0_i32 = arith.constant 0 : i32
    %c0_i32_0 = arith.constant 0 : i32
    %c0_i32_1 = arith.constant 0 : i32
    return %c0_i32, %c0_i32_0 : i32, i32
  }
  func.func @transform_8(%arg0: i32) -> i32 {
    %c0_i32 = arith.constant 0 : i32
    %c0_i32_0 = arith.constant 0 : i32
    return %c0_i32 : i32
  }
  func.func @transform_9(%arg0: i32) -> i32 {
    %c0_i32 = arith.constant 0 : i32
    %c0_i32_0 = arith.constant 0 : i32
    return %c0_i32 : i32
  }
  func.func @transform_10(%arg0: i32) -> (i32, i32) {
    %lt3A = arith.constant 2 : i32
    %lt3A_0 = arith.cmpi slt, %arg0, %lt3A : i32
    %sub3A = arith.constant 2 : i32
    %sub3A_1 = arith.subi %arg0, %sub3A : i32
    %jit3A = arith.constant 0 : i32
    %select_n3A = arith.select %lt3A_0, %jit3A, %sub3A_1 : i32
    %c0_i32 = arith.constant 0 : i32
    %c0_i32_2 = arith.constant 0 : i32
    return %select_n3A, %c0_i32 : i32, i32
  }
}

</mosaic_0001>

<sc_bundles>
// kernel: kernel.6.cloned.1.call-start
scs
__scs_entry_jumppad:
0x0: {  	(pc) =	sbr.rel $0x88, $3  }
0x1: {  	(tag) =	ssettag $0x0;
	lr =	simm.s32 $0x1  }
0x2: {  	[smem:$0x3F90] =	sst lr;
	_ =	strace $0xD0000000  }
0x3: {  	_ = 	snop  }
0x4: {  	_ = 	snop  }
0x5: {  	_ = 	snop  }
0x6: {  	_ = 	snop  }
0x7: {  	_ = 	snop  }
__scs_overlays_trampoline_lowered:
0x8: {  	[smem:$0x3F9F] =	sst s0  }
0x9: {  	[smem:$0x3FA0] =	sst s1  }
0xa: {  	[smem:$0x3FA1] =	sst s2  }
0xb: {  	[smem:$0x3FA2] =	sst s3  }
0xc: {  	[smem:$0x3FA3] =	sst s4  }
0xd: {  	[smem:$0x3FA4] =	sst s5  }
0xe: {  	[smem:$0x3FA5] =	sst s6  }
0xf: {  	[smem:$0x3FA6] =	sst s7  }
0x10: {  	[smem:$0x3FA7] =	sst s8  }
0x11: {  	[smem:$0x3FA8] =	sst s9;
	s0 =	simm.s32 @!p0 $0x0  }
0x12: {  	s1 =	sld [smem:$0x3F8E];
	s0 =	simm.s32 @p0 $0x1  }
0x13: {  	[smem:$0x3FA9] =	sst s0;
	s0 =	simm.s32 @!p1 $0x0  }
0x14: {  	s2 =	sld [smem:$0x3F8D];
	s0 =	simm.s32 @p1 $0x1  }
0x15: {  	[smem:$0x3FAA] =	sst s0;
	s0 =	simm.s32 @!p2 $0x0  }
0x16: {  	s3 =	sld [smem:$0x3FDB];
	s0 =	simm.s32 @p2 $0x1  }
0x17: {  	s4 =	simm.s32 $0x1BF5;
	[smem:$0x3FAC] =	sst s0  }
0x18: {  	s0 =	sld [smem:$0x3F8F];
	_ =	swait.ge [sflag:s4], $0x0  }
0x19: {  	s7 =	sld [smem:$0x3F90]  }
0x1a: {  	s8 =	sadd.s32 $0xFFFFE003, lr  }
0x1b: {  	s9 =	sadd.s32 $0xFFFFFEF7, lr;
	s5 =	simm.s32 $0xFFFFFFFF;
	p2 =	slt.u32 s8, $0xFFFFF086  }
0x1c: {  	p1 =	slt.u32 s9, $0xF7A;
	s5 =	simm.s32 @!p2 $0x0  }
0x1d: {  	s5 =	simm.s32 @p1 $0x1;
	p0 =	seq.s32 s7, s2  }
0x1e: {  	s7 =	smul.u32 @!p0 $0xF7A, s2;
	p2 =	seq.s32 @!p0 s5, $0x0  }
0x1f: {  	s9 =	smul.u32 $0xF7A, s1;
	s8 =	simm.s32 @!p0 $0x1BF5;
	p2 =	por !p2, p0  }
0x20: {  	[sflag:s8] =	ssyncset.s32 @!p0 $0xFFFFF086;
	s6 =	sadd.s32 @!p0 s3, s7;
	s7 =	simm.s32 @!p0 $0x108  }
0x21: {  	s3 =	sadd.s32 s3, s9;
	s6 =	sadd.s32 @!p0 $0x88, s6;
	s7 =	simm.s32 @p2 $0x1082  }
0x22: {  	[simem:s7], [sflag:s8] =	dma.local @!p0 [hbm:s6], $0xF7A  }
0x23: {  	s9 =	sor.u32 $0xD0000000, s2;
	s6 =	simm.s32 $0x108;
	_ =	swait.ge @!p0 [sflag:s8], $0x0  }
0x24: {  	s3 =	sadd.s32 $0x88, s3;
	s6 =	simm.s32 @!p1 $0x1082;
	[sflag:s4] =	ssyncset.s32 $0xFFFFF086  }
0x25: {  	[simem:s6], [sflag:s4] =	dma.local [hbm:s3], $0xF7A  }
0x26: {  	[smem:$0x3F90] =	sst s1;
	(tag) =	ssettag s2;
	_ =	strace s9  }
0x27: {  	s1 =	sld [smem:$0x3FA0]  }
0x28: {  	s2 =	sld [smem:$0x3FA1]  }
0x29: {  	s4 =	sld [smem:$0x3FA3]  }
0x2a: {  	p0 =	seq.s32 s5, $0x0;
	s5 =	sld [smem:$0x3FA4]  }
0x2b: {  	s6 =	sld [smem:$0x3FA5]  }
0x2c: {  	s7 =	sld [smem:$0x3FA6]  }
0x2d: {  	s3 =	simm.s32 $0x108;
	s8 =	sld [smem:$0x3FA7]  }
0x2e: {  	s3 =	simm.s32 @!p0 $0x1082;
	s9 =	sld [smem:$0x3FA8]  }
0x2f: {  	lr =	sadd.s32 s0, s3;
	s0 =	sld [smem:$0x3F9F]  }
0x30: {  	s3 =	sld [smem:$0x3FA2]  }
0x31: {  	[smem:$0x3FAB] =	sst s10  }
0x32: {  	s10 =	sld [smem:$0x3FA9];
	_ =	sdelay $0x3  }
0x33: {  	p0 =	seq.s32 s10, $0x1;
	s10 =	sld [smem:$0x3FAB];
	_ =	sdelay $0x3  }
0x34: {  	[smem:$0x3FAB] =	sst s10  }
0x35: {  	s10 =	sld [smem:$0x3FAA];
	_ =	sdelay $0x3  }
0x36: {  	p1 =	seq.s32 s10, $0x1;
	s10 =	sld [smem:$0x3FAB];
	_ =	sdelay $0x3  }
0x37: {  	[smem:$0x3FAB] =	sst s10  }
0x38: {  	s10 =	sld [smem:$0x3FAC]  }
0x39: {  	_ = 	snop;
	(pc) =	sbr.ind lr, $3  }
0x3a: {  	_ = 	snop  }
0x3b: {  	_ = 	snop  }
0x3c: {  	p2 =	seq.s32 s10, $0x1;
	s10 =	sld [smem:$0x3FAB]  }
0x3d: {  	_ =	shalt  }
0x3e: {  	_ =	shalt  }
0x3f: {  	_ =	shalt  }
0x40: {  	_ =	shalt  }
0x41: {  	_ =	shalt  }
0x42: {  	_ =	shalt  }
0x43: {  	_ =	shalt  }
0x44: {  	_ =	shalt  }
0x45: {  	_ =	shalt  }
0x46: {  	_ =	shalt  }
0x47: {  	_ =	shalt  }
0x48: {  	_ =	shalt  }
0x49: {  	_ =	shalt  }
0x4a: {  	_ =	shalt  }
0x4b: {  	_ =	shalt  }
0x4c: {  	_ =	shalt  }
0x4d: {  	_ =	shalt  }
0x4e: {  	_ =	shalt  }
0x4f: {  	_ =	shalt  }
0x50: {  	_ =	shalt  }
0x51: {  	_ =	shalt  }
0x52: {  	_ =	shalt  }
0x53: {  	_ =	shalt  }
0x54: {  	_ =	shalt  }
0x55: {  	_ =	shalt  }
0x56: {  	_ =	shalt  }
0x57: {  	_ =	shalt  }
0x58: {  	_ =	shalt  }
0x59: {  	_ =	shalt  }
0x5a: {  	_ =	shalt  }
0x5b: {  	_ =	shalt  }
0x5c: {  	_ =	shalt  }
0x5d: {  	_ =	shalt  }
0x5e: {  	_ =	shalt  }
0x5f: {  	_ =	shalt  }
0x60: {  	_ =	shalt  }
0x61: {  	_ =	shalt  }
0x62: {  	_ =	shalt  }
0x63: {  	_ =	shalt  }
0x64: {  	_ =	shalt  }
0x65: {  	_ =	shalt  }
0x66: {  	_ =	shalt  }
0x67: {  	_ =	shalt  }
0x68: {  	_ =	shalt  }
0x69: {  	_ =	shalt  }
0x6a: {  	_ =	shalt  }
0x6b: {  	_ =	shalt  }
0x6c: {  	_ =	shalt  }
0x6d: {  	_ =	shalt  }
0x6e: {  	_ =	shalt  }
0x6f: {  	_ =	shalt  }
0x70: {  	_ =	shalt  }
0x71: {  	_ =	shalt  }
0x72: {  	_ =	shalt  }
0x73: {  	_ =	shalt  }
0x74: {  	_ =	shalt  }
0x75: {  	_ =	shalt  }
0x76: {  	_ =	shalt  }
0x77: {  	_ =	shalt  }
0x78: {  	_ =	shalt  }
0x79: {  	_ =	shalt  }
0x7a: {  	_ =	shalt  }
0x7b: {  	_ =	shalt  }
0x7c: {  	_ =	shalt  }
0x7d: {  	_ =	shalt  }
0x7e: {  	_ =	shalt  }
0x7f: {  	_ =	shalt  }
0x80: {  	_ =	shalt  }
0x81: {  	_ =	shalt  }
0x82: {  	_ =	shalt  }
0x83: {  	_ =	shalt  }
0x84: {  	_ =	shalt  }
0x85: {  	_ =	shalt  }
0x86: {  	_ =	shalt  }
0x87: {  	_ =	shalt  }
.Lfunc_end0:
.L_simem_size_0:
called_computation_lowered:
.L_overlay_start_0:
0x88: {  	s2 =	sld [smem:$0x3FD9]  }
0x89: {  	s3 =	sld [smem:$0x3FFE];
	_ =	sdelay $0x1  }
0x8a: {  	s1 =	srdreg.scid  }
0x8b: {  	s0 =	sand.u32 $0x1, s1  }
0x8c: {  	s17 =	sshll.u32 s0, $0xA;
	s2 =	sadd.s32 s3, s2  }
0x8d: {  	s2 =	sadd.s32 s2, s17  }
0x8e: {  	[smem:$0x3FB7] =	sst s2  }
0x8f: {  	_ = 	snop  }
0x90: {  	s2 =	sld [smem:$0x3FC9];
	(tm) =	ssettm $0x1  }
0x91: {  	s18 =	sld [smem:$0x3FFB];
	_ =	sdelay $0x3  }
0x92: {  	_ =	strace s18  }
0x93: {  	s3 =	sld [smem:$0x3FFC];
	_ =	sdelay $0x3  }
0x94: {  	_ =	strace s3  }
0x95: {  	s3 =	sld [smem:$0x3FFD];
	_ =	sdelay $0x3  }
0x96: {  	_ =	strace s3  }
0x97: {  	_ =	strace $0x8FFFFFFF  }
0x98: {  	s19 =	sld [smem:$0x3FDB];
	_ =	sdelay $0x1  }
0x99: {  	s4 =	simm.s32 $_scs_section_size  }
0x9a: {  	s5 =	simm.s32 $_size__tile_overlayer_lowered;
	s6 =	simm.s32 $_tile_overlayer_lowered  }
0x9b: {  	s22 =	simm.s32 $0x1BFF;
	s21 =	sshll.u32 s6, $0x1;
	s3 =	sadd.s32 s4, s19  }
0x9c: {  	s7 =	simm.s32 $0x0;
	s20 =	sshll.u32 s5, $0x1;
	s5 =	sadd.s32 s21, s3  }
0x9d: {  	[timem:s7], [sflag:s22] =	dma.local [hbm:s5], s20  }
0x9e: {  	_ =	swait.ge [sflag:s22], s20  }
0x9f: {  	s4 =	ssub.s32 $0x0, s20;
	[sflag:s22] =	ssyncset.done $0x0  }
0xa0: {  	[sflag:s22] =	ssyncadd.s32 s4;
	_ =	sdelay $0x1  }
0xa1: {  	s23 =	simm.s32 $0x1B8B  }
0xa2: {  	_ =	swait.ge [sflag:s23], $0x1  }
0xa3: {  	[sflag:s23] =	ssyncset.done $0x0  }
0xa4: {  	s25 =	simm.s32 $0x1B8E;
	s24 =	sld [smem:$0x3FFE];
	[sflag:s23] =	ssyncadd.s32 $0xFFFFFFFF  }
0xa5: {  	s26 =	simm.s32 $execute0_lowered;
	[smem:$0x3FD2] =	sst s25  }
0xa6: {  	s5 =	sshll.u32 s26, $0x1;
	_ =	strace $0x80000046;
	[dreg:$0x1] =	wrdreg $0xFFFFFFFF  }
0xa7: {  	s28 =	simm.s32 $_size_execute0_lowered;
	s3 =	sadd.s32 s3, s5;
	[dreg:$0x0] =	wrdreg $0x0  }
0xa8: {  	s5 =	sshll.u32 s28, $0x1;
	[dreg:$0x2] =	wrdreg s3  }
0xa9: {  	[dreg:$0x3] =	wrdreg s5  }
0xaa: {  	[dreg:$0x4] =	wrdreg $0xC0  }
0xab: {  	_ =	task [dreg:s7], $0x5FFFF  }
0xac: {  	[dreg:$0x1] =	wrdreg $0xFFFFFFFF  }
0xad: {  	[dreg:$0x0] =	wrdreg $0x60  }
0xae: {  	[dreg:$0x2] =	wrdreg s2  }
0xaf: {  	[dreg:$0x3] =	wrdreg s24  }
0xb0: {  	[dreg:$0x4] =	wrdreg $0xA1000  }
0xb1: {  	[dreg:$0x5] =	wrdreg $0x9  }
0xb2: {  	_ =	task.clear_ibuf [dreg:s7], $0x6FFFF;
	_ =	strace $0x90000046  }
0xb3: {  	s29 =	simm.s32 $0x9;
	_ =	strace $0x80000048  }
0xb4: {  	_ =	swait.ge [sflag:s29], $0x1  }
0xb5: {  	[sflag:s29] =	ssyncadd.s32 $0xFFFFFFFF  }
0xb6: {  	_ =	strace $0x90000048  }
0xb7: {  	_ =	sfence  }
0xb8: {  	s30 =	sld [smem:$0x0];
	_ =	sdelay $0x2  }
0xb9: {  	s31 =	sshll.u32 s1, $0xD;
	s1 =	sshrl.u32 s1, $0x2  }
0xba: {  	s3 =	sand.u32 $0x4000, s31;
	s1 =	sadd.s32 s1, s30  }
0xbb: {  	s0 =	sor.u32 s3, s0;
	s1 =	sshll.u32 s1, $0x11  }
0xbc: {  	s0 =	sor.u32 s1, s0  }
0xbd: {  	s0 =	sadd.s32 $0x8F2B, s0  }
0xbe: {  	[sflag:s0] =	ssyncadd.remote.s32 $0x1  }
0xbf: {  	_ =	sfence.sel $0xFFFF  }
0xc0: {  	[dreg:$0x0] =	wrdreg $0xFFFFFFFF;
	(pc) =	sbr.abs _section_cstart, $3  }
0xc1: {  	[dreg:$0x1] =	wrdreg $0xFFFFFFFF  }
0xc2: {  	_ =	task.clear_ibuf [dreg:s7], $0x2FFFF;
	_ =	strace $0x9FFFFFFF  }
0xc3: {  	(tm) =	ssettm $0x7FFFFFFF  }
tec
execute0_lowered:
.L_overlay_start_1:
0x0: {  	(tag) =	ssettag $0x1  }
0x1: {  	s0 =	srdreg.scid;
	s5 =	rddreg [dreg:$0x1]  }
0x2: {  	s12 =	stileid.u32;
	s3 =	rddreg [dreg:$0x2]  }
0x3: {  	s4 =	simm.s32 $0x0;
	s28 =	simm.s32 $0x1;
	s29 =	simm.s32 $0x3  }
0x4: {  	s30 =	simm.s32 $0x50;
	s31 =	simm.s32 $0x5100;
	s1 =	sand.u32 $0x1, s0  }
0x5: {  	s0 =	rddreg [dreg:$0x0];
	s6 =	smul.u32 $0x4E000, s12;
	s2 =	sshll.u32 s1, $0x4  }
0x6: {  	[smem:$0x7FF] =	sst s4;
	s25 =	smul.u32 $0x13800, s12;
	s2 =	sor.u32 s12, s2  }
0x7: {  	s9 =	sadd.s32 $0x2800, s5;
	s11 =	sadd.s32 $0x16400, s5;
	s2 =	smul.u32 $0x2710, s2  }
0x8: {  	s15 =	sadd.s32 $0x138000, s3;
	s13 =	smul.u32 $0x2710, s12;
	p0 =	sne.s32 s12, $0x0  }
0x9: {  	_ =	strace $0x80000047;
	s8 =	ssub.s32 $0x2, s1;
	s2 =	sshrl.u32 s2, $0x3  }
0xa: {  	s22 =	smul.u32 $0x138800, s1;
	s6 =	sshrl.u32 s6, $0x2;
	s7 =	sadd.s32 s2, s5  }
0xb: {  	s1 =	smul.u32 $0x27100, s1;
	s5 =	sadd.s32 s6, s3;
	s17 =	sadd.s32 $0xC600, s7  }
0xc: {  	s10 =	sshrl.u32 s8, $0x1;
	s18 =	sadd.s32 $0x2800, s5;
	[dreg:$0x4] =	wrdreg s17  }
0xd: {  	s12 =	simm.s32 $0x5;
	s19 =	sadd.s32 $0x5000, s5;
	[dreg:$0x5] =	wrdreg s18  }
0xe: {  	s8 =	ssub.s32 s8, s10;
	s20 =	sadd.s32 $0x7800, s5;
	[dreg:$0x6] =	wrdreg s19  }
0xf: {  	s1 =	sadd.s32 s13, s1;
	s21 =	sadd.s32 $0xA000, s5;
	[dreg:$0x7] =	wrdreg s20  }
0x10: {  	s10 =	simm.s32 $0x8;
	s23 =	sadd.s32 $0xC800, s5;
	[dreg:$0x8] =	wrdreg s21  }
0x11: {  	s13 =	simm.s32 $0x9;
	s24 =	sadd.s32 $0xF000, s5;
	[dreg:$0x9] =	wrdreg s23  }
0x12: {  	s14 =	sadd.s32 s9, s2;
	s26 =	sadd.s32 $0x11800, s5;
	[dreg:$0xa] =	wrdreg s24  }
0x13: {  	s6 =	sshrl.u32 s22, $0x3;
	s2 =	sadd.s32 $0xA, s14;
	[dreg:$0xb] =	wrdreg s26  }
0x14: {  	s16 =	sadd.s32 $0x14, s14;
	s7 =	sadd.s32 s25, s22;
	[dreg:$0xc] =	wrdreg s2  }
0x15: {  	s22 =	sadd.s32 $0x1E0, s1;
	[dreg:$0xd] =	wrdreg s16;
	s17 =	sadd.s32 $0x1E, s14  }
0x16: {  	s7 =	sshrl.u32 s7, $0x3;
	s19 =	sadd.s32 s11, s6;
	s21 =	sadd.s32 $0x230, s1  }
0x17: {  	s1 =	sadd.s32 $0x190, s1;
	s23 =	sshrl.u32 s22, $0x3;
	s24 =	sadd.s32 $0x28, s14  }
0x18: {  	s26 =	smax.u32 s8, $0x1;
	s2 =	simm.s32 $0x2780;
	s8 =	simm.s32 $0x7  }
0x19: {  	s16 =	simm.s32 $0x6;
	[dreg:$0xe] =	wrdreg s17;
	s18 =	sadd.s32 s11, s7  }
0x1a: {  	s6 =	sshrl.u32 s21, $0x3;
	s1 =	sshrl.u32 s1, $0x3;
	[dreg:$0x10] =	wrdreg s24  }
0x1b: {  	s21 =	sadd.s32 s23, s9;
	s25 =	sadd.s32 $0x27000, s19;
	[dreg:$0x12] =	wrdreg s26  }
0x1c: {  	s26 =	simm.s32 $0x2900;
	s7 =	simm.s32 $0x2880;
	s11 =	simm.s32 $0x2  }
0x1d: {  	s17 =	simm.s32 $0xA;
	[dreg:$0xf] =	wrdreg s18;
	s20 =	sadd.s32 s6, s9  }
0x1e: {  	s22 =	sadd.s32 s1, s9;
	[dreg:$0x11] =	wrdreg s25;
	s1 =	simm.s32 $0x2800  }
0x1f: {  	v0 =	vimm.f32 $0.0e+00;
	s6 =	simm.s32 $0x7900;
	s9 =	simm.s32 $0x4;
	s18 =	simm.s32 $0x0  }
.LBB2_1:
0x20: {  	s19 =	rddreg [dreg:$0x4]  }
0x21: {  	[tilespmem:s4], [sflag:$0x1] =	stream.linear.gather [hbm4b:s19+s4], $0x2710, $0x38;
	[tilespmem:$0x1D980] =	vst v63  }
0x22: {  	s23 =	simm.s32 $0x200;
	s19 =	simm.s32 $0x0  }
.LBB2_2:
0x23: {  	p1 =	sne.s32 s23, $0x9E00;
	[tilespmem:s19+$0x2970] =	vst v0  }
0x24: {  	[tilespmem:s19+$0x2900] =	vst v0  }
0x25: {  	[tilespmem:s19+$0x2910] =	vst v0  }
.Ltmp0:
0x26: {  	[tilespmem:s19+$0x2920] =	vst v0;
	(pc) =	sbr.rel @p1 .LBB2_2-.Ltmp0, $4  }
0x27: {  	[tilespmem:s19+$0x2930] =	vst v0  }
0x28: {  	[tilespmem:s19+$0x2940] =	vst v0  }
0x29: {  	[tilespmem:s19+$0x2950] =	vst v0  }
0x2a: {  	[tilespmem:s19+$0x2960] =	vst v0;
	s19 =	sshra.s32 s23, $0x2;
	s23 =	sadd.s32 $0x200, s23  }
0x2b: {  	[tilespmem:s19+$0x2970] =	vst v0  }
0x2c: {  	[tilespmem:s19+$0x2900] =	vst v0  }
0x2d: {  	[tilespmem:s19+$0x2910] =	vst v0  }
0x2e: {  	[tilespmem:s19+$0x2920] =	vst v0  }
0x2f: {  	[tilespmem:s19+$0x2930] =	vst v0  }
0x30: {  	[tilespmem:s19+$0x2940] =	vst v0  }
0x31: {  	[tilespmem:s19+$0x2950] =	vst v0  }
0x32: {  	[tilespmem:s19+$0x2960] =	vst v0  }
0x33: {  	[spmem:s5] =	stream.linear.scatter [tilespmem:s26], [sflag:$0x3], $0x2800, $0x38;
	[tilespmem:$0x1D980] =	vst v63  }
0x34: {  	s23 =	rddreg [dreg:$0x5]  }
0x35: {  	[spmem:s23] =	stream.linear.scatter [tilespmem:s26], [sflag:$0x3], $0x2800, $0x38;
	[tilespmem:$0x1D980] =	vst v63  }
0x36: {  	s24 =	rddreg [dreg:$0x6]  }
0x37: {  	[spmem:s24] =	stream.linear.scatter [tilespmem:s26], [sflag:$0x3], $0x2800, $0x38;
	[tilespmem:$0x1D980] =	vst v63  }
0x38: {  	s25 =	rddreg [dreg:$0x7]  }
0x39: {  	[spmem:s25] =	stream.linear.scatter [tilespmem:s26], [sflag:$0x3], $0x2800, $0x38;
	[tilespmem:$0x1D980] =	vst v63  }
0x3a: {  	s23 =	rddreg [dreg:$0x8]  }
0x3b: {  	[spmem:s23] =	stream.linear.scatter [tilespmem:s26], [sflag:$0x3], $0x2800, $0x38;
	[tilespmem:$0x1D980] =	vst v63  }
0x3c: {  	s24 =	rddreg [dreg:$0x9]  }
0x3d: {  	[spmem:s24] =	stream.linear.scatter [tilespmem:s26], [sflag:$0x3], $0x2800, $0x38;
	[tilespmem:$0x1D980] =	vst v63  }
0x3e: {  	s25 =	rddreg [dreg:$0xa]  }
0x3f: {  	[spmem:s25] =	stream.linear.scatter [tilespmem:s26], [sflag:$0x3], $0x2800, $0x38;
	[tilespmem:$0x1D980] =	vst v63  }
0x40: {  	s23 =	rddreg [dreg:$0xb]  }
0x41: {  	[spmem:s23] =	stream.linear.scatter [tilespmem:s26], [sflag:$0x3], $0x2000, $0x38;
	[tilespmem:$0x1D980] =	vst v63  }
0x42: {  	s19 =	simm.s32 @!p0 $0x2900  }
0x43: {  	[spmem:s15] =	stream.linear.scatter @!p0 [tilespmem:s19], [sflag:$0xA], $0x800, $0x38;
	[tilespmem:$0x1D980] =	vst v63  }
0x44: {  	s19 =	simm.s32 @!p0 $0xA  }
0x45: {  	_ =	swait.ge @!p0 [sflag:s19], $0x800  }
0x46: {  	[sflag:s19] =	ssyncset.done @!p0 $0x0  }
0x47: {  	[sflag:s19] =	ssyncadd.s32 @!p0 $0xFFFFF800  }
0x48: {  	_ =	swait.ge [sflag:s28], $0x2710  }
0x49: {  	[sflag:s28] =	ssyncset.done $0x0  }
0x4a: {  	[sflag:s28] =	ssyncadd.s32 $0xFFFFD8F0  }
0x4b: {  	_ =	swait.ge [sflag:s29], $0x2800  }
0x4c: {  	[sflag:s29] =	ssyncset.done $0x0  }
0x4d: {  	[sflag:s29] =	ssyncadd.s32 $0xFFFFD800  }
0x4e: {  	_ =	swait.ge [sflag:s29], $0x2800  }
0x4f: {  	[sflag:s29] =	ssyncset.done $0x0  }
0x50: {  	[sflag:s29] =	ssyncadd.s32 $0xFFFFD800  }
0x51: {  	_ =	swait.ge [sflag:s29], $0x2800  }
0x52: {  	[sflag:s29] =	ssyncset.done $0x0  }
0x53: {  	[sflag:s29] =	ssyncadd.s32 $0xFFFFD800  }
0x54: {  	_ =	swait.ge [sflag:s29], $0x2800  }
0x55: {  	[sflag:s29] =	ssyncset.done $0x0  }
0x56: {  	[sflag:s29] =	ssyncadd.s32 $0xFFFFD800  }
0x57: {  	_ =	swait.ge [sflag:s29], $0x2800  }
0x58: {  	[sflag:s29] =	ssyncset.done $0x0  }
0x59: {  	[sflag:s29] =	ssyncadd.s32 $0xFFFFD800  }
0x5a: {  	_ =	swait.ge [sflag:s29], $0x2800  }
0x5b: {  	[sflag:s29] =	ssyncset.done $0x0  }
0x5c: {  	[sflag:s29] =	ssyncadd.s32 $0xFFFFD800  }
0x5d: {  	_ =	swait.ge [sflag:s29], $0x2800  }
0x5e: {  	[sflag:s29] =	ssyncset.done $0x0  }
0x5f: {  	[sflag:s29] =	ssyncadd.s32 $0xFFFFD800  }
0x60: {  	_ =	swait.ge [sflag:s29], $0x2000  }
0x61: {  	[sflag:s29] =	ssyncset.done $0x0  }
0x62: {  	[sflag:s29] =	ssyncadd.s32 $0xFFFFE000  }
0x63: {  	s19 =	simm.s32 $0x0;
	[bflag:$0x0] =	sbarrier.arrive $0xFFFF  }
0x64: {  	[tilespmem:s26], [sflag:$0x1] =	stream.indirect.gather [hbm4b:s0+s30], $0x80, s19, s30, $0xb8;
	[tilespmem:$0x1D980] =	vst v63  }
0x65: {  	_ = 	snop  }
0x66: {  	[tilespmem:s31], [sflag:$0x2] =	stream.indirect.gather [hbm4b:s0+s30], $0x80, s30, s30, $0xb8;
	[tilespmem:$0x1D980] =	vst v63  }
0x67: {  	_ = 	snop  }
0x68: {  	[tilespmem:s2], [sflag:$0x7] =	stream.linear.gather [hbm4b:s14+s19], $0x50, $0x38;
	[tilespmem:$0x1D980] =	vst v63  }
0x69: {  	s23 =	rddreg [dreg:$0xc]  }
0x6a: {  	[tilespmem:s1], [sflag:$0x8] =	stream.linear.gather [hbm4b:s23+s19], $0x50, $0x38;
	[tilespmem:$0x1D980] =	vst v63  }
0x6b: {  	s24 =	simm.s32 $0xA0  }
0x6c: {  	[tilespmem:s6], [sflag:$0x3] =	stream.indirect.gather [hbm4b:s0+s30], $0x80, s24, s30, $0xb8;
	[tilespmem:$0x1D980] =	vst v63  }
0x6d: {  	s25 =	rddreg [dreg:$0xd]  }
0x6e: {  	[tilespmem:s7], [sflag:$0x9] =	stream.linear.gather [hbm4b:s25+s19], $0x50, $0x38;
	[tilespmem:$0x1D980] =	vst v63  }
0x6f: {  	_ =	swait.ge [sflag:s8], $0x50  }
0x70: {  	[sflag:s8] =	ssyncset.done $0x0  }
0x71: {  	[sflag:s8] =	ssyncadd.s32 $0xFFFFFFB0  }
0x72: {  	_ =	swait.ge [sflag:s28], $0x2800  }
0x73: {  	[sflag:s28] =	ssyncset.done $0x0  }
0x74: {  	[sflag:s28] =	ssyncadd.s32 $0xFFFFD800  }
0x75: {  	[spmem:s3] =	stream.indirect.scatter.add.f32 [tilespmem:s26], [sflag:$0x4], $0x80, s2, s30, $0xb8;
	[tilespmem:$0x1D980] =	vst v63  }
0x76: {  	_ =	swait.ge [sflag:s9], $0x2800  }
0x77: {  	[sflag:s9] =	ssyncset.done $0x0  }
0x78: {  	s24 =	simm.s32 $0xF0;
	[sflag:s9] =	ssyncadd.s32 $0xFFFFD800  }
0x79: {  	[tilespmem:s26], [sflag:$0x1] =	stream.indirect.gather [hbm4b:s0+s30], $0x80, s24, s30, $0xb8;
	[tilespmem:$0x1D980] =	vst v63  }
0x7a: {  	s25 =	rddreg [dreg:$0xe]  }
0x7b: {  	[tilespmem:s2], [sflag:$0x7] =	stream.linear.gather [hbm4b:s25+s19], $0x50, $0x38;
	[tilespmem:$0x1D980] =	vst v63  }
0x7c: {  	_ =	swait.ge [sflag:s10], $0x50  }
0x7d: {  	[sflag:s10] =	ssyncset.done $0x0  }
0x7e: {  	[sflag:s10] =	ssyncadd.s32 $0xFFFFFFB0  }
0x7f: {  	_ =	swait.ge [sflag:s11], $0x2800  }
0x80: {  	[sflag:s11] =	ssyncset.done $0x0  }
0x81: {  	[sflag:s11] =	ssyncadd.s32 $0xFFFFD800  }
0x82: {  	[spmem:s3] =	stream.indirect.scatter.add.f32 [tilespmem:s31], [sflag:$0x5], $0x80, s1, s30, $0xb8;
	[tilespmem:$0x1D980] =	vst v63  }
0x83: {  	_ =	swait.ge [sflag:s12], $0x2800  }
0x84: {  	[sflag:s12] =	ssyncset.done $0x0  }
0x85: {  	s24 =	simm.s32 $0x140;
	[sflag:s12] =	ssyncadd.s32 $0xFFFFD800  }
0x86: {  	[tilespmem:s31], [sflag:$0x2] =	stream.indirect.gather [hbm4b:s0+s30], $0x80, s24, s30, $0xb8;
	[tilespmem:$0x1D980] =	vst v63  }
0x87: {  	s25 =	rddreg [dreg:$0x10]  }
0x88: {  	[tilespmem:s1], [sflag:$0x8] =	stream.linear.gather [hbm4b:s25+s19], $0x50, $0x38;
	[tilespmem:$0x1D980] =	vst v63  }
0x89: {  	_ =	swait.ge [sflag:s13], $0x50  }
0x8a: {  	[sflag:s13] =	ssyncset.done $0x0  }
0x8b: {  	[sflag:s13] =	ssyncadd.s32 $0xFFFFFFB0  }
0x8c: {  	_ =	swait.ge [sflag:s29], $0x2800  }
0x8d: {  	[sflag:s29] =	ssyncset.done $0x0  }
0x8e: {  	[sflag:s29] =	ssyncadd.s32 $0xFFFFD800  }
0x8f: {  	[spmem:s3] =	stream.indirect.scatter.add.f32 [tilespmem:s6], [sflag:$0x6], $0x80, s7, s30, $0xb8;
	[tilespmem:$0x1D980] =	vst v63  }
0x90: {  	_ =	swait.ge [sflag:s16], $0x2800  }
0x91: {  	[sflag:s16] =	ssyncset.done $0x0  }
0x92: {  	s23 =	simm.s32 $0x190;
	[sflag:s16] =	ssyncadd.s32 $0xFFFFD800  }
0x93: {  	[tilespmem:s6], [sflag:$0x3] =	stream.indirect.gather [hbm4b:s0+s30], $0x80, s23, s30, $0xb8;
	[tilespmem:$0x1D980] =	vst v63  }
0x94: {  	s24 =	sadd.s32 $0x0, s22  }
0x95: {  	[tilespmem:s7], [sflag:$0x9] =	stream.linear.gather [hbm4b:s24+s4], $0x50, $0x38;
	[tilespmem:$0x1D980] =	vst v63  }
0x96: {  	_ =	swait.ge [sflag:s8], $0x50  }
0x97: {  	[sflag:s8] =	ssyncset.done $0x0  }
0x98: {  	[sflag:s8] =	ssyncadd.s32 $0xFFFFFFB0  }
0x99: {  	_ =	swait.ge [sflag:s28], $0x2800  }
0x9a: {  	[sflag:s28] =	ssyncset.done $0x0  }
0x9b: {  	[sflag:s28] =	ssyncadd.s32 $0xFFFFD800  }
0x9c: {  	[spmem:s3] =	stream.indirect.scatter.add.f32 [tilespmem:s26], [sflag:$0x4], $0x80, s2, s30, $0xb8;
	[tilespmem:$0x1D980] =	vst v63  }
0x9d: {  	_ =	swait.ge [sflag:s9], $0x2800  }
0x9e: {  	[sflag:s9] =	ssyncset.done $0x0  }
0x9f: {  	s25 =	simm.s32 $0x1E0;
	[sflag:s9] =	ssyncadd.s32 $0xFFFFD800  }
0xa0: {  	[tilespmem:s26], [sflag:$0x1] =	stream.indirect.gather [hbm4b:s0+s30], $0x80, s25, s30, $0xb8;
	[tilespmem:$0x1D980] =	vst v63  }
0xa1: {  	s23 =	sadd.s32 $0x0, s21  }
0xa2: {  	[tilespmem:s2], [sflag:$0x7] =	stream.linear.gather [hbm4b:s23+s4], $0x50, $0x38;
	[tilespmem:$0x1D980] =	vst v63  }
0xa3: {  	_ =	swait.ge [sflag:s10], $0x50  }
0xa4: {  	[sflag:s10] =	ssyncset.done $0x0  }
0xa5: {  	[sflag:s10] =	ssyncadd.s32 $0xFFFFFFB0  }
0xa6: {  	_ =	swait.ge [sflag:s11], $0x2800  }
0xa7: {  	[sflag:s11] =	ssyncset.done $0x0  }
0xa8: {  	[sflag:s11] =	ssyncadd.s32 $0xFFFFD800  }
0xa9: {  	[spmem:s3] =	stream.indirect.scatter.add.f32 [tilespmem:s31], [sflag:$0x5], $0x80, s1, s30, $0xb8;
	[tilespmem:$0x1D980] =	vst v63  }
0xaa: {  	_ =	swait.ge [sflag:s12], $0x2800  }
0xab: {  	[sflag:s12] =	ssyncset.done $0x0  }
0xac: {  	s24 =	simm.s32 $0x230;
	[sflag:s12] =	ssyncadd.s32 $0xFFFFD800  }
0xad: {  	[tilespmem:s31], [sflag:$0x2] =	stream.indirect.gather [hbm4b:s0+s30], $0x80, s24, s30, $0xb8;
	[tilespmem:$0x1D980] =	vst v63  }
0xae: {  	s25 =	sadd.s32 $0x0, s20  }
0xaf: {  	[tilespmem:s1], [sflag:$0x8] =	stream.linear.gather [hbm4b:s25+s4], $0x50, $0x38;
	[tilespmem:$0x1D980] =	vst v63  }
0xb0: {  	_ =	swait.ge [sflag:s13], $0x50  }
0xb1: {  	[sflag:s13] =	ssyncset.done $0x0  }
0xb2: {  	[sflag:s13] =	ssyncadd.s32 $0xFFFFFFB0  }
0xb3: {  	_ =	swait.ge [sflag:s29], $0x2800  }
0xb4: {  	[sflag:s29] =	ssyncset.done $0x0  }
0xb5: {  	s19 =	simm.s32 $0x1E;
	s23 =	simm.s32 $0x320;
	[sflag:s29] =	ssyncadd.s32 $0xFFFFD800  }
.LBB2_4:
0xb6: {  	[spmem:s3] =	stream.indirect.scatter.add.f32 [tilespmem:s6], [sflag:$0x6], $0x80, s7, s30, $0xb8;
	[tilespmem:$0x1D980] =	vst v63  }
0xb7: {  	s24 =	smov.u32 s19  }
0xb8: {  	p1 =	sne.s32 s19, $0x492;
	s19 =	sadd.s32 $0x1E, s19;
	_ =	swait.ge [sflag:s16], $0x2800  }
0xb9: {  	[sflag:s16] =	ssyncset.done $0x0  }
0xba: {  	s25 =	sadd.s32 $0xFFFFFF60, s23;
	[sflag:s16] =	ssyncadd.s32 $0xFFFFD800  }
0xbb: {  	[tilespmem:s6], [sflag:$0x3] =	stream.indirect.gather [hbm4b:s0+s30], $0x80, s25, s30, $0xb8;
	[tilespmem:$0x1D980] =	vst v63  }
0xbc: {  	s25 =	sadd.s32 s24, s22  }
0xbd: {  	[tilespmem:s7], [sflag:$0x9] =	stream.linear.gather [hbm4b:s25+s4], $0x50, $0x38;
	[tilespmem:$0x1D980] =	vst v63  }
0xbe: {  	_ =	swait.ge [sflag:s8], $0x50  }
0xbf: {  	[sflag:s8] =	ssyncset.done $0x0  }
0xc0: {  	[sflag:s8] =	ssyncadd.s32 $0xFFFFFFB0  }
0xc1: {  	_ =	swait.ge [sflag:s28], $0x2800  }
0xc2: {  	[sflag:s28] =	ssyncset.done $0x0  }
0xc3: {  	[sflag:s28] =	ssyncadd.s32 $0xFFFFD800  }
0xc4: {  	[spmem:s3] =	stream.indirect.scatter.add.f32 [tilespmem:s26], [sflag:$0x4], $0x80, s2, s30, $0xb8;
	[tilespmem:$0x1D980] =	vst v63  }
0xc5: {  	_ =	swait.ge [sflag:s9], $0x2800  }
0xc6: {  	[sflag:s9] =	ssyncset.done $0x0  }
0xc7: {  	s25 =	sadd.s32 $0xFFFFFFB0, s23;
	[sflag:s9] =	ssyncadd.s32 $0xFFFFD800  }
0xc8: {  	[tilespmem:s26], [sflag:$0x1] =	stream.indirect.gather [hbm4b:s0+s30], $0x80, s25, s30, $0xb8;
	[tilespmem:$0x1D980] =	vst v63  }
0xc9: {  	s25 =	sadd.s32 s24, s21  }
0xca: {  	[tilespmem:s2], [sflag:$0x7] =	stream.linear.gather [hbm4b:s25+s4], $0x50, $0x38;
	[tilespmem:$0x1D980] =	vst v63  }
0xcb: {  	_ =	swait.ge [sflag:s10], $0x50  }
0xcc: {  	[sflag:s10] =	ssyncset.done $0x0  }
0xcd: {  	[sflag:s10] =	ssyncadd.s32 $0xFFFFFFB0  }
0xce: {  	_ =	swait.ge [sflag:s11], $0x2800  }
0xcf: {  	[sflag:s11] =	ssyncset.done $0x0  }
0xd0: {  	[sflag:s11] =	ssyncadd.s32 $0xFFFFD800  }
0xd1: {  	[spmem:s3] =	stream.indirect.scatter.add.f32 [tilespmem:s31], [sflag:$0x5], $0x80, s1, s30, $0xb8;
	[tilespmem:$0x1D980] =	vst v63  }
0xd2: {  	_ =	swait.ge [sflag:s12], $0x2800  }
0xd3: {  	[sflag:s12] =	ssyncset.done $0x0  }
0xd4: {  	[sflag:s12] =	ssyncadd.s32 $0xFFFFD800  }
0xd5: {  	[tilespmem:s31], [sflag:$0x2] =	stream.indirect.gather [hbm4b:s0+s30], $0x80, s23, s30, $0xb8;
	[tilespmem:$0x1D980] =	vst v63  }
0xd6: {  	s24 =	sadd.s32 s24, s20  }
0xd7: {  	[tilespmem:s1], [sflag:$0x8] =	stream.linear.gather [hbm4b:s24+s4], $0x50, $0x38;
	[tilespmem:$0x1D980] =	vst v63  }
0xd8: {  	_ =	swait.ge [sflag:s13], $0x50  }
.Ltmp1:
0xd9: {  	[sflag:s13] =	ssyncset.done $0x0;
	(pc) =	sbr.rel @p1 .LBB2_4-.Ltmp1, $4  }
0xda: {  	[sflag:s13] =	ssyncadd.s32 $0xFFFFFFB0  }
0xdb: {  	_ =	swait.ge [sflag:s29], $0x2800  }
0xdc: {  	[sflag:s29] =	ssyncset.done $0x0  }
0xdd: {  	s23 =	sadd.s32 $0xF0, s23;
	[sflag:s29] =	ssyncadd.s32 $0xFFFFD800  }
0xde: {  	[spmem:s3] =	stream.indirect.scatter.add.f32 [tilespmem:s6], [sflag:$0x6], $0x80, s7, s30, $0xb8;
	[tilespmem:$0x1D980] =	vst v63  }
0xdf: {  	_ =	swait.ge [sflag:s16], $0x2800  }
0xe0: {  	[sflag:s16] =	ssyncset.done $0x0  }
0xe1: {  	[sflag:s16] =	ssyncadd.s32 $0xFFFFD800  }
0xe2: {  	_ =	swait.ge [sflag:s8], $0x50  }
0xe3: {  	[sflag:s8] =	ssyncset.done $0x0  }
0xe4: {  	[sflag:s8] =	ssyncadd.s32 $0xFFFFFFB0  }
0xe5: {  	_ =	swait.ge [sflag:s28], $0x2800  }
0xe6: {  	[sflag:s28] =	ssyncset.done $0x0  }
0xe7: {  	[sflag:s28] =	ssyncadd.s32 $0xFFFFD800  }
0xe8: {  	[spmem:s3] =	stream.indirect.scatter.add.f32 [tilespmem:s26], [sflag:$0x4], $0x80, s2, s30, $0xb8;
	[tilespmem:$0x1D980] =	vst v63  }
0xe9: {  	_ =	swait.ge [sflag:s9], $0x2800  }
0xea: {  	[sflag:s9] =	ssyncset.done $0x0  }
0xeb: {  	[sflag:s9] =	ssyncadd.s32 $0xFFFFD800  }
0xec: {  	_ =	swait.ge [sflag:s10], $0x50  }
0xed: {  	[sflag:s10] =	ssyncset.done $0x0  }
0xee: {  	[sflag:s10] =	ssyncadd.s32 $0xFFFFFFB0  }
0xef: {  	_ =	swait.ge [sflag:s11], $0x2800  }
0xf0: {  	[sflag:s11] =	ssyncset.done $0x0  }
0xf1: {  	[sflag:s11] =	ssyncadd.s32 $0xFFFFD800  }
0xf2: {  	[spmem:s3] =	stream.indirect.scatter.add.f32 [tilespmem:s31], [sflag:$0x5], $0x80, s1, s30, $0xb8;
	[tilespmem:$0x1D980] =	vst v63  }
0xf3: {  	_ =	swait.ge [sflag:s12], $0x2800  }
0xf4: {  	[sflag:s12] =	ssyncset.done $0x0  }
0xf5: {  	s19 =	stileid.u32;
	[sflag:s12] =	ssyncadd.s32 $0xFFFFD800  }
0xf6: {  	s19 =	sshll.u32 s19, $0x6;
	[bflag:$0x0] =	sbarrier.arrive $0xFFFF  }
0xf7: {  	s23 =	sshrl.u32 s5, $0x3;
	s19 =	sor.u32 $0x1C0A, s19;
	s24 =	rddreg [dreg:$0xf]  }
0xf8: {  	[hbm:s24], [sflag:s19] =	dma.local [spmem:s23], $0x2700  }
0xf9: {  	_ =	swait.ge [sflag:s17], $0x2700  }
0xfa: {  	[sflag:s17] =	ssyncset.done $0x0  }
0xfb: {  	s23 =	sshrl.u32 @!p0 s15, $0x3;
	s24 =	rddreg [dreg:$0x11];
	[sflag:s17] =	ssyncadd.s32 $0xFFFFD900  }
0xfc: {  	[hbm:s24], [sflag:s19] =	dma.local @!p0 [spmem:s23], $0x100  }
0xfd: {  	s19 =	simm.s32 @!p0 $0xA  }
0xfe: {  	_ =	swait.ge @!p0 [sflag:s19], $0x100  }
0xff: {  	s18 =	sadd.s32 $0x1, s18;
	s25 =	rddreg [dreg:$0x12]  }
0x100: {  	p1 =	sne.s32 s18, s25  }
.Ltmp2:
0x101: {  	_ = 	snop;
	(pc) =	sbr.rel @p1 .LBB2_1-.Ltmp2, $3  }
0x102: {  	_ =	sdelay $0x1  }
0x103: {  	[sflag:s19] =	ssyncset.done @!p0 $0x0  }
0x104: {  	[sflag:s19] =	ssyncadd.s32 @!p0 $0xFFFFFF00  }
0x105: {  	_ =	sfence.sel $0x180000  }
0x106: {  	[bflag:$0x0] =	sbarrier.arrive $0xFFFF  }
0x107: {  	_ =	strace $0x90000047  }
0x108: {  	[bflag:$0x2] =	sbarrier.arrive $0xFFFF  }
0x109: {  	s0 =	rddreg [dreg:$0x3]  }
0x10a: {  	s0 =	sadd.s32 @!p0 $0x100000, s0  }
0x10b: {  	[sflag:s0] =	ssyncadd.tile.s32 @!p0 $0x1;
	_ =	shalt  }
.Lfunc_end2:
_tile_overlayer_lowered:
.L_overlay_start_2:
0x10c: {  	(tag) =	ssettag $0x2  }
0x10d: {  	s0 =	rddreg [dreg:$0x0];
	s2 =	stileid.u32  }
0x10e: {  	s1 =	rddreg [dreg:$0x1];
	p0 =	sne.s32 s2, $0x0  }
0x10f: {  	s3 =	rddreg [dreg:$0x2];
	[bflag:$0x3] =	sbarrier.arrive $0xFFFF;
	s2 =	simm.s32 @!p0 $0x1C0A  }
0x110: {  	[timem:s3], [sflag:s2] =	dma.local @!p0 [hbm:s0], s1  }
0x111: {  	s0 =	simm.s32 @!p0 $0xA  }
0x112: {  	_ =	swait.ge @!p0 [sflag:s0], s1  }
0x113: {  	s1 =	ssub.s32 @!p0 $0x0, s1;
	[sflag:s0] =	ssyncset.done @!p0 $0x0  }
0x114: {  	[sflag:s0] =	ssyncadd.s32 @!p0 s1  }
0x115: {  	[bflag:$0x3] =	sbarrier.arrive $0xFFFF  }
0x116: {  	_ =	shalt  }

// kernel: kernel.9.cloned.1.call-start
scs
__scs_entry_jumppad:
0x0: {  	(pc) =	sbr.rel $0x88, $3  }
0x1: {  	(tag) =	ssettag $0x0;
	lr =	simm.s32 $0x1  }
0x2: {  	[smem:$0x3F90] =	sst lr;
	_ =	strace $0xD0000000  }
0x3: {  	_ = 	snop  }
0x4: {  	_ = 	snop  }
0x5: {  	_ = 	snop  }
0x6: {  	_ = 	snop  }
0x7: {  	_ = 	snop  }
__scs_overlays_trampoline_lowered:
0x8: {  	[smem:$0x3F9F] =	sst s0  }
0x9: {  	[smem:$0x3FA0] =	sst s1  }
0xa: {  	[smem:$0x3FA1] =	sst s2  }
0xb: {  	[smem:$0x3FA2] =	sst s3  }
0xc: {  	[smem:$0x3FA3] =	sst s4  }
0xd: {  	[smem:$0x3FA4] =	sst s5  }
0xe: {  	[smem:$0x3FA5] =	sst s6  }
0xf: {  	[smem:$0x3FA6] =	sst s7  }
0x10: {  	[smem:$0x3FA7] =	sst s8  }
0x11: {  	[smem:$0x3FA8] =	sst s9;
	s0 =	simm.s32 @!p0 $0x0  }
0x12: {  	s1 =	sld [smem:$0x3F8E];
	s0 =	simm.s32 @p0 $0x1  }
0x13: {  	[smem:$0x3FA9] =	sst s0;
	s0 =	simm.s32 @!p1 $0x0  }
0x14: {  	s2 =	sld [smem:$0x3F8D];
	s0 =	simm.s32 @p1 $0x1  }
0x15: {  	[smem:$0x3FAA] =	sst s0;
	s0 =	simm.s32 @!p2 $0x0  }
0x16: {  	s3 =	sld [smem:$0x3FDB];
	s0 =	simm.s32 @p2 $0x1  }
0x17: {  	s4 =	simm.s32 $0x1BF5;
	[smem:$0x3FAC] =	sst s0  }
0x18: {  	s0 =	sld [smem:$0x3F8F];
	_ =	swait.ge [sflag:s4], $0x0  }
0x19: {  	s7 =	sld [smem:$0x3F90]  }
0x1a: {  	s8 =	sadd.s32 $0xFFFFE003, lr  }
0x1b: {  	s9 =	sadd.s32 $0xFFFFFEF7, lr;
	s5 =	simm.s32 $0xFFFFFFFF;
	p2 =	slt.u32 s8, $0xFFFFF086  }
0x1c: {  	p1 =	slt.u32 s9, $0xF7A;
	s5 =	simm.s32 @!p2 $0x0  }
0x1d: {  	s5 =	simm.s32 @p1 $0x1;
	p0 =	seq.s32 s7, s2  }
0x1e: {  	s7 =	smul.u32 @!p0 $0xF7A, s2;
	p2 =	seq.s32 @!p0 s5, $0x0  }
0x1f: {  	s9 =	smul.u32 $0xF7A, s1;
	s8 =	simm.s32 @!p0 $0x1BF5;
	p2 =	por !p2, p0  }
0x20: {  	[sflag:s8] =	ssyncset.s32 @!p0 $0xFFFFF086;
	s6 =	sadd.s32 @!p0 s3, s7;
	s7 =	simm.s32 @!p0 $0x108  }
0x21: {  	s3 =	sadd.s32 s3, s9;
	s6 =	sadd.s32 @!p0 $0x88, s6;
	s7 =	simm.s32 @p2 $0x1082  }
0x22: {  	[simem:s7], [sflag:s8] =	dma.local @!p0 [hbm:s6], $0xF7A  }
0x23: {  	s9 =	sor.u32 $0xD0000000, s2;
	s6 =	simm.s32 $0x108;
	_ =	swait.ge @!p0 [sflag:s8], $0x0  }
0x24: {  	s3 =	sadd.s32 $0x88, s3;
	s6 =	simm.s32 @!p1 $0x1082;
	[sflag:s4] =	ssyncset.s32 $0xFFFFF086  }
0x25: {  	[simem:s6], [sflag:s4] =	dma.local [hbm:s3], $0xF7A  }
0x26: {  	[smem:$0x3F90] =	sst s1;
	(tag) =	ssettag s2;
	_ =	strace s9  }
0x27: {  	s1 =	sld [smem:$0x3FA0]  }
0x28: {  	s2 =	sld [smem:$0x3FA1]  }
0x29: {  	s4 =	sld [smem:$0x3FA3]  }
0x2a: {  	p0 =	seq.s32 s5, $0x0;
	s5 =	sld [smem:$0x3FA4]  }
0x2b: {  	s6 =	sld [smem:$0x3FA5]  }
0x2c: {  	s7 =	sld [smem:$0x3FA6]  }
0x2d: {  	s3 =	simm.s32 $0x108;
	s8 =	sld [smem:$0x3FA7]  }
0x2e: {  	s3 =	simm.s32 @!p0 $0x1082;
	s9 =	sld [smem:$0x3FA8]  }
0x2f: {  	lr =	sadd.s32 s0, s3;
	s0 =	sld [smem:$0x3F9F]  }
0x30: {  	s3 =	sld [smem:$0x3FA2]  }
0x31: {  	[smem:$0x3FAB] =	sst s10  }
0x32: {  	s10 =	sld [smem:$0x3FA9];
	_ =	sdelay $0x3  }
0x33: {  	p0 =	seq.s32 s10, $0x1;
	s10 =	sld [smem:$0x3FAB];
	_ =	sdelay $0x3  }
0x34: {  	[smem:$0x3FAB] =	sst s10  }
0x35: {  	s10 =	sld [smem:$0x3FAA];
	_ =	sdelay $0x3  }
0x36: {  	p1 =	seq.s32 s10, $0x1;
	s10 =	sld [smem:$0x3FAB];
	_ =	sdelay $0x3  }
0x37: {  	[smem:$0x3FAB] =	sst s10  }
0x38: {  	s10 =	sld [smem:$0x3FAC]  }
0x39: {  	_ = 	snop;
	(pc) =	sbr.ind lr, $3  }
0x3a: {  	_ = 	snop  }
0x3b: {  	_ = 	snop  }
0x3c: {  	p2 =	seq.s32 s10, $0x1;
	s10 =	sld [smem:$0x3FAB]  }
0x3d: {  	_ =	shalt  }
0x3e: {  	_ =	shalt  }
0x3f: {  	_ =	shalt  }
0x40: {  	_ =	shalt  }
0x41: {  	_ =	shalt  }
0x42: {  	_ =	shalt  }
0x43: {  	_ =	shalt  }
0x44: {  	_ =	shalt  }
0x45: {  	_ =	shalt  }
0x46: {  	_ =	shalt  }
0x47: {  	_ =	shalt  }
0x48: {  	_ =	shalt  }
0x49: {  	_ =	shalt  }
0x4a: {  	_ =	shalt  }
0x4b: {  	_ =	shalt  }
0x4c: {  	_ =	shalt  }
0x4d: {  	_ =	shalt  }
0x4e: {  	_ =	shalt  }
0x4f: {  	_ =	shalt  }
0x50: {  	_ =	shalt  }
0x51: {  	_ =	shalt  }
0x52: {  	_ =	shalt  }
0x53: {  	_ =	shalt  }
0x54: {  	_ =	shalt  }
0x55: {  	_ =	shalt  }
0x56: {  	_ =	shalt  }
0x57: {  	_ =	shalt  }
0x58: {  	_ =	shalt  }
0x59: {  	_ =	shalt  }
0x5a: {  	_ =	shalt  }
0x5b: {  	_ =	shalt  }
0x5c: {  	_ =	shalt  }
0x5d: {  	_ =	shalt  }
0x5e: {  	_ =	shalt  }
0x5f: {  	_ =	shalt  }
0x60: {  	_ =	shalt  }
0x61: {  	_ =	shalt  }
0x62: {  	_ =	shalt  }
0x63: {  	_ =	shalt  }
0x64: {  	_ =	shalt  }
0x65: {  	_ =	shalt  }
0x66: {  	_ =	shalt  }
0x67: {  	_ =	shalt  }
0x68: {  	_ =	shalt  }
0x69: {  	_ =	shalt  }
0x6a: {  	_ =	shalt  }
0x6b: {  	_ =	shalt  }
0x6c: {  	_ =	shalt  }
0x6d: {  	_ =	shalt  }
0x6e: {  	_ =	shalt  }
0x6f: {  	_ =	shalt  }
0x70: {  	_ =	shalt  }
0x71: {  	_ =	shalt  }
0x72: {  	_ =	shalt  }
0x73: {  	_ =	shalt  }
0x74: {  	_ =	shalt  }
0x75: {  	_ =	shalt  }
0x76: {  	_ =	shalt  }
0x77: {  	_ =	shalt  }
0x78: {  	_ =	shalt  }
0x79: {  	_ =	shalt  }
0x7a: {  	_ =	shalt  }
0x7b: {  	_ =	shalt  }
0x7c: {  	_ =	shalt  }
0x7d: {  	_ =	shalt  }
0x7e: {  	_ =	shalt  }
0x7f: {  	_ =	shalt  }
0x80: {  	_ =	shalt  }
0x81: {  	_ =	shalt  }
0x82: {  	_ =	shalt  }
0x83: {  	_ =	shalt  }
0x84: {  	_ =	shalt  }
0x85: {  	_ =	shalt  }
0x86: {  	_ =	shalt  }
0x87: {  	_ =	shalt  }
.Lfunc_end0:
.L_simem_size_0:
called_computation.1_lowered:
.L_overlay_start_0:
0x88: {  	s2 =	sld [smem:$0x3FD9]  }
0x89: {  	s3 =	sld [smem:$0x3FFE];
	_ =	sdelay $0x1  }
0x8a: {  	s1 =	srdreg.scid  }
0x8b: {  	s0 =	sand.u32 $0x1, s1  }
0x8c: {  	s17 =	sshll.u32 s0, $0xA;
	s2 =	sadd.s32 s3, s2  }
0x8d: {  	s2 =	sadd.s32 s2, s17  }
0x8e: {  	[smem:$0x3FB7] =	sst s2  }
0x8f: {  	_ = 	snop  }
0x90: {  	s2 =	sld [smem:$0x3FD0];
	(tm) =	ssettm $0x1  }
0x91: {  	s18 =	sld [smem:$0x3FFB];
	_ =	sdelay $0x3  }
0x92: {  	_ =	strace s18  }
0x93: {  	s3 =	sld [smem:$0x3FFC];
	_ =	sdelay $0x3  }
0x94: {  	_ =	strace s3  }
0x95: {  	s3 =	sld [smem:$0x3FFD];
	_ =	sdelay $0x3  }
0x96: {  	_ =	strace s3  }
0x97: {  	_ =	strace $0x8FFFFFFF  }
0x98: {  	s19 =	sld [smem:$0x3FDB];
	_ =	sdelay $0x1  }
0x99: {  	s4 =	simm.s32 $_scs_section_size  }
0x9a: {  	s5 =	simm.s32 $_size__tile_overlayer_lowered;
	s6 =	simm.s32 $_tile_overlayer_lowered  }
0x9b: {  	s22 =	simm.s32 $0x1BFF;
	s21 =	sshll.u32 s6, $0x1;
	s3 =	sadd.s32 s4, s19  }
0x9c: {  	s7 =	simm.s32 $0x0;
	s20 =	sshll.u32 s5, $0x1;
	s5 =	sadd.s32 s21, s3  }
0x9d: {  	[timem:s7], [sflag:s22] =	dma.local [hbm:s5], s20  }
0x9e: {  	_ =	swait.ge [sflag:s22], s20  }
0x9f: {  	s4 =	ssub.s32 $0x0, s20;
	[sflag:s22] =	ssyncset.done $0x0  }
0xa0: {  	[sflag:s22] =	ssyncadd.s32 s4;
	_ =	sdelay $0x1  }
0xa1: {  	s23 =	simm.s32 $0x1B8B  }
0xa2: {  	_ =	swait.ge [sflag:s23], $0x1  }
0xa3: {  	[sflag:s23] =	ssyncset.done $0x0  }
0xa4: {  	s25 =	simm.s32 $0x1B8E;
	s24 =	sld [smem:$0x3FFE];
	[sflag:s23] =	ssyncadd.s32 $0xFFFFFFFF  }
0xa5: {  	s26 =	simm.s32 $execute0_lowered;
	[smem:$0x3FD2] =	sst s25  }
0xa6: {  	s5 =	sshll.u32 s26, $0x1;
	_ =	strace $0x80000049;
	[dreg:$0x1] =	wrdreg $0xFFFFFFFF  }
0xa7: {  	s28 =	simm.s32 $_size_execute0_lowered;
	s3 =	sadd.s32 s3, s5;
	[dreg:$0x0] =	wrdreg $0x0  }
0xa8: {  	s5 =	sshll.u32 s28, $0x1;
	[dreg:$0x2] =	wrdreg s3  }
0xa9: {  	[dreg:$0x3] =	wrdreg s5  }
0xaa: {  	[dreg:$0x4] =	wrdreg $0xC0  }
0xab: {  	_ =	task [dreg:s7], $0x5FFFF  }
0xac: {  	[dreg:$0x1] =	wrdreg $0xFFFFFFFF  }
0xad: {  	[dreg:$0x0] =	wrdreg $0x60  }
0xae: {  	[dreg:$0x2] =	wrdreg s2  }
0xaf: {  	[dreg:$0x3] =	wrdreg s24  }
0xb0: {  	[dreg:$0x4] =	wrdreg $0xA1000  }
0xb1: {  	[dreg:$0x5] =	wrdreg $0x9  }
0xb2: {  	_ =	task.clear_ibuf [dreg:s7], $0x6FFFF;
	_ =	strace $0x90000049  }
0xb3: {  	s29 =	simm.s32 $0x9;
	_ =	strace $0x8000004B  }
0xb4: {  	_ =	swait.ge [sflag:s29], $0x1  }
0xb5: {  	[sflag:s29] =	ssyncadd.s32 $0xFFFFFFFF  }
0xb6: {  	_ =	strace $0x9000004B  }
0xb7: {  	_ =	sfence  }
0xb8: {  	s30 =	sld [smem:$0x0];
	_ =	sdelay $0x2  }
0xb9: {  	s31 =	sshll.u32 s1, $0xD;
	s1 =	sshrl.u32 s1, $0x2  }
0xba: {  	s3 =	sand.u32 $0x4000, s31;
	s1 =	sadd.s32 s1, s30  }
0xbb: {  	s0 =	sor.u32 s3, s0;
	s1 =	sshll.u32 s1, $0x11  }
0xbc: {  	s0 =	sor.u32 s1, s0  }
0xbd: {  	s0 =	sadd.s32 $0x8F2B, s0  }
0xbe: {  	[sflag:s0] =	ssyncadd.remote.s32 $0x1  }
0xbf: {  	_ =	sfence.sel $0xFFFF  }
0xc0: {  	[dreg:$0x0] =	wrdreg $0xFFFFFFFF;
	(pc) =	sbr.abs _section_cstart, $3  }
0xc1: {  	[dreg:$0x1] =	wrdreg $0xFFFFFFFF  }
0xc2: {  	_ =	task.clear_ibuf [dreg:s7], $0x2FFFF;
	_ =	strace $0x9FFFFFFF  }
0xc3: {  	(tm) =	ssettm $0x7FFFFFFF  }
tec
execute0_lowered:
.L_overlay_start_1:
0x0: {  	(tag) =	ssettag $0x1  }
0x1: {  	s0 =	srdreg.scid;
	s5 =	rddreg [dreg:$0x1]  }
0x2: {  	s12 =	stileid.u32;
	s3 =	rddreg [dreg:$0x2]  }
0x3: {  	s4 =	simm.s32 $0x0;
	s28 =	simm.s32 $0x1;
	s29 =	simm.s32 $0x3  }
0x4: {  	s30 =	simm.s32 $0x50;
	s31 =	simm.s32 $0x5100;
	s1 =	sand.u32 $0x1, s0  }
0x5: {  	s0 =	rddreg [dreg:$0x0];
	s6 =	smul.u32 $0x4E000, s12;
	s2 =	sshll.u32 s1, $0x4  }
0x6: {  	[smem:$0x7FF] =	sst s4;
	s25 =	smul.u32 $0x13800, s12;
	s2 =	sor.u32 s12, s2  }
0x7: {  	s9 =	sadd.s32 $0x2800, s5;
	s11 =	sadd.s32 $0x16400, s5;
	s2 =	smul.u32 $0x2710, s2  }
0x8: {  	s15 =	sadd.s32 $0x138000, s3;
	s13 =	smul.u32 $0x2710, s12;
	p0 =	sne.s32 s12, $0x0  }
0x9: {  	_ =	strace $0x8000004A;
	s8 =	ssub.s32 $0x2, s1;
	s2 =	sshrl.u32 s2, $0x3  }
0xa: {  	s22 =	smul.u32 $0x138800, s1;
	s6 =	sshrl.u32 s6, $0x2;
	s7 =	sadd.s32 s2, s5  }
0xb: {  	s1 =	smul.u32 $0x27100, s1;
	s5 =	sadd.s32 s6, s3;
	s17 =	sadd.s32 $0xC600, s7  }
0xc: {  	s10 =	sshrl.u32 s8, $0x1;
	s18 =	sadd.s32 $0x2800, s5;
	[dreg:$0x4] =	wrdreg s17  }
0xd: {  	s12 =	simm.s32 $0x5;
	s19 =	sadd.s32 $0x5000, s5;
	[dreg:$0x5] =	wrdreg s18  }
0xe: {  	s8 =	ssub.s32 s8, s10;
	s20 =	sadd.s32 $0x7800, s5;
	[dreg:$0x6] =	wrdreg s19  }
0xf: {  	s1 =	sadd.s32 s13, s1;
	s21 =	sadd.s32 $0xA000, s5;
	[dreg:$0x7] =	wrdreg s20  }
0x10: {  	s10 =	simm.s32 $0x8;
	s23 =	sadd.s32 $0xC800, s5;
	[dreg:$0x8] =	wrdreg s21  }
0x11: {  	s13 =	simm.s32 $0x9;
	s24 =	sadd.s32 $0xF000, s5;
	[dreg:$0x9] =	wrdreg s23  }
0x12: {  	s14 =	sadd.s32 s9, s2;
	s26 =	sadd.s32 $0x11800, s5;
	[dreg:$0xa] =	wrdreg s24  }
0x13: {  	s6 =	sshrl.u32 s22, $0x3;
	s2 =	sadd.s32 $0xA, s14;
	[dreg:$0xb] =	wrdreg s26  }
0x14: {  	s16 =	sadd.s32 $0x14, s14;
	s7 =	sadd.s32 s25, s22;
	[dreg:$0xc] =	wrdreg s2  }
0x15: {  	s22 =	sadd.s32 $0x1E0, s1;
	[dreg:$0xd] =	wrdreg s16;
	s17 =	sadd.s32 $0x1E, s14  }
0x16: {  	s7 =	sshrl.u32 s7, $0x3;
	s19 =	sadd.s32 s11, s6;
	s21 =	sadd.s32 $0x230, s1  }
0x17: {  	s1 =	sadd.s32 $0x190, s1;
	s23 =	sshrl.u32 s22, $0x3;
	s24 =	sadd.s32 $0x28, s14  }
0x18: {  	s26 =	smax.u32 s8, $0x1;
	s2 =	simm.s32 $0x2780;
	s8 =	simm.s32 $0x7  }
0x19: {  	s16 =	simm.s32 $0x6;
	[dreg:$0xe] =	wrdreg s17;
	s18 =	sadd.s32 s11, s7  }
0x1a: {  	s6 =	sshrl.u32 s21, $0x3;
	s1 =	sshrl.u32 s1, $0x3;
	[dreg:$0x10] =	wrdreg s24  }
0x1b: {  	s21 =	sadd.s32 s23, s9;
	s25 =	sadd.s32 $0x27000, s19;
	[dreg:$0x12] =	wrdreg s26  }
0x1c: {  	s26 =	simm.s32 $0x2900;
	s7 =	simm.s32 $0x2880;
	s11 =	simm.s32 $0x2  }
0x1d: {  	s17 =	simm.s32 $0xA;
	[dreg:$0xf] =	wrdreg s18;
	s20 =	sadd.s32 s6, s9  }
0x1e: {  	s22 =	sadd.s32 s1, s9;
	[dreg:$0x11] =	wrdreg s25;
	s1 =	simm.s32 $0x2800  }
0x1f: {  	v0 =	vimm.f32 $0.0e+00;
	s6 =	simm.s32 $0x7900;
	s9 =	simm.s32 $0x4;
	s18 =	simm.s32 $0x0  }
.LBB2_1:
0x20: {  	s19 =	rddreg [dreg:$0x4]  }
0x21: {  	[tilespmem:s4], [sflag:$0x1] =	stream.linear.gather [hbm4b:s19+s4], $0x2710, $0x38;
	[tilespmem:$0x1D980] =	vst v63  }
0x22: {  	s23 =	simm.s32 $0x200;
	s19 =	simm.s32 $0x0  }
.LBB2_2:
0x23: {  	p1 =	sne.s32 s23, $0x9E00;
	[tilespmem:s19+$0x2970] =	vst v0  }
0x24: {  	[tilespmem:s19+$0x2900] =	vst v0  }
0x25: {  	[tilespmem:s19+$0x2910] =	vst v0  }
.Ltmp0:
0x26: {  	[tilespmem:s19+$0x2920] =	vst v0;
	(pc) =	sbr.rel @p1 .LBB2_2-.Ltmp0, $4  }
0x27: {  	[tilespmem:s19+$0x2930] =	vst v0  }
0x28: {  	[tilespmem:s19+$0x2940] =	vst v0  }
0x29: {  	[tilespmem:s19+$0x2950] =	vst v0  }
0x2a: {  	[tilespmem:s19+$0x2960] =	vst v0;
	s19 =	sshra.s32 s23, $0x2;
	s23 =	sadd.s32 $0x200, s23  }
0x2b: {  	[tilespmem:s19+$0x2970] =	vst v0  }
0x2c: {  	[tilespmem:s19+$0x2900] =	vst v0  }
0x2d: {  	[tilespmem:s19+$0x2910] =	vst v0  }
0x2e: {  	[tilespmem:s19+$0x2920] =	vst v0  }
0x2f: {  	[tilespmem:s19+$0x2930] =	vst v0  }
0x30: {  	[tilespmem:s19+$0x2940] =	vst v0  }
0x31: {  	[tilespmem:s19+$0x2950] =	vst v0  }
0x32: {  	[tilespmem:s19+$0x2960] =	vst v0  }
0x33: {  	[spmem:s5] =	stream.linear.scatter [tilespmem:s26], [sflag:$0x3], $0x2800, $0x38;
	[tilespmem:$0x1D980] =	vst v63  }
0x34: {  	s23 =	rddreg [dreg:$0x5]  }
0x35: {  	[spmem:s23] =	stream.linear.scatter [tilespmem:s26], [sflag:$0x3], $0x2800, $0x38;
	[tilespmem:$0x1D980] =	vst v63  }
0x36: {  	s24 =	rddreg [dreg:$0x6]  }
0x37: {  	[spmem:s24] =	stream.linear.scatter [tilespmem:s26], [sflag:$0x3], $0x2800, $0x38;
	[tilespmem:$0x1D980] =	vst v63  }
0x38: {  	s25 =	rddreg [dreg:$0x7]  }
0x39: {  	[spmem:s25] =	stream.linear.scatter [tilespmem:s26], [sflag:$0x3], $0x2800, $0x38;
	[tilespmem:$0x1D980] =	vst v63  }
0x3a: {  	s23 =	rddreg [dreg:$0x8]  }
0x3b: {  	[spmem:s23] =	stream.linear.scatter [tilespmem:s26], [sflag:$0x3], $0x2800, $0x38;
	[tilespmem:$0x1D980] =	vst v63  }
0x3c: {  	s24 =	rddreg [dreg:$0x9]  }
0x3d: {  	[spmem:s24] =	stream.linear.scatter [tilespmem:s26], [sflag:$0x3], $0x2800, $0x38;
	[tilespmem:$0x1D980] =	vst v63  }
0x3e: {  	s25 =	rddreg [dreg:$0xa]  }
0x3f: {  	[spmem:s25] =	stream.linear.scatter [tilespmem:s26], [sflag:$0x3], $0x2800, $0x38;
	[tilespmem:$0x1D980] =	vst v63  }
0x40: {  	s23 =	rddreg [dreg:$0xb]  }
0x41: {  	[spmem:s23] =	stream.linear.scatter [tilespmem:s26], [sflag:$0x3], $0x2000, $0x38;
	[tilespmem:$0x1D980] =	vst v63  }
0x42: {  	s19 =	simm.s32 @!p0 $0x2900  }
0x43: {  	[spmem:s15] =	stream.linear.scatter @!p0 [tilespmem:s19], [sflag:$0xA], $0x800, $0x38;
	[tilespmem:$0x1D980] =	vst v63  }
0x44: {  	s19 =	simm.s32 @!p0 $0xA  }
0x45: {  	_ =	swait.ge @!p0 [sflag:s19], $0x800  }
0x46: {  	[sflag:s19] =	ssyncset.done @!p0 $0x0  }
0x47: {  	[sflag:s19] =	ssyncadd.s32 @!p0 $0xFFFFF800  }
0x48: {  	_ =	swait.ge [sflag:s28], $0x2710  }
0x49: {  	[sflag:s28] =	ssyncset.done $0x0  }
0x4a: {  	[sflag:s28] =	ssyncadd.s32 $0xFFFFD8F0  }
0x4b: {  	_ =	swait.ge [sflag:s29], $0x2800  }
0x4c: {  	[sflag:s29] =	ssyncset.done $0x0  }
0x4d: {  	[sflag:s29] =	ssyncadd.s32 $0xFFFFD800  }
0x4e: {  	_ =	swait.ge [sflag:s29], $0x2800  }
0x4f: {  	[sflag:s29] =	ssyncset.done $0x0  }
0x50: {  	[sflag:s29] =	ssyncadd.s32 $0xFFFFD800  }
0x51: {  	_ =	swait.ge [sflag:s29], $0x2800  }
0x52: {  	[sflag:s29] =	ssyncset.done $0x0  }
0x53: {  	[sflag:s29] =	ssyncadd.s32 $0xFFFFD800  }
0x54: {  	_ =	swait.ge [sflag:s29], $0x2800  }
0x55: {  	[sflag:s29] =	ssyncset.done $0x0  }
0x56: {  	[sflag:s29] =	ssyncadd.s32 $0xFFFFD800  }
0x57: {  	_ =	swait.ge [sflag:s29], $0x2800  }
0x58: {  	[sflag:s29] =	ssyncset.done $0x0  }
0x59: {  	[sflag:s29] =	ssyncadd.s32 $0xFFFFD800  }
0x5a: {  	_ =	swait.ge [sflag:s29], $0x2800  }
0x5b: {  	[sflag:s29] =	ssyncset.done $0x0  }
0x5c: {  	[sflag:s29] =	ssyncadd.s32 $0xFFFFD800  }
0x5d: {  	_ =	swait.ge [sflag:s29], $0x2800  }
0x5e: {  	[sflag:s29] =	ssyncset.done $0x0  }
0x5f: {  	[sflag:s29] =	ssyncadd.s32 $0xFFFFD800  }
0x60: {  	_ =	swait.ge [sflag:s29], $0x2000  }
0x61: {  	[sflag:s29] =	ssyncset.done $0x0  }
0x62: {  	[sflag:s29] =	ssyncadd.s32 $0xFFFFE000  }
0x63: {  	s19 =	simm.s32 $0x0;
	[bflag:$0x0] =	sbarrier.arrive $0xFFFF  }
0x64: {  	[tilespmem:s26], [sflag:$0x1] =	stream.indirect.gather [hbm4b:s0+s30], $0x80, s19, s30, $0xb8;
	[tilespmem:$0x1D980] =	vst v63  }
0x65: {  	_ = 	snop  }
0x66: {  	[tilespmem:s31], [sflag:$0x2] =	stream.indirect.gather [hbm4b:s0+s30], $0x80, s30, s30, $0xb8;
	[tilespmem:$0x1D980] =	vst v63  }
0x67: {  	_ = 	snop  }
0x68: {  	[tilespmem:s2], [sflag:$0x7] =	stream.linear.gather [hbm4b:s14+s19], $0x50, $0x38;
	[tilespmem:$0x1D980] =	vst v63  }
0x69: {  	s23 =	rddreg [dreg:$0xc]  }
0x6a: {  	[tilespmem:s1], [sflag:$0x8] =	stream.linear.gather [hbm4b:s23+s19], $0x50, $0x38;
	[tilespmem:$0x1D980] =	vst v63  }
0x6b: {  	s24 =	simm.s32 $0xA0  }
0x6c: {  	[tilespmem:s6], [sflag:$0x3] =	stream.indirect.gather [hbm4b:s0+s30], $0x80, s24, s30, $0xb8;
	[tilespmem:$0x1D980] =	vst v63  }
0x6d: {  	s25 =	rddreg [dreg:$0xd]  }
0x6e: {  	[tilespmem:s7], [sflag:$0x9] =	stream.linear.gather [hbm4b:s25+s19], $0x50, $0x38;
	[tilespmem:$0x1D980] =	vst v63  }
0x6f: {  	_ =	swait.ge [sflag:s8], $0x50  }
0x70: {  	[sflag:s8] =	ssyncset.done $0x0  }
0x71: {  	[sflag:s8] =	ssyncadd.s32 $0xFFFFFFB0  }
0x72: {  	_ =	swait.ge [sflag:s28], $0x2800  }
0x73: {  	[sflag:s28] =	ssyncset.done $0x0  }
0x74: {  	[sflag:s28] =	ssyncadd.s32 $0xFFFFD800  }
0x75: {  	[spmem:s3] =	stream.indirect.scatter.add.f32 [tilespmem:s26], [sflag:$0x4], $0x80, s2, s30, $0xb8;
	[tilespmem:$0x1D980] =	vst v63  }
0x76: {  	_ =	swait.ge [sflag:s9], $0x2800  }
0x77: {  	[sflag:s9] =	ssyncset.done $0x0  }
0x78: {  	s24 =	simm.s32 $0xF0;
	[sflag:s9] =	ssyncadd.s32 $0xFFFFD800  }
0x79: {  	[tilespmem:s26], [sflag:$0x1] =	stream.indirect.gather [hbm4b:s0+s30], $0x80, s24, s30, $0xb8;
	[tilespmem:$0x1D980] =	vst v63  }
0x7a: {  	s25 =	rddreg [dreg:$0xe]  }
0x7b: {  	[tilespmem:s2], [sflag:$0x7] =	stream.linear.gather [hbm4b:s25+s19], $0x50, $0x38;
	[tilespmem:$0x1D980] =	vst v63  }
0x7c: {  	_ =	swait.ge [sflag:s10], $0x50  }
0x7d: {  	[sflag:s10] =	ssyncset.done $0x0  }
0x7e: {  	[sflag:s10] =	ssyncadd.s32 $0xFFFFFFB0  }
0x7f: {  	_ =	swait.ge [sflag:s11], $0x2800  }
0x80: {  	[sflag:s11] =	ssyncset.done $0x0  }
0x81: {  	[sflag:s11] =	ssyncadd.s32 $0xFFFFD800  }
0x82: {  	[spmem:s3] =	stream.indirect.scatter.add.f32 [tilespmem:s31], [sflag:$0x5], $0x80, s1, s30, $0xb8;
	[tilespmem:$0x1D980] =	vst v63  }
0x83: {  	_ =	swait.ge [sflag:s12], $0x2800  }
0x84: {  	[sflag:s12] =	ssyncset.done $0x0  }
0x85: {  	s24 =	simm.s32 $0x140;
	[sflag:s12] =	ssyncadd.s32 $0xFFFFD800  }
0x86: {  	[tilespmem:s31], [sflag:$0x2] =	stream.indirect.gather [hbm4b:s0+s30], $0x80, s24, s30, $0xb8;
	[tilespmem:$0x1D980] =	vst v63  }
0x87: {  	s25 =	rddreg [dreg:$0x10]  }
0x88: {  	[tilespmem:s1], [sflag:$0x8] =	stream.linear.gather [hbm4b:s25+s19], $0x50, $0x38;
	[tilespmem:$0x1D980] =	vst v63  }
0x89: {  	_ =	swait.ge [sflag:s13], $0x50  }
0x8a: {  	[sflag:s13] =	ssyncset.done $0x0  }
0x8b: {  	[sflag:s13] =	ssyncadd.s32 $0xFFFFFFB0  }
0x8c: {  	_ =	swait.ge [sflag:s29], $0x2800  }
0x8d: {  	[sflag:s29] =	ssyncset.done $0x0  }
0x8e: {  	[sflag:s29] =	ssyncadd.s32 $0xFFFFD800  }
0x8f: {  	[spmem:s3] =	stream.indirect.scatter.add.f32 [tilespmem:s6], [sflag:$0x6], $0x80, s7, s30, $0xb8;
	[tilespmem:$0x1D980] =	vst v63  }
0x90: {  	_ =	swait.ge [sflag:s16], $0x2800  }
0x91: {  	[sflag:s16] =	ssyncset.done $0x0  }
0x92: {  	s23 =	simm.s32 $0x190;
	[sflag:s16] =	ssyncadd.s32 $0xFFFFD800  }
0x93: {  	[tilespmem:s6], [sflag:$0x3] =	stream.indirect.gather [hbm4b:s0+s30], $0x80, s23, s30, $0xb8;
	[tilespmem:$0x1D980] =	vst v63  }
0x94: {  	s24 =	sadd.s32 $0x0, s22  }
0x95: {  	[tilespmem:s7], [sflag:$0x9] =	stream.linear.gather [hbm4b:s24+s4], $0x50, $0x38;
	[tilespmem:$0x1D980] =	vst v63  }
0x96: {  	_ =	swait.ge [sflag:s8], $0x50  }
0x97: {  	[sflag:s8] =	ssyncset.done $0x0  }
0x98: {  	[sflag:s8] =	ssyncadd.s32 $0xFFFFFFB0  }
0x99: {  	_ =	swait.ge [sflag:s28], $0x2800  }
0x9a: {  	[sflag:s28] =	ssyncset.done $0x0  }
0x9b: {  	[sflag:s28] =	ssyncadd.s32 $0xFFFFD800  }
0x9c: {  	[spmem:s3] =	stream.indirect.scatter.add.f32 [tilespmem:s26], [sflag:$0x4], $0x80, s2, s30, $0xb8;
	[tilespmem:$0x1D980] =	vst v63  }
0x9d: {  	_ =	swait.ge [sflag:s9], $0x2800  }
0x9e: {  	[sflag:s9] =	ssyncset.done $0x0  }
0x9f: {  	s25 =	simm.s32 $0x1E0;
	[sflag:s9] =	ssyncadd.s32 $0xFFFFD800  }
0xa0: {  	[tilespmem:s26], [sflag:$0x1] =	stream.indirect.gather [hbm4b:s0+s30], $0x80, s25, s30, $0xb8;
	[tilespmem:$0x1D980] =	vst v63  }
0xa1: {  	s23 =	sadd.s32 $0x0, s21  }
0xa2: {  	[tilespmem:s2], [sflag:$0x7] =	stream.linear.gather [hbm4b:s23+s4], $0x50, $0x38;
	[tilespmem:$0x1D980] =	vst v63  }
0xa3: {  	_ =	swait.ge [sflag:s10], $0x50  }
0xa4: {  	[sflag:s10] =	ssyncset.done $0x0  }
0xa5: {  	[sflag:s10] =	ssyncadd.s32 $0xFFFFFFB0  }
0xa6: {  	_ =	swait.ge [sflag:s11], $0x2800  }
0xa7: {  	[sflag:s11] =	ssyncset.done $0x0  }
0xa8: {  	[sflag:s11] =	ssyncadd.s32 $0xFFFFD800  }
0xa9: {  	[spmem:s3] =	stream.indirect.scatter.add.f32 [tilespmem:s31], [sflag:$0x5], $0x80, s1, s30, $0xb8;
	[tilespmem:$0x1D980] =	vst v63  }
0xaa: {  	_ =	swait.ge [sflag:s12], $0x2800  }
0xab: {  	[sflag:s12] =	ssyncset.done $0x0  }
0xac: {  	s24 =	simm.s32 $0x230;
	[sflag:s12] =	ssyncadd.s32 $0xFFFFD800  }
0xad: {  	[tilespmem:s31], [sflag:$0x2] =	stream.indirect.gather [hbm4b:s0+s30], $0x80, s24, s30, $0xb8;
	[tilespmem:$0x1D980] =	vst v63  }
0xae: {  	s25 =	sadd.s32 $0x0, s20  }
0xaf: {  	[tilespmem:s1], [sflag:$0x8] =	stream.linear.gather [hbm4b:s25+s4], $0x50, $0x38;
	[tilespmem:$0x1D980] =	vst v63  }
0xb0: {  	_ =	swait.ge [sflag:s13], $0x50  }
0xb1: {  	[sflag:s13] =	ssyncset.done $0x0  }
0xb2: {  	[sflag:s13] =	ssyncadd.s32 $0xFFFFFFB0  }
0xb3: {  	_ =	swait.ge [sflag:s29], $0x2800  }
0xb4: {  	[sflag:s29] =	ssyncset.done $0x0  }
0xb5: {  	s19 =	simm.s32 $0x1E;
	s23 =	simm.s32 $0x320;
	[sflag:s29] =	ssyncadd.s32 $0xFFFFD800  }
.LBB2_4:
0xb6: {  	[spmem:s3] =	stream.indirect.scatter.add.f32 [tilespmem:s6], [sflag:$0x6], $0x80, s7, s30, $0xb8;
	[tilespmem:$0x1D980] =	vst v63  }
0xb7: {  	s24 =	smov.u32 s19  }
0xb8: {  	p1 =	sne.s32 s19, $0x492;
	s19 =	sadd.s32 $0x1E, s19;
	_ =	swait.ge [sflag:s16], $0x2800  }
0xb9: {  	[sflag:s16] =	ssyncset.done $0x0  }
0xba: {  	s25 =	sadd.s32 $0xFFFFFF60, s23;
	[sflag:s16] =	ssyncadd.s32 $0xFFFFD800  }
0xbb: {  	[tilespmem:s6], [sflag:$0x3] =	stream.indirect.gather [hbm4b:s0+s30], $0x80, s25, s30, $0xb8;
	[tilespmem:$0x1D980] =	vst v63  }
0xbc: {  	s25 =	sadd.s32 s24, s22  }
0xbd: {  	[tilespmem:s7], [sflag:$0x9] =	stream.linear.gather [hbm4b:s25+s4], $0x50, $0x38;
	[tilespmem:$0x1D980] =	vst v63  }
0xbe: {  	_ =	swait.ge [sflag:s8], $0x50  }
0xbf: {  	[sflag:s8] =	ssyncset.done $0x0  }
0xc0: {  	[sflag:s8] =	ssyncadd.s32 $0xFFFFFFB0  }
0xc1: {  	_ =	swait.ge [sflag:s28], $0x2800  }
0xc2: {  	[sflag:s28] =	ssyncset.done $0x0  }
0xc3: {  	[sflag:s28] =	ssyncadd.s32 $0xFFFFD800  }
0xc4: {  	[spmem:s3] =	stream.indirect.scatter.add.f32 [tilespmem:s26], [sflag:$0x4], $0x80, s2, s30, $0xb8;
	[tilespmem:$0x1D980] =	vst v63  }
0xc5: {  	_ =	swait.ge [sflag:s9], $0x2800  }
0xc6: {  	[sflag:s9] =	ssyncset.done $0x0  }
0xc7: {  	s25 =	sadd.s32 $0xFFFFFFB0, s23;
	[sflag:s9] =	ssyncadd.s32 $0xFFFFD800  }
0xc8: {  	[tilespmem:s26], [sflag:$0x1] =	stream.indirect.gather [hbm4b:s0+s30], $0x80, s25, s30, $0xb8;
	[tilespmem:$0x1D980] =	vst v63  }
0xc9: {  	s25 =	sadd.s32 s24, s21  }
0xca: {  	[tilespmem:s2], [sflag:$0x7] =	stream.linear.gather [hbm4b:s25+s4], $0x50, $0x38;
	[tilespmem:$0x1D980] =	vst v63  }
0xcb: {  	_ =	swait.ge [sflag:s10], $0x50  }
0xcc: {  	[sflag:s10] =	ssyncset.done $0x0  }
0xcd: {  	[sflag:s10] =	ssyncadd.s32 $0xFFFFFFB0  }
0xce: {  	_ =	swait.ge [sflag:s11], $0x2800  }
0xcf: {  	[sflag:s11] =	ssyncset.done $0x0  }
0xd0: {  	[sflag:s11] =	ssyncadd.s32 $0xFFFFD800  }
0xd1: {  	[spmem:s3] =	stream.indirect.scatter.add.f32 [tilespmem:s31], [sflag:$0x5], $0x80, s1, s30, $0xb8;
	[tilespmem:$0x1D980] =	vst v63  }
0xd2: {  	_ =	swait.ge [sflag:s12], $0x2800  }
0xd3: {  	[sflag:s12] =	ssyncset.done $0x0  }
0xd4: {  	[sflag:s12] =	ssyncadd.s32 $0xFFFFD800  }
0xd5: {  	[tilespmem:s31], [sflag:$0x2] =	stream.indirect.gather [hbm4b:s0+s30], $0x80, s23, s30, $0xb8;
	[tilespmem:$0x1D980] =	vst v63  }
0xd6: {  	s24 =	sadd.s32 s24, s20  }
0xd7: {  	[tilespmem:s1], [sflag:$0x8] =	stream.linear.gather [hbm4b:s24+s4], $0x50, $0x38;
	[tilespmem:$0x1D980] =	vst v63  }
0xd8: {  	_ =	swait.ge [sflag:s13], $0x50  }
.Ltmp1:
0xd9: {  	[sflag:s13] =	ssyncset.done $0x0;
	(pc) =	sbr.rel @p1 .LBB2_4-.Ltmp1, $4  }
0xda: {  	[sflag:s13] =	ssyncadd.s32 $0xFFFFFFB0  }
0xdb: {  	_ =	swait.ge [sflag:s29], $0x2800  }
0xdc: {  	[sflag:s29] =	ssyncset.done $0x0  }
0xdd: {  	s23 =	sadd.s32 $0xF0, s23;
	[sflag:s29] =	ssyncadd.s32 $0xFFFFD800  }
0xde: {  	[spmem:s3] =	stream.indirect.scatter.add.f32 [tilespmem:s6], [sflag:$0x6], $0x80, s7, s30, $0xb8;
	[tilespmem:$0x1D980] =	vst v63  }
0xdf: {  	_ =	swait.ge [sflag:s16], $0x2800  }
0xe0: {  	[sflag:s16] =	ssyncset.done $0x0  }
0xe1: {  	[sflag:s16] =	ssyncadd.s32 $0xFFFFD800  }
0xe2: {  	_ =	swait.ge [sflag:s8], $0x50  }
0xe3: {  	[sflag:s8] =	ssyncset.done $0x0  }
0xe4: {  	[sflag:s8] =	ssyncadd.s32 $0xFFFFFFB0  }
0xe5: {  	_ =	swait.ge [sflag:s28], $0x2800  }
0xe6: {  	[sflag:s28] =	ssyncset.done $0x0  }
0xe7: {  	[sflag:s28] =	ssyncadd.s32 $0xFFFFD800  }
0xe8: {  	[spmem:s3] =	stream.indirect.scatter.add.f32 [tilespmem:s26], [sflag:$0x4], $0x80, s2, s30, $0xb8;
	[tilespmem:$0x1D980] =	vst v63  }
0xe9: {  	_ =	swait.ge [sflag:s9], $0x2800  }
0xea: {  	[sflag:s9] =	ssyncset.done $0x0  }
0xeb: {  	[sflag:s9] =	ssyncadd.s32 $0xFFFFD800  }
0xec: {  	_ =	swait.ge [sflag:s10], $0x50  }
0xed: {  	[sflag:s10] =	ssyncset.done $0x0  }
0xee: {  	[sflag:s10] =	ssyncadd.s32 $0xFFFFFFB0  }
0xef: {  	_ =	swait.ge [sflag:s11], $0x2800  }
0xf0: {  	[sflag:s11] =	ssyncset.done $0x0  }
0xf1: {  	[sflag:s11] =	ssyncadd.s32 $0xFFFFD800  }
0xf2: {  	[spmem:s3] =	stream.indirect.scatter.add.f32 [tilespmem:s31], [sflag:$0x5], $0x80, s1, s30, $0xb8;
	[tilespmem:$0x1D980] =	vst v63  }
0xf3: {  	_ =	swait.ge [sflag:s12], $0x2800  }
0xf4: {  	[sflag:s12] =	ssyncset.done $0x0  }
0xf5: {  	s19 =	stileid.u32;
	[sflag:s12] =	ssyncadd.s32 $0xFFFFD800  }
0xf6: {  	s19 =	sshll.u32 s19, $0x6;
	[bflag:$0x0] =	sbarrier.arrive $0xFFFF  }
0xf7: {  	s23 =	sshrl.u32 s5, $0x3;
	s19 =	sor.u32 $0x1C0A, s19;
	s24 =	rddreg [dreg:$0xf]  }
0xf8: {  	[hbm:s24], [sflag:s19] =	dma.local [spmem:s23], $0x2700  }
0xf9: {  	_ =	swait.ge [sflag:s17], $0x2700  }
0xfa: {  	[sflag:s17] =	ssyncset.done $0x0  }
0xfb: {  	s23 =	sshrl.u32 @!p0 s15, $0x3;
	s24 =	rddreg [dreg:$0x11];
	[sflag:s17] =	ssyncadd.s32 $0xFFFFD900  }
0xfc: {  	[hbm:s24], [sflag:s19] =	dma.local @!p0 [spmem:s23], $0x100  }
0xfd: {  	s19 =	simm.s32 @!p0 $0xA  }
0xfe: {  	_ =	swait.ge @!p0 [sflag:s19], $0x100  }
0xff: {  	s18 =	sadd.s32 $0x1, s18;
	s25 =	rddreg [dreg:$0x12]  }
0x100: {  	p1 =	sne.s32 s18, s25  }
.Ltmp2:
0x101: {  	_ = 	snop;
	(pc) =	sbr.rel @p1 .LBB2_1-.Ltmp2, $3  }
0x102: {  	_ =	sdelay $0x1  }
0x103: {  	[sflag:s19] =	ssyncset.done @!p0 $0x0  }
0x104: {  	[sflag:s19] =	ssyncadd.s32 @!p0 $0xFFFFFF00  }
0x105: {  	_ =	sfence.sel $0x180000  }
0x106: {  	[bflag:$0x0] =	sbarrier.arrive $0xFFFF  }
0x107: {  	_ =	strace $0x9000004A  }
0x108: {  	[bflag:$0x2] =	sbarrier.arrive $0xFFFF  }
0x109: {  	s0 =	rddreg [dreg:$0x3]  }
0x10a: {  	s0 =	sadd.s32 @!p0 $0x100000, s0  }
0x10b: {  	[sflag:s0] =	ssyncadd.tile.s32 @!p0 $0x1;
	_ =	shalt  }
.Lfunc_end2:
_tile_overlayer_lowered:
.L_overlay_start_2:
0x10c: {  	(tag) =	ssettag $0x2  }
0x10d: {  	s0 =	rddreg [dreg:$0x0];
	s2 =	stileid.u32  }
0x10e: {  	s1 =	rddreg [dreg:$0x1];
	p0 =	sne.s32 s2, $0x0  }
0x10f: {  	s3 =	rddreg [dreg:$0x2];
	[bflag:$0x3] =	sbarrier.arrive $0xFFFF;
	s2 =	simm.s32 @!p0 $0x1C0A  }
0x110: {  	[timem:s3], [sflag:s2] =	dma.local @!p0 [hbm:s0], s1  }
0x111: {  	s0 =	simm.s32 @!p0 $0xA  }
0x112: {  	_ =	swait.ge @!p0 [sflag:s0], s1  }
0x113: {  	s1 =	ssub.s32 @!p0 $0x0, s1;
	[sflag:s0] =	ssyncset.done @!p0 $0x0  }
0x114: {  	[sflag:s0] =	ssyncadd.s32 @!p0 s1  }
0x115: {  	[bflag:$0x3] =	sbarrier.arrive $0xFFFF  }
0x116: {  	_ =	shalt  }

</sc_bundles>
